<compile_context>
chip_gen: v7x
topology: tpu7x:2x2x1
jax: 0.10.2.dev20260603
libtpu: 0.0.44.dev20260713+nightly
codegen_flags: <defaults>
</compile_context>

<pallas_src>
import functools
import jax
import jax.numpy as jnp
from jax import lax
from jax.experimental import pallas as pl
from jax.experimental.pallas import tpu as pltpu
from jax.experimental.pallas import tpu_sc as plsc

NEG = 0.2
NN = 10000
EE = 160000
LL = 16
NC = 2
NS = 16
NP = 10240
ROWS_PER_TEC = NP // NS


def _lrelu(x):
    return jnp.where(x > 0, x, NEG * x)


def _tc1_body(x_ref, w1_ref, as_m_ref, ad_m_ref,
              h_ref, as_ref, ad_ref, ms_ref, md_ref):
    i = pl.program_id(0)
    h = jnp.dot(x_ref[...], w1_ref[...], preferred_element_type=jnp.float32)
    h_ref[...] = h
    a_s = jnp.dot(h, as_m_ref[...], preferred_element_type=jnp.float32)
    a_d = jnp.dot(h, ad_m_ref[...], preferred_element_type=jnp.float32)
    as_ref[...] = a_s
    ad_ref[...] = a_d

    @pl.when(i == 0)
    def _():
        ms_ref[...] = jnp.full((1, LL), -1e30, jnp.float32)
        md_ref[...] = jnp.full((1, LL), -1e30, jnp.float32)

    ms_ref[...] = jnp.maximum(ms_ref[...], jnp.max(a_s, axis=0, keepdims=True))
    md_ref[...] = jnp.maximum(md_ref[...], jnp.max(a_d, axis=0, keepdims=True))


def _tc1(x, W1, As_m, Ad_m, block=1000):
    g = NN // block
    return pl.pallas_call(
        _tc1_body,
        grid=(g,),
        in_specs=[
            pl.BlockSpec((block, 128), lambda i: (i, 0)),
            pl.BlockSpec((128, 320), lambda i: (0, 0)),
            pl.BlockSpec((320, LL), lambda i: (0, 0)),
            pl.BlockSpec((320, LL), lambda i: (0, 0)),
        ],
        out_specs=[
            pl.BlockSpec((block, 320), lambda i: (i, 0)),
            pl.BlockSpec((block, LL), lambda i: (i, 0)),
            pl.BlockSpec((block, LL), lambda i: (i, 0)),
            pl.BlockSpec((1, LL), lambda i: (0, 0)),
            pl.BlockSpec((1, LL), lambda i: (0, 0)),
        ],
        out_shape=[
            jax.ShapeDtypeStruct((NN, 320), jnp.float32),
            jax.ShapeDtypeStruct((NN, LL), jnp.float32),
            jax.ShapeDtypeStruct((NN, LL), jnp.float32),
            jax.ShapeDtypeStruct((1, LL), jnp.float32),
            jax.ShapeDtypeStruct((1, LL), jnp.float32),
        ],
    )(x, W1, As_m, Ad_m)


def _subchunks(B):
    subs, off = [], 0
    while off < B:
        sz = min(128, B - off)
        subs.append((off, sz))
        off += sz
    return subs


def _sc_edge_body(D, HLOC, B, CHUNKS, NBUF,
                  hcat, srcA, srcB, dstA, dstB, as_cat, ad_cat, msmd, zmsg,
                  zden,
                  msg_out, den_out,
                  msg_sh, den_sh,
                  src_v, srch_v, dsth_v, rows_v, as_v, ad_v, w_v,
                  msmd_v, dst_subs, sem1, sem2, sem3):
    c = lax.axis_index("c")
    s = lax.axis_index("s")
    subs = _subchunks(B)

    r0 = s * ROWS_PER_TEC
    pltpu.sync_copy(zmsg, msg_sh.at[pl.ds(r0, ROWS_PER_TEC)])
    pltpu.sync_copy(zden, den_sh.at[pl.ds(r0, ROWS_PER_TEC)])

    pltpu.sync_copy(msmd, msmd_v)
    csum0 = msmd_v[0, :] + msmd_v[2, :]
    csum1 = msmd_v[1, :] + msmd_v[3, :]
    csum = jnp.where(c == 0, csum0, csum1)
    cvec = jnp.maximum(_lrelu(csum), 0.0)

    plsc.subcore_barrier()

    if HLOC == 5:
        tec_edges = EE // NS
        edge_base0 = s * tec_edges
    else:
        tec_edges = EE // (NC * NS)
        edge_base0 = c * (EE // NC) + s * tec_edges

    boff = c * EE

    def load_idx(p, k):
        base = edge_base0 + k * B
        pltpu.sync_copy(srcA.at[pl.ds(base, B)], src_v[p])
        pltpu.sync_copy(srcB.at[pl.ds(boff + base, B)], srch_v[p])
        pltpu.sync_copy(dstB.at[pl.ds(boff + base, B)], dsth_v[p])
        for t, (off, sz) in enumerate(subs):
            pltpu.sync_copy(dstA.at[pl.ds(base + off, sz)], dst_subs[p][t])

    def gather_cps(p):
        hidx = srch_v[p] if HLOC == 5 else src_v[p]
        cps = []
        for off, sz in subs:
            cps.append((hcat.at[hidx.at[pl.ds(off, sz)]],
                        rows_v[p].at[pl.ds(off, sz)], sem1[p]))
            cps.append((as_cat.at[srch_v[p].at[pl.ds(off, sz)]],
                        as_v[p].at[pl.ds(off, sz)], sem2[p]))
            cps.append((ad_cat.at[dsth_v[p].at[pl.ds(off, sz)]],
                        ad_v[p].at[pl.ds(off, sz)], sem3[p]))
        return cps

    def fire(p):
        for a, b, sm in gather_cps(p):
            pltpu.async_copy(a, b, sm)

    def drain(p):
        for a, b, sm in gather_cps(p):
            pltpu.make_async_copy(a, b, sm).wait()

    def compute_scatter(p):
        def edge_body(i, _):
            lg = as_v[p][i, :] + ad_v[p][i, :]
            w = jnp.exp(_lrelu(lg) - cvec)
            w_v[p][i, :] = w
            for hh in range(HLOC):
                wsc = w[hh]
                for q in range(2):
                    off = hh * 32 + q * LL
                    rows_v[p][i, pl.ds(off, LL)] = (
                        rows_v[p][i, pl.ds(off, LL)] * wsc)
            return 0

        lax.fori_loop(0, B, edge_body, 0, unroll=2)
        for t, (off, sz) in enumerate(subs):
            pltpu.sync_copy(w_v[p].at[pl.ds(off, sz)],
                            den_sh.at[dst_subs[p][t]], add=True)
            pltpu.sync_copy(rows_v[p].at[pl.ds(off, sz)],
                            msg_sh.at[dst_subs[p][t]], add=True)

    if NBUF == 1:
        def chunk_body(k, _):
            load_idx(0, k)
            fire(0)
            drain(0)
            compute_scatter(0)
            return 0

        lax.fori_loop(0, CHUNKS, chunk_body, 0)
    else:
        pairs = (CHUNKS - 1) // 2
        load_idx(0, 0)
        fire(0)

        def pair_body(j, _):
            load_idx(1, 2 * j + 1)
            fire(1)
            drain(0)
            compute_scatter(0)
            load_idx(0, 2 * j + 2)
            fire(0)
            drain(1)
            compute_scatter(1)
            return 0

        lax.fori_loop(0, pairs, pair_body, 0)
        drain(0)
        compute_scatter(0)
        if CHUNKS % 2 == 0:
            load_idx(1, CHUNKS - 1)
            fire(1)
            drain(1)
            compute_scatter(1)

    plsc.subcore_barrier()

    orow = c * NP + r0
    pltpu.sync_copy(msg_sh.at[pl.ds(r0, ROWS_PER_TEC)],
                    msg_out.at[pl.ds(orow, ROWS_PER_TEC)])
    pltpu.sync_copy(den_sh.at[pl.ds(r0, ROWS_PER_TEC)],
                    den_out.at[pl.ds(orow, ROWS_PER_TEC)])


def _sc_edge(hcat, srcA, srcB, dstA, dstB, as_cat, ad_cat, msmd,
             D, HLOC, B, CHUNKS, NBUF):
    mesh = plsc.VectorSubcoreMesh(core_axis_name="c", subcore_axis_name="s")
    zmsg = jnp.zeros((ROWS_PER_TEC, D), jnp.float32)
    zden = jnp.zeros((ROWS_PER_TEC, LL), jnp.float32)
    body = functools.partial(_sc_edge_body, D, HLOC, B, CHUNKS, NBUF)
    fn = pl.kernel(
        body,
        out_type=[
            jax.ShapeDtypeStruct((NC * NP, D), jnp.float32),
            jax.ShapeDtypeStruct((NC * NP, LL), jnp.float32),
        ],
        mesh=mesh,
        scratch_types=[
            pltpu.VMEM_SHARED((NP, D), jnp.float32),
            pltpu.VMEM_SHARED((NP, LL), jnp.float32),
            [pltpu.VMEM((B,), jnp.int32) for _ in range(NBUF)],
            [pltpu.VMEM((B,), jnp.int32) for _ in range(NBUF)],
            [pltpu.VMEM((B,), jnp.int32) for _ in range(NBUF)],
            [pltpu.VMEM((B, D), jnp.float32) for _ in range(NBUF)],
            [pltpu.VMEM((B, LL), jnp.float32) for _ in range(NBUF)],
            [pltpu.VMEM((B, LL), jnp.float32) for _ in range(NBUF)],
            [pltpu.VMEM((B, LL), jnp.float32) for _ in range(NBUF)],
            pltpu.VMEM((4, LL), jnp.float32),
            [[pltpu.VMEM((sz,), jnp.int32) for _, sz in _subchunks(B)]
             for _ in range(NBUF)],
            [pltpu.SemaphoreType.DMA for _ in range(NBUF)],
            [pltpu.SemaphoreType.DMA for _ in range(NBUF)],
            [pltpu.SemaphoreType.DMA for _ in range(NBUF)],
        ],
        compiler_params=pltpu.CompilerParams(use_tc_tiling_on_sc=False),
    )
    return fn(hcat, srcA, srcB, dstA, dstB, as_cat, ad_cat, msmd, zmsg, zden)


def _tc2_body(msg_ref, den_ref, h_ref, as_ref, ad_ref, ms_ref, md_ref,
              b1_ref, w2_ref, as2m_ref, ad2m_ref, r1_ref,
              h2_ref, as2_ref, ad2_ref, ms2_ref, md2_ref):
    i = pl.program_id(0)
    csum = ms_ref[...] + md_ref[...]
    c1 = jnp.maximum(_lrelu(csum), 0.0)
    sl = _lrelu(as_ref[...] + ad_ref[...])
    wself = jnp.exp(sl - c1)
    dt = den_ref[...] + wself
    wb = jnp.dot(wself, r1_ref[...], preferred_element_type=jnp.float32)
    db = jnp.dot(dt, r1_ref[...], preferred_element_type=jnp.float32)
    msgt = msg_ref[...] + h_ref[...] * wb
    o1 = msgt / jnp.clip(db, 1e-16) + b1_ref[...]
    h1 = jnp.where(o1 > 0, o1, jnp.exp(jnp.minimum(o1, 0.0)) - 1.0)
    h2p = jnp.dot(h1, w2_ref[...], preferred_element_type=jnp.float32)
    h2_ref[...] = h2p
    a_s2 = jnp.dot(h2p, as2m_ref[...], preferred_element_type=jnp.float32)
    a_d2 = jnp.dot(h2p, ad2m_ref[...], preferred_element_type=jnp.float32)
    as2_ref[...] = a_s2
    ad2_ref[...] = a_d2

    @pl.when(i == 0)
    def _():
        ms2_ref[...] = jnp.full((1, LL), -1e30, jnp.float32)
        md2_ref[...] = jnp.full((1, LL), -1e30, jnp.float32)

    ms2_ref[...] = jnp.maximum(ms2_ref[...], jnp.max(a_s2, 0, keepdims=True))
    md2_ref[...] = jnp.maximum(md2_ref[...], jnp.max(a_d2, 0, keepdims=True))


def _tc2(msg1, den1, h, a_s1, a_d1, ms1, md1, b1, W2, As2_m, Ad2_m, R1,
         block=1000):
    g = NN // block
    cst = lambda i: (0, 0)
    blk = lambda i: (i, 0)
    return pl.pallas_call(
        _tc2_body,
        grid=(g,),
        in_specs=[
            pl.BlockSpec((block, 320), blk),
            pl.BlockSpec((block, LL), blk),
            pl.BlockSpec((block, 320), blk),
            pl.BlockSpec((block, LL), blk),
            pl.BlockSpec((block, LL), blk),
            pl.BlockSpec((1, LL), cst),
            pl.BlockSpec((1, LL), cst),
            pl.BlockSpec((1, 320), cst),
            pl.BlockSpec((320, 32), cst),
            pl.BlockSpec((32, LL), cst),
            pl.BlockSpec((32, LL), cst),
            pl.BlockSpec((LL, 320), cst),
        ],
        out_specs=[
            pl.BlockSpec((block, 32), blk),
            pl.BlockSpec((block, LL), blk),
            pl.BlockSpec((block, LL), blk),
            pl.BlockSpec((1, LL), cst),
            pl.BlockSpec((1, LL), cst),
        ],
        out_shape=[
            jax.ShapeDtypeStruct((NN, 32), jnp.float32),
            jax.ShapeDtypeStruct((NN, LL), jnp.float32),
            jax.ShapeDtypeStruct((NN, LL), jnp.float32),
            jax.ShapeDtypeStruct((1, LL), jnp.float32),
            jax.ShapeDtypeStruct((1, LL), jnp.float32),
        ],
    )(msg1, den1, h, a_s1, a_d1, ms1, md1, b1, W2, As2_m, Ad2_m, R1)


def _tc3_body(ma_ref, mb_ref, da_ref, db_ref, h2_ref, as_ref, ad_ref,
              ms_ref, md_ref, b2_ref, r2_ref, wfc_ref, bfc_ref, out_ref):
    i = pl.program_id(0)
    ng = pl.num_programs(0)
    csum = ms_ref[...] + md_ref[...]
    c2 = jnp.maximum(_lrelu(csum), 0.0)
    sl = _lrelu(as_ref[...] + ad_ref[...])
    wself = jnp.exp(sl - c2)
    dt = da_ref[...] + db_ref[...] + wself
    wb = jnp.dot(wself, r2_ref[...], preferred_element_type=jnp.float32)
    dbb = jnp.dot(dt, r2_ref[...], preferred_element_type=jnp.float32)
    msgt = ma_ref[...] + mb_ref[...] + h2_ref[...] * wb
    o2 = msgt / jnp.clip(dbb, 1e-16) + b2_ref[...]
    h2 = jnp.where(o2 > 0, o2, jnp.exp(jnp.minimum(o2, 0.0)) - 1.0)
    m = jnp.max(h2, axis=0, keepdims=True)

    @pl.when(i == 0)
    def _():
        out_ref[...] = jnp.full((1, 32), -1e30, jnp.float32)

    out_ref[...] = jnp.maximum(out_ref[...], m)

    @pl.when(i == ng - 1)
    def _():
        pooled = out_ref[...]
        fc = jnp.dot(pooled, wfc_ref[...],
                     preferred_element_type=jnp.float32) + bfc_ref[...]
        out_ref[...] = jnp.maximum(fc, 0.0)


def _tc3(ma, mb, da, db, h2p, as2, ad2, ms2, md2, b2, R2, Wfc, bfc,
         block=1000):
    g = NN // block
    cst = lambda i: (0, 0)
    blk = lambda i: (i, 0)
    return pl.pallas_call(
        _tc3_body,
        grid=(g,),
        in_specs=[
            pl.BlockSpec((block, 32), blk),
            pl.BlockSpec((block, 32), blk),
            pl.BlockSpec((block, LL), blk),
            pl.BlockSpec((block, LL), blk),
            pl.BlockSpec((block, 32), blk),
            pl.BlockSpec((block, LL), blk),
            pl.BlockSpec((block, LL), blk),
            pl.BlockSpec((1, LL), cst),
            pl.BlockSpec((1, LL), cst),
            pl.BlockSpec((1, 32), cst),
            pl.BlockSpec((LL, 32), cst),
            pl.BlockSpec((32, 32), cst),
            pl.BlockSpec((1, 32), cst),
        ],
        out_specs=pl.BlockSpec((1, 32), cst),
        out_shape=jax.ShapeDtypeStruct((1, 32), jnp.float32),
    )(ma, mb, da, db, h2p, as2, ad2, ms2, md2, b2, R2, Wfc, bfc)


def kernel(x, edge_index, W1, a_s1, a_d1, b1, W2, a_s2, a_d2, b2, Wfc, bfc):
    f32 = jnp.float32
    srcE = edge_index[0].astype(jnp.int32)
    dstE = edge_index[1].astype(jnp.int32)
    srcB = jnp.concatenate([srcE, srcE + NN])
    dstB = jnp.concatenate([dstE, dstE + NN])

    heads320 = jnp.repeat(jnp.arange(10, dtype=jnp.int32), 32)
    As1_m = jnp.zeros((320, LL), f32).at[jnp.arange(320), heads320].set(
        a_s1.reshape(320))
    Ad1_m = jnp.zeros((320, LL), f32).at[jnp.arange(320), heads320].set(
        a_d1.reshape(320))
    As2_m = jnp.zeros((32, LL), f32).at[:, 0].set(a_s2.reshape(32))
    Ad2_m = jnp.zeros((32, LL), f32).at[:, 0].set(a_d2.reshape(32))
    R1 = jnp.zeros((LL, 320), f32).at[heads320, jnp.arange(320)].set(1.0)
    R2 = jnp.zeros((LL, 32), f32).at[0, :].set(1.0)

    h, a_s, a_d, ms1, md1 = _tc1(x, W1, As1_m, Ad1_m)
    shift5 = lambda a: jnp.concatenate(
        [a[:, 5:], jnp.zeros((a.shape[0], 5), f32)], axis=1)
    hcat = jnp.concatenate([h[:, :160], h[:, 160:]], axis=0)
    as_cat = jnp.concatenate([a_s, shift5(a_s)], axis=0)
    ad_cat = jnp.concatenate([a_d, shift5(a_d)], axis=0)
    msmd1 = jnp.concatenate([ms1, shift5(ms1), md1, shift5(md1)], axis=0)
    msg1_2, den1_2 = _sc_edge(hcat, srcE, srcB, dstE, dstB, as_cat, ad_cat,
                              msmd1,
                              D=160, HLOC=5, B=80,
                              CHUNKS=(EE // NS) // 80, NBUF=1)
    msg1 = jnp.concatenate([msg1_2[:NN], msg1_2[NP:NP + NN]], axis=1)
    den1 = den1_2[:NN]

    h2p, as2v, ad2v, ms2, md2 = _tc2(
        msg1, den1, h, a_s, a_d, ms1, md1, b1.reshape(1, 320), W2,
        As2_m, Ad2_m, R1)

    as2_cat = jnp.concatenate([as2v, as2v], axis=0)
    ad2_cat = jnp.concatenate([ad2v, ad2v], axis=0)
    msmd2 = jnp.concatenate([ms2, ms2, md2, md2], axis=0)
    msg2_2, den2_2 = _sc_edge(h2p, srcE, srcB, dstE, dstB, as2_cat, ad2_cat,
                              msmd2,
                              D=32, HLOC=1, B=200,
                              CHUNKS=(EE // (NC * NS)) // 200, NBUF=2)

    out = _tc3(msg2_2[:NN], msg2_2[NP:NP + NN], den2_2[:NN], den2_2[NP:NP + NN],
               h2p, as2v, ad2v, ms2, md2, b2.reshape(1, 32), R2, Wfc,
               bfc.reshape(1, 32))
    return out

# --- scband reference (transcript-rebuilt; emitter-appended) ---
"""Pipeline reference for scband-graph-attention-network-57612691309001 (READ-ONLY COPY).

The authoritative reference and input builder live on the scoring server;
editing this copy changes nothing except your own understanding.
"""

import jax, jax.numpy as jnp
import numpy as np

N = 10000
E = 160000
IN = 128
OUT = 32
H = 10


def gat_conv(x, edge_index, W, att_src, att_dst, bias, negative_slope=0.2):
    n = x.shape[0]
    h_, c_ = att_src.shape[1], att_src.shape[2]
    # add self-loops (torch_geometric GATConv default add_self_loops=True)
    loop = jnp.arange(n, dtype=edge_index.dtype)
    src = jnp.concatenate([edge_index[0], loop])
    dst = jnp.concatenate([edge_index[1], loop])
    h = (x @ W).reshape(n, h_, c_)
    a_src = (h * att_src).sum(-1)  # [N,H]
    a_dst = (h * att_dst).sum(-1)  # [N,H]
    alpha = a_src[src] + a_dst[dst]  # [Etot,H]
    alpha = jax.nn.leaky_relu(alpha, negative_slope)
    amax = jax.ops.segment_max(alpha, dst, num_segments=n)
    amax = jnp.where(jnp.isfinite(amax), amax, 0.0)
    alpha = jnp.exp(alpha - amax[dst])
    denom = jax.ops.segment_sum(alpha, dst, num_segments=n)
    alpha = alpha / jnp.clip(denom[dst], 1e-16)
    msg = h[src] * alpha[..., None]  # [Etot,H,C]
    out = jax.ops.segment_sum(msg, dst, num_segments=n)  # [N,H,C]
    return out.reshape(n, h_ * c_) + bias


def setup_inputs(seed: int = 0) -> dict:
    key = jax.random.key(seed)
    ks = jax.random.split(key, 12)
    x = jax.random.normal(ks[0], (N, IN), dtype=jnp.float32)
    edge_index = jax.random.randint(ks[1], (2, E), 0, N, dtype=jnp.int32)
    W1 = jax.random.normal(ks[2], (IN, H * OUT), dtype=jnp.float32) * (1.0 / np.sqrt(IN))
    a_s1 = jax.random.normal(ks[3], (1, H, OUT), dtype=jnp.float32) * 0.1
    a_d1 = jax.random.normal(ks[4], (1, H, OUT), dtype=jnp.float32) * 0.1
    b1 = jnp.zeros((H * OUT,), dtype=jnp.float32)
    W2 = jax.random.normal(ks[5], (H * OUT, OUT), dtype=jnp.float32) * (1.0 / np.sqrt(H * OUT))
    a_s2 = jax.random.normal(ks[6], (1, 1, OUT), dtype=jnp.float32) * 0.1
    a_d2 = jax.random.normal(ks[7], (1, 1, OUT), dtype=jnp.float32) * 0.1
    b2 = jnp.zeros((OUT,), dtype=jnp.float32)
    Wfc = jax.random.normal(ks[8], (OUT, OUT), dtype=jnp.float32) * (1.0 / np.sqrt(OUT))
    bfc = jnp.zeros((OUT,), dtype=jnp.float32)
    return {"x": x, "edge_index": edge_index, "W1": W1, "a_s1": a_s1, "a_d1": a_d1, "b1": b1, "W2": W2, "a_s2": a_s2, "a_d2": a_d2, "b2": b2, "Wfc": Wfc, "bfc": bfc}


def reference(x, edge_index, W1, a_s1, a_d1, b1, W2, a_s2, a_d2, b2, Wfc, bfc):
    # dropout is identity in eval mode
    h1 = jax.nn.elu(gat_conv(x, edge_index, W1, a_s1, a_d1, b1))  # [N, H*OUT]
    h2 = jax.nn.elu(gat_conv(h1, edge_index, W2, a_s2, a_d2, b2))  # [N, OUT]
    # global_max_pool with single-graph batch assignment (all nodes -> graph 0)
    batch = jnp.zeros((h2.shape[0],), dtype=jnp.int32)
    pooled = jax.ops.segment_max(h2, batch, num_segments=1)  # [1, OUT]
    out = jax.nn.relu(pooled @ Wfc + bfc)
    return out

if __name__ == "__main__":
    import jax
    _d = setup_inputs()
    print(jax.jit(kernel)(*tuple(_d.values())))

</pallas_src>

<mosaic_0001>
#map = affine_map<(d0, d1) -> (0, 0)>
#map1 = affine_map<(d0, d1) -> (0)>
module attributes {stable_mosaic.version = 14 : i64} {
  func.func @_sc_edge_body(%arg0: i32, %arg1: i32, %arg2: memref<20000x160xf32, #tpu.memory_space<hbm>>, %arg3: memref<160000xi32, #tpu.memory_space<hbm>>, %arg4: memref<320000xi32, #tpu.memory_space<hbm>>, %arg5: memref<160000xi32, #tpu.memory_space<hbm>>, %arg6: memref<320000xi32, #tpu.memory_space<hbm>>, %arg7: memref<20000x16xf32, #tpu.memory_space<hbm>>, %arg8: memref<20000x16xf32, #tpu.memory_space<hbm>>, %arg9: memref<4x16xf32, #tpu.memory_space<hbm>>, %arg10: memref<640x160xf32, #tpu.memory_space<hbm>>, %arg11: memref<640x16xf32, #tpu.memory_space<hbm>>, %arg12: memref<20480x160xf32, #tpu.memory_space<hbm>>, %arg13: memref<20480x16xf32, #tpu.memory_space<hbm>>, %arg14: memref<10240x160xf32, #tpu.memory_space<vmem_shared>>, %arg15: memref<10240x16xf32, #tpu.memory_space<vmem_shared>>, %arg16: memref<80xi32, #tpu.memory_space<vmem>>, %arg17: memref<80xi32, #tpu.memory_space<vmem>>, %arg18: memref<80xi32, #tpu.memory_space<vmem>>, %arg19: memref<80x160xf32, #tpu.memory_space<vmem>>, %arg20: memref<80x16xf32, #tpu.memory_space<vmem>>, %arg21: memref<80x16xf32, #tpu.memory_space<vmem>>, %arg22: memref<80x16xf32, #tpu.memory_space<vmem>>, %arg23: memref<4x16xf32, #tpu.memory_space<vmem>>, %arg24: memref<80xi32, #tpu.memory_space<vmem>>, %arg25: memref<!tpu.dma_semaphore, #tpu.memory_space<semaphore_mem>>, %arg26: memref<!tpu.dma_semaphore, #tpu.memory_space<semaphore_mem>>, %arg27: memref<!tpu.dma_semaphore, #tpu.memory_space<semaphore_mem>>) attributes {dimension_semantics = [#tpu.dimension_semantics<core_parallel>, #tpu.dimension_semantics<subcore_parallel>], iteration_bounds = array<i64: 2, 16>, scalar_prefetch = 0 : i64, scratch_operands = 14 : i64, tpu.core_type = #tpu.core_type<sc_vector_subcore>, window_params = [{transform_indices = #map}, {transform_indices = #map1}, {transform_indices = #map1}, {transform_indices = #map1}, {transform_indices = #map1}, {transform_indices = #map}, {transform_indices = #map}, {transform_indices = #map}, {transform_indices = #map}, {transform_indices = #map}, {transform_indices = #map}, {transform_indices = #map}]} {
    %mul3A = arith.constant 640 : i32
    %mul3A_0 = arith.muli %arg1, %mul3A : i32
    "tpu.region"() ({
      %run_scoped3A = tpu.sem_alloc : memref<!tpu.dma_semaphore, #tpu.memory_space<semaphore_mem>>
      %dma_start3A = arith.constant 0 : i32
      %dma_start3A_44 = tpu.memref_slice %arg14[%mul3A_0, %dma_start3A] : memref<10240x160xf32, #tpu.memory_space<vmem_shared>> -> memref<640x160xf32, #tpu.memory_space<vmem_shared>>
      tpu.enqueue_dma source(%arg10 : memref<640x160xf32, #tpu.memory_space<hbm>>) target(%dma_start3A_44 : memref<640x160xf32, #tpu.memory_space<vmem_shared>>) target_semaphore(%run_scoped3A : memref<!tpu.dma_semaphore, #tpu.memory_space<semaphore_mem>>)
      %dma_wait3A = arith.constant 0 : i32
      %dma_wait3A_45 = tpu.memref_slice %arg14[%mul3A_0, %dma_wait3A] : memref<10240x160xf32, #tpu.memory_space<vmem_shared>> -> memref<640x160xf32, #tpu.memory_space<vmem_shared>>
      tpu.wait_dma2 semaphore(%run_scoped3A : memref<!tpu.dma_semaphore, #tpu.memory_space<semaphore_mem>>) src(%arg10 : memref<640x160xf32, #tpu.memory_space<hbm>>) dst(%dma_wait3A_45 : memref<640x160xf32, #tpu.memory_space<vmem_shared>>)
      tpu.yield
    }) : () -> ()
    "tpu.region"() ({
      %run_scoped3A = tpu.sem_alloc : memref<!tpu.dma_semaphore, #tpu.memory_space<semaphore_mem>>
      %dma_start3A = arith.constant 0 : i32
      %dma_start3A_44 = tpu.memref_slice %arg15[%mul3A_0, %dma_start3A] : memref<10240x16xf32, #tpu.memory_space<vmem_shared>> -> memref<640x16xf32, #tpu.memory_space<vmem_shared>>
      tpu.enqueue_dma source(%arg11 : memref<640x16xf32, #tpu.memory_space<hbm>>) target(%dma_start3A_44 : memref<640x16xf32, #tpu.memory_space<vmem_shared>>) target_semaphore(%run_scoped3A : memref<!tpu.dma_semaphore, #tpu.memory_space<semaphore_mem>>)
      %dma_wait3A = arith.constant 0 : i32
      %dma_wait3A_45 = tpu.memref_slice %arg15[%mul3A_0, %dma_wait3A] : memref<10240x16xf32, #tpu.memory_space<vmem_shared>> -> memref<640x16xf32, #tpu.memory_space<vmem_shared>>
      tpu.wait_dma2 semaphore(%run_scoped3A : memref<!tpu.dma_semaphore, #tpu.memory_space<semaphore_mem>>) src(%arg11 : memref<640x16xf32, #tpu.memory_space<hbm>>) dst(%dma_wait3A_45 : memref<640x16xf32, #tpu.memory_space<vmem_shared>>)
      tpu.yield
    }) : () -> ()
    "tpu.region"() ({
      %run_scoped3A = tpu.sem_alloc : memref<!tpu.dma_semaphore, #tpu.memory_space<semaphore_mem>>
      tpu.enqueue_dma source(%arg9 : memref<4x16xf32, #tpu.memory_space<hbm>>) target(%arg23 : memref<4x16xf32, #tpu.memory_space<vmem>>) target_semaphore(%run_scoped3A : memref<!tpu.dma_semaphore, #tpu.memory_space<semaphore_mem>>)
      tpu.wait_dma2 semaphore(%run_scoped3A : memref<!tpu.dma_semaphore, #tpu.memory_space<semaphore_mem>>) src(%arg9 : memref<4x16xf32, #tpu.memory_space<hbm>>) dst(%arg23 : memref<4x16xf32, #tpu.memory_space<vmem>>)
      tpu.yield
    }) : () -> ()
    %get3A = arith.constant 0 : i32
    %get3A_1 = arith.index_cast %get3A : i32 to index
    %get3A_2 = arith.constant 0 : index
    %get3A_3 = tpu.vector_load %arg23[%get3A_1, %get3A_2] {strides = array<i32>} : memref<4x16xf32, #tpu.memory_space<vmem>>, vector<1x16xf32>,
    %get3A_4 = vector.shape_cast %get3A_3 : vector<1x16xf32> to vector<16xf32>
    %get3A_5 = arith.constant 2 : i32
    %get3A_6 = arith.index_cast %get3A_5 : i32 to index
    %get3A_7 = arith.constant 0 : index
    %get3A_8 = tpu.vector_load %arg23[%get3A_6, %get3A_7] {strides = array<i32>} : memref<4x16xf32, #tpu.memory_space<vmem>>, vector<1x16xf32>,
    %get3A_9 = vector.shape_cast %get3A_8 : vector<1x16xf32> to vector<16xf32>
    %add3A = arith.addf %get3A_4, %get3A_9 : vector<16xf32>
    %get3A_10 = arith.constant 1 : i32
    %get3A_11 = arith.index_cast %get3A_10 : i32 to index
    %get3A_12 = arith.constant 0 : index
    %get3A_13 = tpu.vector_load %arg23[%get3A_11, %get3A_12] {strides = array<i32>} : memref<4x16xf32, #tpu.memory_space<vmem>>, vector<1x16xf32>,
    %get3A_14 = vector.shape_cast %get3A_13 : vector<1x16xf32> to vector<16xf32>
    %get3A_15 = arith.constant 3 : i32
    %get3A_16 = arith.index_cast %get3A_15 : i32 to index
    %get3A_17 = arith.constant 0 : index
    %get3A_18 = tpu.vector_load %arg23[%get3A_16, %get3A_17] {strides = array<i32>} : memref<4x16xf32, #tpu.memory_space<vmem>>, vector<1x16xf32>,
    %get3A_19 = vector.shape_cast %get3A_18 : vector<1x16xf32> to vector<16xf32>
    %add3A_20 = arith.addf %get3A_14, %get3A_19 : vector<16xf32>
    %eq3A = arith.constant 0 : i32
    %eq3A_21 = arith.cmpi eq, %arg0, %eq3A : i32
    %select_n3A = arith.select %eq3A_21, %add3A, %add3A_20 : vector<16xf32>
    %gt3A = arith.constant 0.000000e+00 : f32
    %gt3A_22 = vector.broadcast %gt3A : f32 to vector<16xf32>
    %gt3A_23 = arith.cmpf ogt, %select_n3A, %gt3A_22 : vector<16xf32>
    %mul3A_24 = arith.constant 2.000000e-01 : f32
    %mul3A_25 = vector.broadcast %mul3A_24 : f32 to vector<16xf32>
    %mul3A_26 = arith.mulf %mul3A_25, %select_n3A : vector<16xf32>
    %select_n3A_27 = arith.select %gt3A_23, %select_n3A, %mul3A_26 : vector<16xi1>, vector<16xf32>
    %max3A = arith.constant 0.000000e+00 : f32
    %max3A_28 = vector.broadcast %max3A : f32 to vector<16xf32>
    %max3A_29 = arith.maximumf %select_n3A_27, %max3A_28 : vector<16xf32>
    %barrier3A = arith.constant 0 : index
    tpu.barrier barrier_id(%barrier3A)
    %mul3A_30 = arith.constant 10000 : i32
    %mul3A_31 = arith.muli %arg1, %mul3A_30 : i32
    %mul3A_32 = arith.constant 160000 : i32
    %mul3A_33 = arith.muli %arg0, %mul3A_32 : i32
    %scan3A = arith.constant 0 : i32
    %scan3A_34 = arith.constant 0 : i32
    %scan3A_35 = arith.constant 125 : i32
    %scan3A_36 = arith.addi %scan3A_34, %scan3A_35 : i32
    %scan3A_37 = arith.constant 1 : i32
    %scan3A_38 = scf.for %scan3A_44 = %scan3A_34 to %scan3A_36 step %scan3A_37 iter_args(%scan3A_45 = %scan3A) -> (i32)  : i32 {
      %mul3A_46 = arith.constant 80 : i32
      %mul3A_47 = arith.muli %scan3A_44, %mul3A_46 : i32
      %add3A_48 = arith.addi %mul3A_31, %mul3A_47 : i32
      "tpu.region"() ({
        %run_scoped3A = tpu.sem_alloc : memref<!tpu.dma_semaphore, #tpu.memory_space<semaphore_mem>>
        %dma_start3A_107 = tpu.memref_slice %arg3[%add3A_48] : memref<160000xi32, #tpu.memory_space<hbm>> -> memref<80xi32, #tpu.memory_space<hbm>>
        %dma_start3A_108 = tpu.memref_slice %arg3[%add3A_48] : memref<160000xi32, #tpu.memory_space<hbm>> -> memref<80xi32, #tpu.memory_space<hbm>>
        tpu.enqueue_dma source(%dma_start3A_108 : memref<80xi32, #tpu.memory_space<hbm>>) target(%arg16 : memref<80xi32, #tpu.memory_space<vmem>>) target_semaphore(%run_scoped3A : memref<!tpu.dma_semaphore, #tpu.memory_space<semaphore_mem>>)
        %dma_wait3A_109 = tpu.memref_slice %arg3[%add3A_48] : memref<160000xi32, #tpu.memory_space<hbm>> -> memref<80xi32, #tpu.memory_space<hbm>>
        %dma_wait3A_110 = tpu.memref_slice %arg3[%add3A_48] : memref<160000xi32, #tpu.memory_space<hbm>> -> memref<80xi32, #tpu.memory_space<hbm>>
        tpu.wait_dma2 semaphore(%run_scoped3A : memref<!tpu.dma_semaphore, #tpu.memory_space<semaphore_mem>>) src(%dma_wait3A_110 : memref<80xi32, #tpu.memory_space<hbm>>) dst(%arg16 : memref<80xi32, #tpu.memory_space<vmem>>)
        tpu.yield
      }) : () -> ()
      %add3A_49 = arith.addi %mul3A_33, %add3A_48 : i32
      "tpu.region"() ({
        %run_scoped3A = tpu.sem_alloc : memref<!tpu.dma_semaphore, #tpu.memory_space<semaphore_mem>>
        %dma_start3A_107 = tpu.memref_slice %arg4[%add3A_49] : memref<320000xi32, #tpu.memory_space<hbm>> -> memref<80xi32, #tpu.memory_space<hbm>>
        %dma_start3A_108 = tpu.memref_slice %arg4[%add3A_49] : memref<320000xi32, #tpu.memory_space<hbm>> -> memref<80xi32, #tpu.memory_space<hbm>>
        tpu.enqueue_dma source(%dma_start3A_108 : memref<80xi32, #tpu.memory_space<hbm>>) target(%arg17 : memref<80xi32, #tpu.memory_space<vmem>>) target_semaphore(%run_scoped3A : memref<!tpu.dma_semaphore, #tpu.memory_space<semaphore_mem>>)
        %dma_wait3A_109 = tpu.memref_slice %arg4[%add3A_49] : memref<320000xi32, #tpu.memory_space<hbm>> -> memref<80xi32, #tpu.memory_space<hbm>>
        %dma_wait3A_110 = tpu.memref_slice %arg4[%add3A_49] : memref<320000xi32, #tpu.memory_space<hbm>> -> memref<80xi32, #tpu.memory_space<hbm>>
        tpu.wait_dma2 semaphore(%run_scoped3A : memref<!tpu.dma_semaphore, #tpu.memory_space<semaphore_mem>>) src(%dma_wait3A_110 : memref<80xi32, #tpu.memory_space<hbm>>) dst(%arg17 : memref<80xi32, #tpu.memory_space<vmem>>)
        tpu.yield
      }) : () -> ()
      %add3A_50 = arith.addi %mul3A_33, %add3A_48 : i32
      "tpu.region"() ({
        %run_scoped3A = tpu.sem_alloc : memref<!tpu.dma_semaphore, #tpu.memory_space<semaphore_mem>>
        %dma_start3A_107 = tpu.memref_slice %arg6[%add3A_50] : memref<320000xi32, #tpu.memory_space<hbm>> -> memref<80xi32, #tpu.memory_space<hbm>>
        %dma_start3A_108 = tpu.memref_slice %arg6[%add3A_50] : memref<320000xi32, #tpu.memory_space<hbm>> -> memref<80xi32, #tpu.memory_space<hbm>>
        tpu.enqueue_dma source(%dma_start3A_108 : memref<80xi32, #tpu.memory_space<hbm>>) target(%arg18 : memref<80xi32, #tpu.memory_space<vmem>>) target_semaphore(%run_scoped3A : memref<!tpu.dma_semaphore, #tpu.memory_space<semaphore_mem>>)
        %dma_wait3A_109 = tpu.memref_slice %arg6[%add3A_50] : memref<320000xi32, #tpu.memory_space<hbm>> -> memref<80xi32, #tpu.memory_space<hbm>>
        %dma_wait3A_110 = tpu.memref_slice %arg6[%add3A_50] : memref<320000xi32, #tpu.memory_space<hbm>> -> memref<80xi32, #tpu.memory_space<hbm>>
        tpu.wait_dma2 semaphore(%run_scoped3A : memref<!tpu.dma_semaphore, #tpu.memory_space<semaphore_mem>>) src(%dma_wait3A_110 : memref<80xi32, #tpu.memory_space<hbm>>) dst(%arg18 : memref<80xi32, #tpu.memory_space<vmem>>)
        tpu.yield
      }) : () -> ()
      %add3A_51 = arith.constant 0 : i32
      %add3A_52 = arith.addi %add3A_48, %add3A_51 : i32
      "tpu.region"() ({
        %run_scoped3A = tpu.sem_alloc : memref<!tpu.dma_semaphore, #tpu.memory_space<semaphore_mem>>
        %dma_start3A_107 = tpu.memref_slice %arg5[%add3A_52] : memref<160000xi32, #tpu.memory_space<hbm>> -> memref<80xi32, #tpu.memory_space<hbm>>
        %dma_start3A_108 = tpu.memref_slice %arg5[%add3A_52] : memref<160000xi32, #tpu.memory_space<hbm>> -> memref<80xi32, #tpu.memory_space<hbm>>
        tpu.enqueue_dma source(%dma_start3A_108 : memref<80xi32, #tpu.memory_space<hbm>>) target(%arg24 : memref<80xi32, #tpu.memory_space<vmem>>) target_semaphore(%run_scoped3A : memref<!tpu.dma_semaphore, #tpu.memory_space<semaphore_mem>>)
        %dma_wait3A_109 = tpu.memref_slice %arg5[%add3A_52] : memref<160000xi32, #tpu.memory_space<hbm>> -> memref<80xi32, #tpu.memory_space<hbm>>
        %dma_wait3A_110 = tpu.memref_slice %arg5[%add3A_52] : memref<160000xi32, #tpu.memory_space<hbm>> -> memref<80xi32, #tpu.memory_space<hbm>>
        tpu.wait_dma2 semaphore(%run_scoped3A : memref<!tpu.dma_semaphore, #tpu.memory_space<semaphore_mem>>) src(%dma_wait3A_110 : memref<80xi32, #tpu.memory_space<hbm>>) dst(%arg24 : memref<80xi32, #tpu.memory_space<vmem>>)
        tpu.yield
      }) : () -> ()
      %dma_start3A = arith.constant 0 : i32
      %dma_start3A_53 = arith.constant 0 : i32
      %dma_start3A_54 = tpu.memref_slice %arg19[%dma_start3A, %dma_start3A_53] : memref<80x160xf32, #tpu.memory_space<vmem>> -> memref<80x160xf32, #tpu.memory_space<vmem>>
      %dma_start3A_55 = arith.constant 0 : i32
      %dma_start3A_56 = tpu.memref_slice %arg17[%dma_start3A_55] : memref<80xi32, #tpu.memory_space<vmem>> -> memref<80xi32, #tpu.memory_space<vmem>>
      %dma_start3A_57 = arith.constant 0 : i32
      %dma_start3A_58 = arith.constant 0 : i32
      %dma_start3A_59 = tpu.memref_slice %arg2[%dma_start3A_57, %dma_start3A_58] : memref<20000x160xf32, #tpu.memory_space<hbm>> -> memref<20000x160xf32, #tpu.memory_space<hbm>>
      tpu.enqueue_indirect_dma source(%dma_start3A_59 : memref<20000x160xf32, #tpu.memory_space<hbm>>) target(%dma_start3A_54 : memref<80x160xf32, #tpu.memory_space<vmem>>) offsets(%dma_start3A_56 : memref<80xi32, #tpu.memory_space<vmem>>) semaphore(%arg25 : memref<!tpu.dma_semaphore, #tpu.memory_space<semaphore_mem>>)
      %dma_start3A_60 = arith.constant 0 : i32
      %dma_start3A_61 = arith.constant 0 : i32
      %dma_start3A_62 = tpu.memref_slice %arg20[%dma_start3A_60, %dma_start3A_61] : memref<80x16xf32, #tpu.memory_space<vmem>> -> memref<80x16xf32, #tpu.memory_space<vmem>>
      %dma_start3A_63 = arith.constant 0 : i32
      %dma_start3A_64 = tpu.memref_slice %arg17[%dma_start3A_63] : memref<80xi32, #tpu.memory_space<vmem>> -> memref<80xi32, #tpu.memory_space<vmem>>
      %dma_start3A_65 = arith.constant 0 : i32
      %dma_start3A_66 = arith.constant 0 : i32
      %dma_start3A_67 = tpu.memref_slice %arg7[%dma_start3A_65, %dma_start3A_66] : memref<20000x16xf32, #tpu.memory_space<hbm>> -> memref<20000x16xf32, #tpu.memory_space<hbm>>
      tpu.enqueue_indirect_dma source(%dma_start3A_67 : memref<20000x16xf32, #tpu.memory_space<hbm>>) target(%dma_start3A_62 : memref<80x16xf32, #tpu.memory_space<vmem>>) offsets(%dma_start3A_64 : memref<80xi32, #tpu.memory_space<vmem>>) semaphore(%arg26 : memref<!tpu.dma_semaphore, #tpu.memory_space<semaphore_mem>>)
      %dma_start3A_68 = arith.constant 0 : i32
      %dma_start3A_69 = arith.constant 0 : i32
      %dma_start3A_70 = tpu.memref_slice %arg21[%dma_start3A_68, %dma_start3A_69] : memref<80x16xf32, #tpu.memory_space<vmem>> -> memref<80x16xf32, #tpu.memory_space<vmem>>
      %dma_start3A_71 = arith.constant 0 : i32
      %dma_start3A_72 = tpu.memref_slice %arg18[%dma_start3A_71] : memref<80xi32, #tpu.memory_space<vmem>> -> memref<80xi32, #tpu.memory_space<vmem>>
      %dma_start3A_73 = arith.constant 0 : i32
      %dma_start3A_74 = arith.constant 0 : i32
      %dma_start3A_75 = tpu.memref_slice %arg8[%dma_start3A_73, %dma_start3A_74] : memref<20000x16xf32, #tpu.memory_space<hbm>> -> memref<20000x16xf32, #tpu.memory_space<hbm>>
      tpu.enqueue_indirect_dma source(%dma_start3A_75 : memref<20000x16xf32, #tpu.memory_space<hbm>>) target(%dma_start3A_70 : memref<80x16xf32, #tpu.memory_space<vmem>>) offsets(%dma_start3A_72 : memref<80xi32, #tpu.memory_space<vmem>>) semaphore(%arg27 : memref<!tpu.dma_semaphore, #tpu.memory_space<semaphore_mem>>)
      %dma_wait3A = arith.constant 0 : i32
      %dma_wait3A_76 = arith.constant 0 : i32
      %dma_wait3A_77 = tpu.memref_slice %arg19[%dma_wait3A, %dma_wait3A_76] : memref<80x160xf32, #tpu.memory_space<vmem>> -> memref<80x160xf32, #tpu.memory_space<vmem>>
      %dma_wait3A_78 = arith.constant 0 : i32
      %dma_wait3A_79 = tpu.memref_slice %arg17[%dma_wait3A_78] : memref<80xi32, #tpu.memory_space<vmem>> -> memref<80xi32, #tpu.memory_space<vmem>>
      %dma_wait3A_80 = arith.constant 0 : i32
      %dma_wait3A_81 = arith.constant 0 : i32
      %dma_wait3A_82 = tpu.memref_slice %arg2[%dma_wait3A_80, %dma_wait3A_81] : memref<20000x160xf32, #tpu.memory_space<hbm>> -> memref<20000x160xf32, #tpu.memory_space<hbm>>
      tpu.wait_indirect_dma semaphore(%arg25 : memref<!tpu.dma_semaphore, #tpu.memory_space<semaphore_mem>>) src(%dma_wait3A_82 : memref<20000x160xf32, #tpu.memory_space<hbm>>) dst(%dma_wait3A_77 : memref<80x160xf32, #tpu.memory_space<vmem>>)
      %dma_wait3A_83 = arith.constant 0 : i32
      %dma_wait3A_84 = arith.constant 0 : i32
      %dma_wait3A_85 = tpu.memref_slice %arg20[%dma_wait3A_83, %dma_wait3A_84] : memref<80x16xf32, #tpu.memory_space<vmem>> -> memref<80x16xf32, #tpu.memory_space<vmem>>
      %dma_wait3A_86 = arith.constant 0 : i32
      %dma_wait3A_87 = tpu.memref_slice %arg17[%dma_wait3A_86] : memref<80xi32, #tpu.memory_space<vmem>> -> memref<80xi32, #tpu.memory_space<vmem>>
      %dma_wait3A_88 = arith.constant 0 : i32
      %dma_wait3A_89 = arith.constant 0 : i32
      %dma_wait3A_90 = tpu.memref_slice %arg7[%dma_wait3A_88, %dma_wait3A_89] : memref<20000x16xf32, #tpu.memory_space<hbm>> -> memref<20000x16xf32, #tpu.memory_space<hbm>>
      tpu.wait_indirect_dma semaphore(%arg26 : memref<!tpu.dma_semaphore, #tpu.memory_space<semaphore_mem>>) src(%dma_wait3A_90 : memref<20000x16xf32, #tpu.memory_space<hbm>>) dst(%dma_wait3A_85 : memref<80x16xf32, #tpu.memory_space<vmem>>)
      %dma_wait3A_91 = arith.constant 0 : i32
      %dma_wait3A_92 = arith.constant 0 : i32
      %dma_wait3A_93 = tpu.memref_slice %arg21[%dma_wait3A_91, %dma_wait3A_92] : memref<80x16xf32, #tpu.memory_space<vmem>> -> memref<80x16xf32, #tpu.memory_space<vmem>>
      %dma_wait3A_94 = arith.constant 0 : i32
      %dma_wait3A_95 = tpu.memref_slice %arg18[%dma_wait3A_94] : memref<80xi32, #tpu.memory_space<vmem>> -> memref<80xi32, #tpu.memory_space<vmem>>
      %dma_wait3A_96 = arith.constant 0 : i32
      %dma_wait3A_97 = arith.constant 0 : i32
      %dma_wait3A_98 = tpu.memref_slice %arg8[%dma_wait3A_96, %dma_wait3A_97] : memref<20000x16xf32, #tpu.memory_space<hbm>> -> memref<20000x16xf32, #tpu.memory_space<hbm>>
      tpu.wait_indirect_dma semaphore(%arg27 : memref<!tpu.dma_semaphore, #tpu.memory_space<semaphore_mem>>) src(%dma_wait3A_98 : memref<20000x16xf32, #tpu.memory_space<hbm>>) dst(%dma_wait3A_93 : memref<80x16xf32, #tpu.memory_space<vmem>>)
      %scan3A_99 = arith.constant 0 : i32
      %scan3A_100 = arith.constant 0 : i32
      %scan3A_101 = arith.constant 80 : i32
      %scan3A_102 = arith.addi %scan3A_100, %scan3A_101 : i32
      %scan3A_103 = arith.constant 2 : i32
      %scan3A_104 = scf.for %scan3A_107 = %scan3A_100 to %scan3A_102 step %scan3A_103 iter_args(%scan3A_108 = %scan3A_99) -> (i32)  : i32 {
        %get3A_109 = arith.index_cast %scan3A_107 : i32 to index
        %get3A_110 = arith.constant 0 : index
        %get3A_111 = tpu.vector_load %arg20[%get3A_109, %get3A_110] {strides = array<i32>} : memref<80x16xf32, #tpu.memory_space<vmem>>, vector<1x16xf32>,
        %get3A_112 = vector.shape_cast %get3A_111 : vector<1x16xf32> to vector<16xf32>
        %get3A_113 = arith.index_cast %scan3A_107 : i32 to index
        %get3A_114 = arith.constant 0 : index
        %get3A_115 = tpu.vector_load %arg21[%get3A_113, %get3A_114] {strides = array<i32>} : memref<80x16xf32, #tpu.memory_space<vmem>>, vector<1x16xf32>,
        %get3A_116 = vector.shape_cast %get3A_115 : vector<1x16xf32> to vector<16xf32>
        %add3A_117 = arith.addf %get3A_112, %get3A_116 : vector<16xf32>
        %gt3A_118 = arith.constant 0.000000e+00 : f32
        %gt3A_119 = vector.broadcast %gt3A_118 : f32 to vector<16xf32>
        %gt3A_120 = arith.cmpf ogt, %add3A_117, %gt3A_119 : vector<16xf32>
        %mul3A_121 = arith.constant 2.000000e-01 : f32
        %mul3A_122 = vector.broadcast %mul3A_121 : f32 to vector<16xf32>
        %mul3A_123 = arith.mulf %mul3A_122, %add3A_117 : vector<16xf32>
        %select_n3A_124 = arith.select %gt3A_120, %add3A_117, %mul3A_123 : vector<16xi1>, vector<16xf32>
        %sub3A = arith.subf %select_n3A_124, %max3A_29 : vector<16xf32>
        %exp3A = math.exp %sub3A : vector<16xf32>
        %swap3A = arith.index_cast %scan3A_107 : i32 to index
        %swap3A_125 = arith.constant 0 : index
        %swap3A_126 = tpu.vector_load %arg22[%swap3A, %swap3A_125] {strides = array<i32>} : memref<80x16xf32, #tpu.memory_space<vmem>>, vector<1x16xf32>,
        %swap3A_127 = vector.shape_cast %swap3A_126 : vector<1x16xf32> to vector<16xf32>
        %swap3A_128 = vector.shape_cast %exp3A : vector<16xf32> to vector<1x16xf32>
        tpu.vector_store %arg22[%swap3A, %swap3A_125], %swap3A_128 {strides = array<i32>} : memref<80x16xf32, #tpu.memory_space<vmem>>, vector<1x16xf32>,
        %slice3A = vector.extract_strided_slice %exp3A {offsets = [0], sizes = [1], strides = [1]} : vector<16xf32> to vector<1xf32>
        %squeeze3A = vector.extract %slice3A[0] : f32 from vector<1xf32>
        %get3A_129 = arith.index_cast %scan3A_107 : i32 to index
        %get3A_130 = arith.constant 0 : index
        %get3A_131 = tpu.vector_load %arg19[%get3A_129, %get3A_130] {strides = array<i32>} : memref<80x160xf32, #tpu.memory_space<vmem>>, vector<1x16xf32>,
        %get3A_132 = vector.shape_cast %get3A_131 : vector<1x16xf32> to vector<16xf32>
        %mul3A_133 = vector.broadcast %squeeze3A : f32 to vector<16xf32>
        %mul3A_134 = arith.mulf %get3A_132, %mul3A_133 : vector<16xf32>
        %swap3A_135 = arith.index_cast %scan3A_107 : i32 to index
        %swap3A_136 = arith.constant 0 : index
        %swap3A_137 = tpu.vector_load %arg19[%swap3A_135, %swap3A_136] {strides = array<i32>} : memref<80x160xf32, #tpu.memory_space<vmem>>, vector<1x16xf32>,
        %swap3A_138 = vector.shape_cast %swap3A_137 : vector<1x16xf32> to vector<16xf32>
        %swap3A_139 = vector.shape_cast %mul3A_134 : vector<16xf32> to vector<1x16xf32>
        tpu.vector_store %arg19[%swap3A_135, %swap3A_136], %swap3A_139 {strides = array<i32>} : memref<80x160xf32, #tpu.memory_space<vmem>>, vector<1x16xf32>,
        %get3A_140 = arith.index_cast %scan3A_107 : i32 to index
        %get3A_141 = arith.constant 16 : index
        %get3A_142 = tpu.vector_load %arg19[%get3A_140, %get3A_141] {strides = array<i32>} : memref<80x160xf32, #tpu.memory_space<vmem>>, vector<1x16xf32>,
        %get3A_143 = vector.shape_cast %get3A_142 : vector<1x16xf32> to vector<16xf32>
        %mul3A_144 = vector.broadcast %squeeze3A : f32 to vector<16xf32>
        %mul3A_145 = arith.mulf %get3A_143, %mul3A_144 : vector<16xf32>
        %swap3A_146 = arith.index_cast %scan3A_107 : i32 to index
        %swap3A_147 = arith.constant 16 : index
        %swap3A_148 = tpu.vector_load %arg19[%swap3A_146, %swap3A_147] {strides = array<i32>} : memref<80x160xf32, #tpu.memory_space<vmem>>, vector<1x16xf32>,
        %swap3A_149 = vector.shape_cast %swap3A_148 : vector<1x16xf32> to vector<16xf32>
        %swap3A_150 = vector.shape_cast %mul3A_145 : vector<16xf32> to vector<1x16xf32>
        tpu.vector_store %arg19[%swap3A_146, %swap3A_147], %swap3A_150 {strides = array<i32>} : memref<80x160xf32, #tpu.memory_space<vmem>>, vector<1x16xf32>,
        %slice3A_151 = vector.extract_strided_slice %exp3A {offsets = [1], sizes = [1], strides = [1]} : vector<16xf32> to vector<1xf32>
        %squeeze3A_152 = vector.extract %slice3A_151[0] : f32 from vector<1xf32>
        %get3A_153 = arith.index_cast %scan3A_107 : i32 to index
        %get3A_154 = arith.constant 32 : index
        %get3A_155 = tpu.vector_load %arg19[%get3A_153, %get3A_154] {strides = array<i32>} : memref<80x160xf32, #tpu.memory_space<vmem>>, vector<1x16xf32>,
        %get3A_156 = vector.shape_cast %get3A_155 : vector<1x16xf32> to vector<16xf32>
        %mul3A_157 = vector.broadcast %squeeze3A_152 : f32 to vector<16xf32>
        %mul3A_158 = arith.mulf %get3A_156, %mul3A_157 : vector<16xf32>
        %swap3A_159 = arith.index_cast %scan3A_107 : i32 to index
        %swap3A_160 = arith.constant 32 : index
        %swap3A_161 = tpu.vector_load %arg19[%swap3A_159, %swap3A_160] {strides = array<i32>} : memref<80x160xf32, #tpu.memory_space<vmem>>, vector<1x16xf32>,
        %swap3A_162 = vector.shape_cast %swap3A_161 : vector<1x16xf32> to vector<16xf32>
        %swap3A_163 = vector.shape_cast %mul3A_158 : vector<16xf32> to vector<1x16xf32>
        tpu.vector_store %arg19[%swap3A_159, %swap3A_160], %swap3A_163 {strides = array<i32>} : memref<80x160xf32, #tpu.memory_space<vmem>>, vector<1x16xf32>,
        %get3A_164 = arith.index_cast %scan3A_107 : i32 to index
        %get3A_165 = arith.constant 48 : index
        %get3A_166 = tpu.vector_load %arg19[%get3A_164, %get3A_165] {strides = array<i32>} : memref<80x160xf32, #tpu.memory_space<vmem>>, vector<1x16xf32>,
        %get3A_167 = vector.shape_cast %get3A_166 : vector<1x16xf32> to vector<16xf32>
        %mul3A_168 = vector.broadcast %squeeze3A_152 : f32 to vector<16xf32>
        %mul3A_169 = arith.mulf %get3A_167, %mul3A_168 : vector<16xf32>
        %swap3A_170 = arith.index_cast %scan3A_107 : i32 to index
        %swap3A_171 = arith.constant 48 : index
        %swap3A_172 = tpu.vector_load %arg19[%swap3A_170, %swap3A_171] {strides = array<i32>} : memref<80x160xf32, #tpu.memory_space<vmem>>, vector<1x16xf32>,
        %swap3A_173 = vector.shape_cast %swap3A_172 : vector<1x16xf32> to vector<16xf32>
        %swap3A_174 = vector.shape_cast %mul3A_169 : vector<16xf32> to vector<1x16xf32>
        tpu.vector_store %arg19[%swap3A_170, %swap3A_171], %swap3A_174 {strides = array<i32>} : memref<80x160xf32, #tpu.memory_space<vmem>>, vector<1x16xf32>,
        %slice3A_175 = vector.extract_strided_slice %exp3A {offsets = [2], sizes = [1], strides = [1]} : vector<16xf32> to vector<1xf32>
        %squeeze3A_176 = vector.extract %slice3A_175[0] : f32 from vector<1xf32>
        %get3A_177 = arith.index_cast %scan3A_107 : i32 to index
        %get3A_178 = arith.constant 64 : index
        %get3A_179 = tpu.vector_load %arg19[%get3A_177, %get3A_178] {strides = array<i32>} : memref<80x160xf32, #tpu.memory_space<vmem>>, vector<1x16xf32>,
        %get3A_180 = vector.shape_cast %get3A_179 : vector<1x16xf32> to vector<16xf32>
        %mul3A_181 = vector.broadcast %squeeze3A_176 : f32 to vector<16xf32>
        %mul3A_182 = arith.mulf %get3A_180, %mul3A_181 : vector<16xf32>
        %swap3A_183 = arith.index_cast %scan3A_107 : i32 to index
        %swap3A_184 = arith.constant 64 : index
        %swap3A_185 = tpu.vector_load %arg19[%swap3A_183, %swap3A_184] {strides = array<i32>} : memref<80x160xf32, #tpu.memory_space<vmem>>, vector<1x16xf32>,
        %swap3A_186 = vector.shape_cast %swap3A_185 : vector<1x16xf32> to vector<16xf32>
        %swap3A_187 = vector.shape_cast %mul3A_182 : vector<16xf32> to vector<1x16xf32>
        tpu.vector_store %arg19[%swap3A_183, %swap3A_184], %swap3A_187 {strides = array<i32>} : memref<80x160xf32, #tpu.memory_space<vmem>>, vector<1x16xf32>,
        %get3A_188 = arith.index_cast %scan3A_107 : i32 to index
        %get3A_189 = arith.constant 80 : index
        %get3A_190 = tpu.vector_load %arg19[%get3A_188, %get3A_189] {strides = array<i32>} : memref<80x160xf32, #tpu.memory_space<vmem>>, vector<1x16xf32>,
        %get3A_191 = vector.shape_cast %get3A_190 : vector<1x16xf32> to vector<16xf32>
        %mul3A_192 = vector.broadcast %squeeze3A_176 : f32 to vector<16xf32>
        %mul3A_193 = arith.mulf %get3A_191, %mul3A_192 : vector<16xf32>
        %swap3A_194 = arith.index_cast %scan3A_107 : i32 to index
        %swap3A_195 = arith.constant 80 : index
        %swap3A_196 = tpu.vector_load %arg19[%swap3A_194, %swap3A_195] {strides = array<i32>} : memref<80x160xf32, #tpu.memory_space<vmem>>, vector<1x16xf32>,
        %swap3A_197 = vector.shape_cast %swap3A_196 : vector<1x16xf32> to vector<16xf32>
        %swap3A_198 = vector.shape_cast %mul3A_193 : vector<16xf32> to vector<1x16xf32>
        tpu.vector_store %arg19[%swap3A_194, %swap3A_195], %swap3A_198 {strides = array<i32>} : memref<80x160xf32, #tpu.memory_space<vmem>>, vector<1x16xf32>,
        %slice3A_199 = vector.extract_strided_slice %exp3A {offsets = [3], sizes = [1], strides = [1]} : vector<16xf32> to vector<1xf32>
        %squeeze3A_200 = vector.extract %slice3A_199[0] : f32 from vector<1xf32>
        %get3A_201 = arith.index_cast %scan3A_107 : i32 to index
        %get3A_202 = arith.constant 96 : index
        %get3A_203 = tpu.vector_load %arg19[%get3A_201, %get3A_202] {strides = array<i32>} : memref<80x160xf32, #tpu.memory_space<vmem>>, vector<1x16xf32>,
        %get3A_204 = vector.shape_cast %get3A_203 : vector<1x16xf32> to vector<16xf32>
        %mul3A_205 = vector.broadcast %squeeze3A_200 : f32 to vector<16xf32>
        %mul3A_206 = arith.mulf %get3A_204, %mul3A_205 : vector<16xf32>
        %swap3A_207 = arith.index_cast %scan3A_107 : i32 to index
        %swap3A_208 = arith.constant 96 : index
        %swap3A_209 = tpu.vector_load %arg19[%swap3A_207, %swap3A_208] {strides = array<i32>} : memref<80x160xf32, #tpu.memory_space<vmem>>, vector<1x16xf32>,
        %swap3A_210 = vector.shape_cast %swap3A_209 : vector<1x16xf32> to vector<16xf32>
        %swap3A_211 = vector.shape_cast %mul3A_206 : vector<16xf32> to vector<1x16xf32>
        tpu.vector_store %arg19[%swap3A_207, %swap3A_208], %swap3A_211 {strides = array<i32>} : memref<80x160xf32, #tpu.memory_space<vmem>>, vector<1x16xf32>,
        %get3A_212 = arith.index_cast %scan3A_107 : i32 to index
        %get3A_213 = arith.constant 112 : index
        %get3A_214 = tpu.vector_load %arg19[%get3A_212, %get3A_213] {strides = array<i32>} : memref<80x160xf32, #tpu.memory_space<vmem>>, vector<1x16xf32>,
        %get3A_215 = vector.shape_cast %get3A_214 : vector<1x16xf32> to vector<16xf32>
        %mul3A_216 = vector.broadcast %squeeze3A_200 : f32 to vector<16xf32>
        %mul3A_217 = arith.mulf %get3A_215, %mul3A_216 : vector<16xf32>
        %swap3A_218 = arith.index_cast %scan3A_107 : i32 to index
        %swap3A_219 = arith.constant 112 : index
        %swap3A_220 = tpu.vector_load %arg19[%swap3A_218, %swap3A_219] {strides = array<i32>} : memref<80x160xf32, #tpu.memory_space<vmem>>, vector<1x16xf32>,
        %swap3A_221 = vector.shape_cast %swap3A_220 : vector<1x16xf32> to vector<16xf32>
        %swap3A_222 = vector.shape_cast %mul3A_217 : vector<16xf32> to vector<1x16xf32>
        tpu.vector_store %arg19[%swap3A_218, %swap3A_219], %swap3A_222 {strides = array<i32>} : memref<80x160xf32, #tpu.memory_space<vmem>>, vector<1x16xf32>,
        %slice3A_223 = vector.extract_strided_slice %exp3A {offsets = [4], sizes = [1], strides = [1]} : vector<16xf32> to vector<1xf32>
        %squeeze3A_224 = vector.extract %slice3A_223[0] : f32 from vector<1xf32>
        %get3A_225 = arith.index_cast %scan3A_107 : i32 to index
        %get3A_226 = arith.constant 128 : index
        %get3A_227 = tpu.vector_load %arg19[%get3A_225, %get3A_226] {strides = array<i32>} : memref<80x160xf32, #tpu.memory_space<vmem>>, vector<1x16xf32>,
        %get3A_228 = vector.shape_cast %get3A_227 : vector<1x16xf32> to vector<16xf32>
        %mul3A_229 = vector.broadcast %squeeze3A_224 : f32 to vector<16xf32>
        %mul3A_230 = arith.mulf %get3A_228, %mul3A_229 : vector<16xf32>
        %swap3A_231 = arith.index_cast %scan3A_107 : i32 to index
        %swap3A_232 = arith.constant 128 : index
        %swap3A_233 = tpu.vector_load %arg19[%swap3A_231, %swap3A_232] {strides = array<i32>} : memref<80x160xf32, #tpu.memory_space<vmem>>, vector<1x16xf32>,
        %swap3A_234 = vector.shape_cast %swap3A_233 : vector<1x16xf32> to vector<16xf32>
        %swap3A_235 = vector.shape_cast %mul3A_230 : vector<16xf32> to vector<1x16xf32>
        tpu.vector_store %arg19[%swap3A_231, %swap3A_232], %swap3A_235 {strides = array<i32>} : memref<80x160xf32, #tpu.memory_space<vmem>>, vector<1x16xf32>,
        %get3A_236 = arith.index_cast %scan3A_107 : i32 to index
        %get3A_237 = arith.constant 144 : index
        %get3A_238 = tpu.vector_load %arg19[%get3A_236, %get3A_237] {strides = array<i32>} : memref<80x160xf32, #tpu.memory_space<vmem>>, vector<1x16xf32>,
        %get3A_239 = vector.shape_cast %get3A_238 : vector<1x16xf32> to vector<16xf32>
        %mul3A_240 = vector.broadcast %squeeze3A_224 : f32 to vector<16xf32>
        %mul3A_241 = arith.mulf %get3A_239, %mul3A_240 : vector<16xf32>
        %swap3A_242 = arith.index_cast %scan3A_107 : i32 to index
        %swap3A_243 = arith.constant 144 : index
        %swap3A_244 = tpu.vector_load %arg19[%swap3A_242, %swap3A_243] {strides = array<i32>} : memref<80x160xf32, #tpu.memory_space<vmem>>, vector<1x16xf32>,
        %swap3A_245 = vector.shape_cast %swap3A_244 : vector<1x16xf32> to vector<16xf32>
        %swap3A_246 = vector.shape_cast %mul3A_241 : vector<16xf32> to vector<1x16xf32>
        tpu.vector_store %arg19[%swap3A_242, %swap3A_243], %swap3A_246 {strides = array<i32>} : memref<80x160xf32, #tpu.memory_space<vmem>>, vector<1x16xf32>,
        %scan3A_247 = arith.constant 0 : i32
        %scan3A_248 = arith.constant 1 : i32
        %scan3A_249 = arith.addi %scan3A_107, %scan3A_248 : i32
        %get3A_250 = arith.index_cast %scan3A_249 : i32 to index
        %get3A_251 = arith.constant 0 : index
        %get3A_252 = tpu.vector_load %arg20[%get3A_250, %get3A_251] {strides = array<i32>} : memref<80x16xf32, #tpu.memory_space<vmem>>, vector<1x16xf32>,
        %get3A_253 = vector.shape_cast %get3A_252 : vector<1x16xf32> to vector<16xf32>
        %get3A_254 = arith.index_cast %scan3A_249 : i32 to index
        %get3A_255 = arith.constant 0 : index
        %get3A_256 = tpu.vector_load %arg21[%get3A_254, %get3A_255] {strides = array<i32>} : memref<80x16xf32, #tpu.memory_space<vmem>>, vector<1x16xf32>,
        %get3A_257 = vector.shape_cast %get3A_256 : vector<1x16xf32> to vector<16xf32>
        %add3A_258 = arith.addf %get3A_253, %get3A_257 : vector<16xf32>
        %gt3A_259 = arith.constant 0.000000e+00 : f32
        %gt3A_260 = vector.broadcast %gt3A_259 : f32 to vector<16xf32>
        %gt3A_261 = arith.cmpf ogt, %add3A_258, %gt3A_260 : vector<16xf32>
        %mul3A_262 = arith.constant 2.000000e-01 : f32
        %mul3A_263 = vector.broadcast %mul3A_262 : f32 to vector<16xf32>
        %mul3A_264 = arith.mulf %mul3A_263, %add3A_258 : vector<16xf32>
        %select_n3A_265 = arith.select %gt3A_261, %add3A_258, %mul3A_264 : vector<16xi1>, vector<16xf32>
        %sub3A_266 = arith.subf %select_n3A_265, %max3A_29 : vector<16xf32>
        %exp3A_267 = math.exp %sub3A_266 : vector<16xf32>
        %swap3A_268 = arith.index_cast %scan3A_249 : i32 to index
        %swap3A_269 = arith.constant 0 : index
        %swap3A_270 = tpu.vector_load %arg22[%swap3A_268, %swap3A_269] {strides = array<i32>} : memref<80x16xf32, #tpu.memory_space<vmem>>, vector<1x16xf32>,
        %swap3A_271 = vector.shape_cast %swap3A_270 : vector<1x16xf32> to vector<16xf32>
        %swap3A_272 = vector.shape_cast %exp3A_267 : vector<16xf32> to vector<1x16xf32>
        tpu.vector_store %arg22[%swap3A_268, %swap3A_269], %swap3A_272 {strides = array<i32>} : memref<80x16xf32, #tpu.memory_space<vmem>>, vector<1x16xf32>,
        %slice3A_273 = vector.extract_strided_slice %exp3A_267 {offsets = [0], sizes = [1], strides = [1]} : vector<16xf32> to vector<1xf32>
        %squeeze3A_274 = vector.extract %slice3A_273[0] : f32 from vector<1xf32>
        %get3A_275 = arith.index_cast %scan3A_249 : i32 to index
        %get3A_276 = arith.constant 0 : index
        %get3A_277 = tpu.vector_load %arg19[%get3A_275, %get3A_276] {strides = array<i32>} : memref<80x160xf32, #tpu.memory_space<vmem>>, vector<1x16xf32>,
        %get3A_278 = vector.shape_cast %get3A_277 : vector<1x16xf32> to vector<16xf32>
        %mul3A_279 = vector.broadcast %squeeze3A_274 : f32 to vector<16xf32>
        %mul3A_280 = arith.mulf %get3A_278, %mul3A_279 : vector<16xf32>
        %swap3A_281 = arith.index_cast %scan3A_249 : i32 to index
        %swap3A_282 = arith.constant 0 : index
        %swap3A_283 = tpu.vector_load %arg19[%swap3A_281, %swap3A_282] {strides = array<i32>} : memref<80x160xf32, #tpu.memory_space<vmem>>, vector<1x16xf32>,
        %swap3A_284 = vector.shape_cast %swap3A_283 : vector<1x16xf32> to vector<16xf32>
        %swap3A_285 = vector.shape_cast %mul3A_280 : vector<16xf32> to vector<1x16xf32>
        tpu.vector_store %arg19[%swap3A_281, %swap3A_282], %swap3A_285 {strides = array<i32>} : memref<80x160xf32, #tpu.memory_space<vmem>>, vector<1x16xf32>,
        %get3A_286 = arith.index_cast %scan3A_249 : i32 to index
        %get3A_287 = arith.constant 16 : index
        %get3A_288 = tpu.vector_load %arg19[%get3A_286, %get3A_287] {strides = array<i32>} : memref<80x160xf32, #tpu.memory_space<vmem>>, vector<1x16xf32>,
        %get3A_289 = vector.shape_cast %get3A_288 : vector<1x16xf32> to vector<16xf32>
        %mul3A_290 = vector.broadcast %squeeze3A_274 : f32 to vector<16xf32>
        %mul3A_291 = arith.mulf %get3A_289, %mul3A_290 : vector<16xf32>
        %swap3A_292 = arith.index_cast %scan3A_249 : i32 to index
        %swap3A_293 = arith.constant 16 : index
        %swap3A_294 = tpu.vector_load %arg19[%swap3A_292, %swap3A_293] {strides = array<i32>} : memref<80x160xf32, #tpu.memory_space<vmem>>, vector<1x16xf32>,
        %swap3A_295 = vector.shape_cast %swap3A_294 : vector<1x16xf32> to vector<16xf32>
        %swap3A_296 = vector.shape_cast %mul3A_291 : vector<16xf32> to vector<1x16xf32>
        tpu.vector_store %arg19[%swap3A_292, %swap3A_293], %swap3A_296 {strides = array<i32>} : memref<80x160xf32, #tpu.memory_space<vmem>>, vector<1x16xf32>,
        %slice3A_297 = vector.extract_strided_slice %exp3A_267 {offsets = [1], sizes = [1], strides = [1]} : vector<16xf32> to vector<1xf32>
        %squeeze3A_298 = vector.extract %slice3A_297[0] : f32 from vector<1xf32>
        %get3A_299 = arith.index_cast %scan3A_249 : i32 to index
        %get3A_300 = arith.constant 32 : index
        %get3A_301 = tpu.vector_load %arg19[%get3A_299, %get3A_300] {strides = array<i32>} : memref<80x160xf32, #tpu.memory_space<vmem>>, vector<1x16xf32>,
        %get3A_302 = vector.shape_cast %get3A_301 : vector<1x16xf32> to vector<16xf32>
        %mul3A_303 = vector.broadcast %squeeze3A_298 : f32 to vector<16xf32>
        %mul3A_304 = arith.mulf %get3A_302, %mul3A_303 : vector<16xf32>
        %swap3A_305 = arith.index_cast %scan3A_249 : i32 to index
        %swap3A_306 = arith.constant 32 : index
        %swap3A_307 = tpu.vector_load %arg19[%swap3A_305, %swap3A_306] {strides = array<i32>} : memref<80x160xf32, #tpu.memory_space<vmem>>, vector<1x16xf32>,
        %swap3A_308 = vector.shape_cast %swap3A_307 : vector<1x16xf32> to vector<16xf32>
        %swap3A_309 = vector.shape_cast %mul3A_304 : vector<16xf32> to vector<1x16xf32>
        tpu.vector_store %arg19[%swap3A_305, %swap3A_306], %swap3A_309 {strides = array<i32>} : memref<80x160xf32, #tpu.memory_space<vmem>>, vector<1x16xf32>,
        %get3A_310 = arith.index_cast %scan3A_249 : i32 to index
        %get3A_311 = arith.constant 48 : index
        %get3A_312 = tpu.vector_load %arg19[%get3A_310, %get3A_311] {strides = array<i32>} : memref<80x160xf32, #tpu.memory_space<vmem>>, vector<1x16xf32>,
        %get3A_313 = vector.shape_cast %get3A_312 : vector<1x16xf32> to vector<16xf32>
        %mul3A_314 = vector.broadcast %squeeze3A_298 : f32 to vector<16xf32>
        %mul3A_315 = arith.mulf %get3A_313, %mul3A_314 : vector<16xf32>
        %swap3A_316 = arith.index_cast %scan3A_249 : i32 to index
        %swap3A_317 = arith.constant 48 : index
        %swap3A_318 = tpu.vector_load %arg19[%swap3A_316, %swap3A_317] {strides = array<i32>} : memref<80x160xf32, #tpu.memory_space<vmem>>, vector<1x16xf32>,
        %swap3A_319 = vector.shape_cast %swap3A_318 : vector<1x16xf32> to vector<16xf32>
        %swap3A_320 = vector.shape_cast %mul3A_315 : vector<16xf32> to vector<1x16xf32>
        tpu.vector_store %arg19[%swap3A_316, %swap3A_317], %swap3A_320 {strides = array<i32>} : memref<80x160xf32, #tpu.memory_space<vmem>>, vector<1x16xf32>,
        %slice3A_321 = vector.extract_strided_slice %exp3A_267 {offsets = [2], sizes = [1], strides = [1]} : vector<16xf32> to vector<1xf32>
        %squeeze3A_322 = vector.extract %slice3A_321[0] : f32 from vector<1xf32>
        %get3A_323 = arith.index_cast %scan3A_249 : i32 to index
        %get3A_324 = arith.constant 64 : index
        %get3A_325 = tpu.vector_load %arg19[%get3A_323, %get3A_324] {strides = array<i32>} : memref<80x160xf32, #tpu.memory_space<vmem>>, vector<1x16xf32>,
        %get3A_326 = vector.shape_cast %get3A_325 : vector<1x16xf32> to vector<16xf32>
        %mul3A_327 = vector.broadcast %squeeze3A_322 : f32 to vector<16xf32>
        %mul3A_328 = arith.mulf %get3A_326, %mul3A_327 : vector<16xf32>
        %swap3A_329 = arith.index_cast %scan3A_249 : i32 to index
        %swap3A_330 = arith.constant 64 : index
        %swap3A_331 = tpu.vector_load %arg19[%swap3A_329, %swap3A_330] {strides = array<i32>} : memref<80x160xf32, #tpu.memory_space<vmem>>, vector<1x16xf32>,
        %swap3A_332 = vector.shape_cast %swap3A_331 : vector<1x16xf32> to vector<16xf32>
        %swap3A_333 = vector.shape_cast %mul3A_328 : vector<16xf32> to vector<1x16xf32>
        tpu.vector_store %arg19[%swap3A_329, %swap3A_330], %swap3A_333 {strides = array<i32>} : memref<80x160xf32, #tpu.memory_space<vmem>>, vector<1x16xf32>,
        %get3A_334 = arith.index_cast %scan3A_249 : i32 to index
        %get3A_335 = arith.constant 80 : index
        %get3A_336 = tpu.vector_load %arg19[%get3A_334, %get3A_335] {strides = array<i32>} : memref<80x160xf32, #tpu.memory_space<vmem>>, vector<1x16xf32>,
        %get3A_337 = vector.shape_cast %get3A_336 : vector<1x16xf32> to vector<16xf32>
        %mul3A_338 = vector.broadcast %squeeze3A_322 : f32 to vector<16xf32>
        %mul3A_339 = arith.mulf %get3A_337, %mul3A_338 : vector<16xf32>
        %swap3A_340 = arith.index_cast %scan3A_249 : i32 to index
        %swap3A_341 = arith.constant 80 : index
        %swap3A_342 = tpu.vector_load %arg19[%swap3A_340, %swap3A_341] {strides = array<i32>} : memref<80x160xf32, #tpu.memory_space<vmem>>, vector<1x16xf32>,
        %swap3A_343 = vector.shape_cast %swap3A_342 : vector<1x16xf32> to vector<16xf32>
        %swap3A_344 = vector.shape_cast %mul3A_339 : vector<16xf32> to vector<1x16xf32>
        tpu.vector_store %arg19[%swap3A_340, %swap3A_341], %swap3A_344 {strides = array<i32>} : memref<80x160xf32, #tpu.memory_space<vmem>>, vector<1x16xf32>,
        %slice3A_345 = vector.extract_strided_slice %exp3A_267 {offsets = [3], sizes = [1], strides = [1]} : vector<16xf32> to vector<1xf32>
        %squeeze3A_346 = vector.extract %slice3A_345[0] : f32 from vector<1xf32>
        %get3A_347 = arith.index_cast %scan3A_249 : i32 to index
        %get3A_348 = arith.constant 96 : index
        %get3A_349 = tpu.vector_load %arg19[%get3A_347, %get3A_348] {strides = array<i32>} : memref<80x160xf32, #tpu.memory_space<vmem>>, vector<1x16xf32>,
        %get3A_350 = vector.shape_cast %get3A_349 : vector<1x16xf32> to vector<16xf32>
        %mul3A_351 = vector.broadcast %squeeze3A_346 : f32 to vector<16xf32>
        %mul3A_352 = arith.mulf %get3A_350, %mul3A_351 : vector<16xf32>
        %swap3A_353 = arith.index_cast %scan3A_249 : i32 to index
        %swap3A_354 = arith.constant 96 : index
        %swap3A_355 = tpu.vector_load %arg19[%swap3A_353, %swap3A_354] {strides = array<i32>} : memref<80x160xf32, #tpu.memory_space<vmem>>, vector<1x16xf32>,
        %swap3A_356 = vector.shape_cast %swap3A_355 : vector<1x16xf32> to vector<16xf32>
        %swap3A_357 = vector.shape_cast %mul3A_352 : vector<16xf32> to vector<1x16xf32>
        tpu.vector_store %arg19[%swap3A_353, %swap3A_354], %swap3A_357 {strides = array<i32>} : memref<80x160xf32, #tpu.memory_space<vmem>>, vector<1x16xf32>,
        %get3A_358 = arith.index_cast %scan3A_249 : i32 to index
        %get3A_359 = arith.constant 112 : index
        %get3A_360 = tpu.vector_load %arg19[%get3A_358, %get3A_359] {strides = array<i32>} : memref<80x160xf32, #tpu.memory_space<vmem>>, vector<1x16xf32>,
        %get3A_361 = vector.shape_cast %get3A_360 : vector<1x16xf32> to vector<16xf32>
        %mul3A_362 = vector.broadcast %squeeze3A_346 : f32 to vector<16xf32>
        %mul3A_363 = arith.mulf %get3A_361, %mul3A_362 : vector<16xf32>
        %swap3A_364 = arith.index_cast %scan3A_249 : i32 to index
        %swap3A_365 = arith.constant 112 : index
        %swap3A_366 = tpu.vector_load %arg19[%swap3A_364, %swap3A_365] {strides = array<i32>} : memref<80x160xf32, #tpu.memory_space<vmem>>, vector<1x16xf32>,
        %swap3A_367 = vector.shape_cast %swap3A_366 : vector<1x16xf32> to vector<16xf32>
        %swap3A_368 = vector.shape_cast %mul3A_363 : vector<16xf32> to vector<1x16xf32>
        tpu.vector_store %arg19[%swap3A_364, %swap3A_365], %swap3A_368 {strides = array<i32>} : memref<80x160xf32, #tpu.memory_space<vmem>>, vector<1x16xf32>,
        %slice3A_369 = vector.extract_strided_slice %exp3A_267 {offsets = [4], sizes = [1], strides = [1]} : vector<16xf32> to vector<1xf32>
        %squeeze3A_370 = vector.extract %slice3A_369[0] : f32 from vector<1xf32>
        %get3A_371 = arith.index_cast %scan3A_249 : i32 to index
        %get3A_372 = arith.constant 128 : index
        %get3A_373 = tpu.vector_load %arg19[%get3A_371, %get3A_372] {strides = array<i32>} : memref<80x160xf32, #tpu.memory_space<vmem>>, vector<1x16xf32>,
        %get3A_374 = vector.shape_cast %get3A_373 : vector<1x16xf32> to vector<16xf32>
        %mul3A_375 = vector.broadcast %squeeze3A_370 : f32 to vector<16xf32>
        %mul3A_376 = arith.mulf %get3A_374, %mul3A_375 : vector<16xf32>
        %swap3A_377 = arith.index_cast %scan3A_249 : i32 to index
        %swap3A_378 = arith.constant 128 : index
        %swap3A_379 = tpu.vector_load %arg19[%swap3A_377, %swap3A_378] {strides = array<i32>} : memref<80x160xf32, #tpu.memory_space<vmem>>, vector<1x16xf32>,
        %swap3A_380 = vector.shape_cast %swap3A_379 : vector<1x16xf32> to vector<16xf32>
        %swap3A_381 = vector.shape_cast %mul3A_376 : vector<16xf32> to vector<1x16xf32>
        tpu.vector_store %arg19[%swap3A_377, %swap3A_378], %swap3A_381 {strides = array<i32>} : memref<80x160xf32, #tpu.memory_space<vmem>>, vector<1x16xf32>,
        %get3A_382 = arith.index_cast %scan3A_249 : i32 to index
        %get3A_383 = arith.constant 144 : index
        %get3A_384 = tpu.vector_load %arg19[%get3A_382, %get3A_383] {strides = array<i32>} : memref<80x160xf32, #tpu.memory_space<vmem>>, vector<1x16xf32>,
        %get3A_385 = vector.shape_cast %get3A_384 : vector<1x16xf32> to vector<16xf32>
        %mul3A_386 = vector.broadcast %squeeze3A_370 : f32 to vector<16xf32>
        %mul3A_387 = arith.mulf %get3A_385, %mul3A_386 : vector<16xf32>
        %swap3A_388 = arith.index_cast %scan3A_249 : i32 to index
        %swap3A_389 = arith.constant 144 : index
        %swap3A_390 = tpu.vector_load %arg19[%swap3A_388, %swap3A_389] {strides = array<i32>} : memref<80x160xf32, #tpu.memory_space<vmem>>, vector<1x16xf32>,
        %swap3A_391 = vector.shape_cast %swap3A_390 : vector<1x16xf32> to vector<16xf32>
        %swap3A_392 = vector.shape_cast %mul3A_387 : vector<16xf32> to vector<1x16xf32>
        tpu.vector_store %arg19[%swap3A_388, %swap3A_389], %swap3A_392 {strides = array<i32>} : memref<80x160xf32, #tpu.memory_space<vmem>>, vector<1x16xf32>,
        %scan3A_393 = arith.constant 0 : i32
        scf.yield %scan3A_393 : i32
      }
      %scan3A_105 = arith.constant 80 : i32
      "tpu.region"() ({
        %run_scoped3A = tpu.sem_alloc : memref<!tpu.dma_semaphore, #tpu.memory_space<semaphore_mem>>
        %dma_start3A_107 = arith.constant 0 : i32
        %dma_start3A_108 = arith.constant 0 : i32
        %dma_start3A_109 = tpu.memref_slice %arg22[%dma_start3A_107, %dma_start3A_108] : memref<80x16xf32, #tpu.memory_space<vmem>> -> memref<80x16xf32, #tpu.memory_space<vmem>>
        %dma_start3A_110 = arith.constant 0 : i32
        %dma_start3A_111 = arith.constant 0 : i32
        %dma_start3A_112 = tpu.memref_slice %arg15[%dma_start3A_110, %dma_start3A_111] : memref<10240x16xf32, #tpu.memory_space<vmem_shared>> -> memref<10240x16xf32, #tpu.memory_space<vmem_shared>>
        tpu.enqueue_indirect_dma source(%dma_start3A_109 : memref<80x16xf32, #tpu.memory_space<vmem>>) target(%dma_start3A_112 : memref<10240x16xf32, #tpu.memory_space<vmem_shared>>) offsets(%arg24 : memref<80xi32, #tpu.memory_space<vmem>>) semaphore(%run_scoped3A : memref<!tpu.dma_semaphore, #tpu.memory_space<semaphore_mem>>) {add = true}
        %dma_wait3A_113 = arith.constant 0 : i32
        %dma_wait3A_114 = arith.constant 0 : i32
        %dma_wait3A_115 = tpu.memref_slice %arg22[%dma_wait3A_113, %dma_wait3A_114] : memref<80x16xf32, #tpu.memory_space<vmem>> -> memref<80x16xf32, #tpu.memory_space<vmem>>
        %dma_wait3A_116 = arith.constant 0 : i32
        %dma_wait3A_117 = arith.constant 0 : i32
        %dma_wait3A_118 = tpu.memref_slice %arg15[%dma_wait3A_116, %dma_wait3A_117] : memref<10240x16xf32, #tpu.memory_space<vmem_shared>> -> memref<10240x16xf32, #tpu.memory_space<vmem_shared>>
        tpu.wait_indirect_dma semaphore(%run_scoped3A : memref<!tpu.dma_semaphore, #tpu.memory_space<semaphore_mem>>) src(%dma_wait3A_115 : memref<80x16xf32, #tpu.memory_space<vmem>>) dst(%dma_wait3A_118 : memref<10240x16xf32, #tpu.memory_space<vmem_shared>>)
        tpu.yield
      }) : () -> ()
      "tpu.region"() ({
        %run_scoped3A = tpu.sem_alloc : memref<!tpu.dma_semaphore, #tpu.memory_space<semaphore_mem>>
        %dma_start3A_107 = arith.constant 0 : i32
        %dma_start3A_108 = arith.constant 0 : i32
        %dma_start3A_109 = tpu.memref_slice %arg19[%dma_start3A_107, %dma_start3A_108] : memref<80x160xf32, #tpu.memory_space<vmem>> -> memref<80x160xf32, #tpu.memory_space<vmem>>
        %dma_start3A_110 = arith.constant 0 : i32
        %dma_start3A_111 = arith.constant 0 : i32
        %dma_start3A_112 = tpu.memref_slice %arg14[%dma_start3A_110, %dma_start3A_111] : memref<10240x160xf32, #tpu.memory_space<vmem_shared>> -> memref<10240x160xf32, #tpu.memory_space<vmem_shared>>
        tpu.enqueue_indirect_dma source(%dma_start3A_109 : memref<80x160xf32, #tpu.memory_space<vmem>>) target(%dma_start3A_112 : memref<10240x160xf32, #tpu.memory_space<vmem_shared>>) offsets(%arg24 : memref<80xi32, #tpu.memory_space<vmem>>) semaphore(%run_scoped3A : memref<!tpu.dma_semaphore, #tpu.memory_space<semaphore_mem>>) {add = true}
        %dma_wait3A_113 = arith.constant 0 : i32
        %dma_wait3A_114 = arith.constant 0 : i32
        %dma_wait3A_115 = tpu.memref_slice %arg19[%dma_wait3A_113, %dma_wait3A_114] : memref<80x160xf32, #tpu.memory_space<vmem>> -> memref<80x160xf32, #tpu.memory_space<vmem>>
        %dma_wait3A_116 = arith.constant 0 : i32
        %dma_wait3A_117 = arith.constant 0 : i32
        %dma_wait3A_118 = tpu.memref_slice %arg14[%dma_wait3A_116, %dma_wait3A_117] : memref<10240x160xf32, #tpu.memory_space<vmem_shared>> -> memref<10240x160xf32, #tpu.memory_space<vmem_shared>>
        tpu.wait_indirect_dma semaphore(%run_scoped3A : memref<!tpu.dma_semaphore, #tpu.memory_space<semaphore_mem>>) src(%dma_wait3A_115 : memref<80x160xf32, #tpu.memory_space<vmem>>) dst(%dma_wait3A_118 : memref<10240x160xf32, #tpu.memory_space<vmem_shared>>)
        tpu.yield
      }) : () -> ()
      %scan3A_106 = arith.constant 0 : i32
      scf.yield %scan3A_106 : i32
    }
    %scan3A_39 = arith.constant 125 : i32
    %barrier3A_40 = arith.constant 0 : index
    tpu.barrier barrier_id(%barrier3A_40)
    %mul3A_41 = arith.constant 10240 : i32
    %mul3A_42 = arith.muli %arg0, %mul3A_41 : i32
    %add3A_43 = arith.addi %mul3A_42, %mul3A_0 : i32
    "tpu.region"() ({
      %run_scoped3A = tpu.sem_alloc : memref<!tpu.dma_semaphore, #tpu.memory_space<semaphore_mem>>
      %dma_start3A = arith.constant 0 : i32
      %dma_start3A_44 = tpu.memref_slice %arg12[%add3A_43, %dma_start3A] : memref<20480x160xf32, #tpu.memory_space<hbm>> -> memref<640x160xf32, #tpu.memory_space<hbm>>
      %dma_start3A_45 = arith.constant 0 : i32
      %dma_start3A_46 = tpu.memref_slice %arg14[%mul3A_0, %dma_start3A_45] : memref<10240x160xf32, #tpu.memory_space<vmem_shared>> -> memref<640x160xf32, #tpu.memory_space<vmem_shared>>
      tpu.enqueue_dma source(%dma_start3A_46 : memref<640x160xf32, #tpu.memory_space<vmem_shared>>) target(%dma_start3A_44 : memref<640x160xf32, #tpu.memory_space<hbm>>) target_semaphore(%run_scoped3A : memref<!tpu.dma_semaphore, #tpu.memory_space<semaphore_mem>>)
      %dma_wait3A = arith.constant 0 : i32
      %dma_wait3A_47 = tpu.memref_slice %arg12[%add3A_43, %dma_wait3A] : memref<20480x160xf32, #tpu.memory_space<hbm>> -> memref<640x160xf32, #tpu.memory_space<hbm>>
      %dma_wait3A_48 = arith.constant 0 : i32
      %dma_wait3A_49 = tpu.memref_slice %arg14[%mul3A_0, %dma_wait3A_48] : memref<10240x160xf32, #tpu.memory_space<vmem_shared>> -> memref<640x160xf32, #tpu.memory_space<vmem_shared>>
      tpu.wait_dma2 semaphore(%run_scoped3A : memref<!tpu.dma_semaphore, #tpu.memory_space<semaphore_mem>>) src(%dma_wait3A_49 : memref<640x160xf32, #tpu.memory_space<vmem_shared>>) dst(%dma_wait3A_47 : memref<640x160xf32, #tpu.memory_space<hbm>>)
      tpu.yield
    }) : () -> ()
    "tpu.region"() ({
      %run_scoped3A = tpu.sem_alloc : memref<!tpu.dma_semaphore, #tpu.memory_space<semaphore_mem>>
      %dma_start3A = arith.constant 0 : i32
      %dma_start3A_44 = tpu.memref_slice %arg13[%add3A_43, %dma_start3A] : memref<20480x16xf32, #tpu.memory_space<hbm>> -> memref<640x16xf32, #tpu.memory_space<hbm>>
      %dma_start3A_45 = arith.constant 0 : i32
      %dma_start3A_46 = tpu.memref_slice %arg15[%mul3A_0, %dma_start3A_45] : memref<10240x16xf32, #tpu.memory_space<vmem_shared>> -> memref<640x16xf32, #tpu.memory_space<vmem_shared>>
      tpu.enqueue_dma source(%dma_start3A_46 : memref<640x16xf32, #tpu.memory_space<vmem_shared>>) target(%dma_start3A_44 : memref<640x16xf32, #tpu.memory_space<hbm>>) target_semaphore(%run_scoped3A : memref<!tpu.dma_semaphore, #tpu.memory_space<semaphore_mem>>)
      %dma_wait3A = arith.constant 0 : i32
      %dma_wait3A_47 = tpu.memref_slice %arg13[%add3A_43, %dma_wait3A] : memref<20480x16xf32, #tpu.memory_space<hbm>> -> memref<640x16xf32, #tpu.memory_space<hbm>>
      %dma_wait3A_48 = arith.constant 0 : i32
      %dma_wait3A_49 = tpu.memref_slice %arg15[%mul3A_0, %dma_wait3A_48] : memref<10240x16xf32, #tpu.memory_space<vmem_shared>> -> memref<640x16xf32, #tpu.memory_space<vmem_shared>>
      tpu.wait_dma2 semaphore(%run_scoped3A : memref<!tpu.dma_semaphore, #tpu.memory_space<semaphore_mem>>) src(%dma_wait3A_49 : memref<640x16xf32, #tpu.memory_space<vmem_shared>>) dst(%dma_wait3A_47 : memref<640x16xf32, #tpu.memory_space<hbm>>)
      tpu.yield
    }) : () -> ()
    return
  }
}

#map = affine_map<(d0, d1) -> (0, 0)>
#map1 = affine_map<(d0, d1) -> (0)>
module attributes {stable_mosaic.version = 14 : i64} {
  func.func @_sc_edge_body(%arg0: i32, %arg1: i32, %arg2: memref<10000x32xf32, #tpu.memory_space<hbm>>, %arg3: memref<160000xi32, #tpu.memory_space<hbm>>, %arg4: memref<320000xi32, #tpu.memory_space<hbm>>, %arg5: memref<160000xi32, #tpu.memory_space<hbm>>, %arg6: memref<320000xi32, #tpu.memory_space<hbm>>, %arg7: memref<20000x16xf32, #tpu.memory_space<hbm>>, %arg8: memref<20000x16xf32, #tpu.memory_space<hbm>>, %arg9: memref<4x16xf32, #tpu.memory_space<hbm>>, %arg10: memref<640x32xf32, #tpu.memory_space<hbm>>, %arg11: memref<640x16xf32, #tpu.memory_space<hbm>>, %arg12: memref<20480x32xf32, #tpu.memory_space<hbm>>, %arg13: memref<20480x16xf32, #tpu.memory_space<hbm>>, %arg14: memref<10240x32xf32, #tpu.memory_space<vmem_shared>>, %arg15: memref<10240x16xf32, #tpu.memory_space<vmem_shared>>, %arg16: memref<200xi32, #tpu.memory_space<vmem>>, %arg17: memref<200xi32, #tpu.memory_space<vmem>>, %arg18: memref<200xi32, #tpu.memory_space<vmem>>, %arg19: memref<200xi32, #tpu.memory_space<vmem>>, %arg20: memref<200xi32, #tpu.memory_space<vmem>>, %arg21: memref<200xi32, #tpu.memory_space<vmem>>, %arg22: memref<200x32xf32, #tpu.memory_space<vmem>>, %arg23: memref<200x32xf32, #tpu.memory_space<vmem>>, %arg24: memref<200x16xf32, #tpu.memory_space<vmem>>, %arg25: memref<200x16xf32, #tpu.memory_space<vmem>>, %arg26: memref<200x16xf32, #tpu.memory_space<vmem>>, %arg27: memref<200x16xf32, #tpu.memory_space<vmem>>, %arg28: memref<200x16xf32, #tpu.memory_space<vmem>>, %arg29: memref<200x16xf32, #tpu.memory_space<vmem>>, %arg30: memref<4x16xf32, #tpu.memory_space<vmem>>, %arg31: memref<128xi32, #tpu.memory_space<vmem>>, %arg32: memref<72xi32, #tpu.memory_space<vmem>>, %arg33: memref<128xi32, #tpu.memory_space<vmem>>, %arg34: memref<72xi32, #tpu.memory_space<vmem>>, %arg35: memref<!tpu.dma_semaphore, #tpu.memory_space<semaphore_mem>>, %arg36: memref<!tpu.dma_semaphore, #tpu.memory_space<semaphore_mem>>, %arg37: memref<!tpu.dma_semaphore, #tpu.memory_space<semaphore_mem>>, %arg38: memref<!tpu.dma_semaphore, #tpu.memory_space<semaphore_mem>>, %arg39: memref<!tpu.dma_semaphore, #tpu.memory_space<semaphore_mem>>, %arg40: memref<!tpu.dma_semaphore, #tpu.memory_space<semaphore_mem>>) attributes {dimension_semantics = [#tpu.dimension_semantics<core_parallel>, #tpu.dimension_semantics<subcore_parallel>], iteration_bounds = array<i64: 2, 16>, scalar_prefetch = 0 : i64, scratch_operands = 27 : i64, tpu.core_type = #tpu.core_type<sc_vector_subcore>, window_params = [{transform_indices = #map}, {transform_indices = #map1}, {transform_indices = #map1}, {transform_indices = #map1}, {transform_indices = #map1}, {transform_indices = #map}, {transform_indices = #map}, {transform_indices = #map}, {transform_indices = #map}, {transform_indices = #map}, {transform_indices = #map}, {transform_indices = #map}]} {
    %mul3A = arith.constant 640 : i32
    %mul3A_0 = arith.muli %arg1, %mul3A : i32
    "tpu.region"() ({
      %run_scoped3A = tpu.sem_alloc : memref<!tpu.dma_semaphore, #tpu.memory_space<semaphore_mem>>
      %dma_start3A_156 = arith.constant 0 : i32
      %dma_start3A_157 = tpu.memref_slice %arg14[%mul3A_0, %dma_start3A_156] : memref<10240x32xf32, #tpu.memory_space<vmem_shared>> -> memref<640x32xf32, #tpu.memory_space<vmem_shared>>
      tpu.enqueue_dma source(%arg10 : memref<640x32xf32, #tpu.memory_space<hbm>>) target(%dma_start3A_157 : memref<640x32xf32, #tpu.memory_space<vmem_shared>>) target_semaphore(%run_scoped3A : memref<!tpu.dma_semaphore, #tpu.memory_space<semaphore_mem>>)
      %dma_wait3A_158 = arith.constant 0 : i32
      %dma_wait3A_159 = tpu.memref_slice %arg14[%mul3A_0, %dma_wait3A_158] : memref<10240x32xf32, #tpu.memory_space<vmem_shared>> -> memref<640x32xf32, #tpu.memory_space<vmem_shared>>
      tpu.wait_dma2 semaphore(%run_scoped3A : memref<!tpu.dma_semaphore, #tpu.memory_space<semaphore_mem>>) src(%arg10 : memref<640x32xf32, #tpu.memory_space<hbm>>) dst(%dma_wait3A_159 : memref<640x32xf32, #tpu.memory_space<vmem_shared>>)
      tpu.yield
    }) : () -> ()
    "tpu.region"() ({
      %run_scoped3A = tpu.sem_alloc : memref<!tpu.dma_semaphore, #tpu.memory_space<semaphore_mem>>
      %dma_start3A_156 = arith.constant 0 : i32
      %dma_start3A_157 = tpu.memref_slice %arg15[%mul3A_0, %dma_start3A_156] : memref<10240x16xf32, #tpu.memory_space<vmem_shared>> -> memref<640x16xf32, #tpu.memory_space<vmem_shared>>
      tpu.enqueue_dma source(%arg11 : memref<640x16xf32, #tpu.memory_space<hbm>>) target(%dma_start3A_157 : memref<640x16xf32, #tpu.memory_space<vmem_shared>>) target_semaphore(%run_scoped3A : memref<!tpu.dma_semaphore, #tpu.memory_space<semaphore_mem>>)
      %dma_wait3A_158 = arith.constant 0 : i32
      %dma_wait3A_159 = tpu.memref_slice %arg15[%mul3A_0, %dma_wait3A_158] : memref<10240x16xf32, #tpu.memory_space<vmem_shared>> -> memref<640x16xf32, #tpu.memory_space<vmem_shared>>
      tpu.wait_dma2 semaphore(%run_scoped3A : memref<!tpu.dma_semaphore, #tpu.memory_space<semaphore_mem>>) src(%arg11 : memref<640x16xf32, #tpu.memory_space<hbm>>) dst(%dma_wait3A_159 : memref<640x16xf32, #tpu.memory_space<vmem_shared>>)
      tpu.yield
    }) : () -> ()
    "tpu.region"() ({
      %run_scoped3A = tpu.sem_alloc : memref<!tpu.dma_semaphore, #tpu.memory_space<semaphore_mem>>
      tpu.enqueue_dma source(%arg9 : memref<4x16xf32, #tpu.memory_space<hbm>>) target(%arg30 : memref<4x16xf32, #tpu.memory_space<vmem>>) target_semaphore(%run_scoped3A : memref<!tpu.dma_semaphore, #tpu.memory_space<semaphore_mem>>)
      tpu.wait_dma2 semaphore(%run_scoped3A : memref<!tpu.dma_semaphore, #tpu.memory_space<semaphore_mem>>) src(%arg9 : memref<4x16xf32, #tpu.memory_space<hbm>>) dst(%arg30 : memref<4x16xf32, #tpu.memory_space<vmem>>)
      tpu.yield
    }) : () -> ()
    %get3A = arith.constant 0 : i32
    %get3A_1 = arith.index_cast %get3A : i32 to index
    %get3A_2 = arith.constant 0 : index
    %get3A_3 = tpu.vector_load %arg30[%get3A_1, %get3A_2] {strides = array<i32>} : memref<4x16xf32, #tpu.memory_space<vmem>>, vector<1x16xf32>,
    %get3A_4 = vector.shape_cast %get3A_3 : vector<1x16xf32> to vector<16xf32>
    %get3A_5 = arith.constant 2 : i32
    %get3A_6 = arith.index_cast %get3A_5 : i32 to index
    %get3A_7 = arith.constant 0 : index
    %get3A_8 = tpu.vector_load %arg30[%get3A_6, %get3A_7] {strides = array<i32>} : memref<4x16xf32, #tpu.memory_space<vmem>>, vector<1x16xf32>,
    %get3A_9 = vector.shape_cast %get3A_8 : vector<1x16xf32> to vector<16xf32>
    %add3A = arith.addf %get3A_4, %get3A_9 : vector<16xf32>
    %get3A_10 = arith.constant 1 : i32
    %get3A_11 = arith.index_cast %get3A_10 : i32 to index
    %get3A_12 = arith.constant 0 : index
    %get3A_13 = tpu.vector_load %arg30[%get3A_11, %get3A_12] {strides = array<i32>} : memref<4x16xf32, #tpu.memory_space<vmem>>, vector<1x16xf32>,
    %get3A_14 = vector.shape_cast %get3A_13 : vector<1x16xf32> to vector<16xf32>
    %get3A_15 = arith.constant 3 : i32
    %get3A_16 = arith.index_cast %get3A_15 : i32 to index
    %get3A_17 = arith.constant 0 : index
    %get3A_18 = tpu.vector_load %arg30[%get3A_16, %get3A_17] {strides = array<i32>} : memref<4x16xf32, #tpu.memory_space<vmem>>, vector<1x16xf32>,
    %get3A_19 = vector.shape_cast %get3A_18 : vector<1x16xf32> to vector<16xf32>
    %add3A_20 = arith.addf %get3A_14, %get3A_19 : vector<16xf32>
    %eq3A = arith.constant 0 : i32
    %eq3A_21 = arith.cmpi eq, %arg0, %eq3A : i32
    %select_n3A = arith.select %eq3A_21, %add3A, %add3A_20 : vector<16xf32>
    %gt3A = arith.constant 0.000000e+00 : f32
    %gt3A_22 = vector.broadcast %gt3A : f32 to vector<16xf32>
    %gt3A_23 = arith.cmpf ogt, %select_n3A, %gt3A_22 : vector<16xf32>
    %mul3A_24 = arith.constant 2.000000e-01 : f32
    %mul3A_25 = vector.broadcast %mul3A_24 : f32 to vector<16xf32>
    %mul3A_26 = arith.mulf %mul3A_25, %select_n3A : vector<16xf32>
    %select_n3A_27 = arith.select %gt3A_23, %select_n3A, %mul3A_26 : vector<16xi1>, vector<16xf32>
    %max3A = arith.constant 0.000000e+00 : f32
    %max3A_28 = vector.broadcast %max3A : f32 to vector<16xf32>
    %max3A_29 = arith.maximumf %select_n3A_27, %max3A_28 : vector<16xf32>
    %barrier3A = arith.constant 0 : index
    tpu.barrier barrier_id(%barrier3A)
    %mul3A_30 = arith.constant 80000 : i32
    %mul3A_31 = arith.muli %arg0, %mul3A_30 : i32
    %mul3A_32 = arith.constant 5000 : i32
    %mul3A_33 = arith.muli %arg1, %mul3A_32 : i32
    %add3A_34 = arith.addi %mul3A_31, %mul3A_33 : i32
    %mul3A_35 = arith.constant 160000 : i32
    %mul3A_36 = arith.muli %arg0, %mul3A_35 : i32
    %add3A_37 = arith.constant 0 : i32
    %add3A_38 = arith.addi %add3A_34, %add3A_37 : i32
    "tpu.region"() ({
      %run_scoped3A = tpu.sem_alloc : memref<!tpu.dma_semaphore, #tpu.memory_space<semaphore_mem>>
      %dma_start3A_156 = tpu.memref_slice %arg3[%add3A_38] : memref<160000xi32, #tpu.memory_space<hbm>> -> memref<200xi32, #tpu.memory_space<hbm>>
      %dma_start3A_157 = tpu.memref_slice %arg3[%add3A_38] : memref<160000xi32, #tpu.memory_space<hbm>> -> memref<200xi32, #tpu.memory_space<hbm>>
      tpu.enqueue_dma source(%dma_start3A_157 : memref<200xi32, #tpu.memory_space<hbm>>) target(%arg16 : memref<200xi32, #tpu.memory_space<vmem>>) target_semaphore(%run_scoped3A : memref<!tpu.dma_semaphore, #tpu.memory_space<semaphore_mem>>)
      %dma_wait3A_158 = tpu.memref_slice %arg3[%add3A_38] : memref<160000xi32, #tpu.memory_space<hbm>> -> memref<200xi32, #tpu.memory_space<hbm>>
      %dma_wait3A_159 = tpu.memref_slice %arg3[%add3A_38] : memref<160000xi32, #tpu.memory_space<hbm>> -> memref<200xi32, #tpu.memory_space<hbm>>
      tpu.wait_dma2 semaphore(%run_scoped3A : memref<!tpu.dma_semaphore, #tpu.memory_space<semaphore_mem>>) src(%dma_wait3A_159 : memref<200xi32, #tpu.memory_space<hbm>>) dst(%arg16 : memref<200xi32, #tpu.memory_space<vmem>>)
      tpu.yield
    }) : () -> ()
    %add3A_39 = arith.addi %mul3A_36, %add3A_38 : i32
    "tpu.region"() ({
      %run_scoped3A = tpu.sem_alloc : memref<!tpu.dma_semaphore, #tpu.memory_space<semaphore_mem>>
      %dma_start3A_156 = tpu.memref_slice %arg4[%add3A_39] : memref<320000xi32, #tpu.memory_space<hbm>> -> memref<200xi32, #tpu.memory_space<hbm>>
      %dma_start3A_157 = tpu.memref_slice %arg4[%add3A_39] : memref<320000xi32, #tpu.memory_space<hbm>> -> memref<200xi32, #tpu.memory_space<hbm>>
      tpu.enqueue_dma source(%dma_start3A_157 : memref<200xi32, #tpu.memory_space<hbm>>) target(%arg18 : memref<200xi32, #tpu.memory_space<vmem>>) target_semaphore(%run_scoped3A : memref<!tpu.dma_semaphore, #tpu.memory_space<semaphore_mem>>)
      %dma_wait3A_158 = tpu.memref_slice %arg4[%add3A_39] : memref<320000xi32, #tpu.memory_space<hbm>> -> memref<200xi32, #tpu.memory_space<hbm>>
      %dma_wait3A_159 = tpu.memref_slice %arg4[%add3A_39] : memref<320000xi32, #tpu.memory_space<hbm>> -> memref<200xi32, #tpu.memory_space<hbm>>
      tpu.wait_dma2 semaphore(%run_scoped3A : memref<!tpu.dma_semaphore, #tpu.memory_space<semaphore_mem>>) src(%dma_wait3A_159 : memref<200xi32, #tpu.memory_space<hbm>>) dst(%arg18 : memref<200xi32, #tpu.memory_space<vmem>>)
      tpu.yield
    }) : () -> ()
    %add3A_40 = arith.addi %mul3A_36, %add3A_38 : i32
    "tpu.region"() ({
      %run_scoped3A = tpu.sem_alloc : memref<!tpu.dma_semaphore, #tpu.memory_space<semaphore_mem>>
      %dma_start3A_156 = tpu.memref_slice %arg6[%add3A_40] : memref<320000xi32, #tpu.memory_space<hbm>> -> memref<200xi32, #tpu.memory_space<hbm>>
      %dma_start3A_157 = tpu.memref_slice %arg6[%add3A_40] : memref<320000xi32, #tpu.memory_space<hbm>> -> memref<200xi32, #tpu.memory_space<hbm>>
      tpu.enqueue_dma source(%dma_start3A_157 : memref<200xi32, #tpu.memory_space<hbm>>) target(%arg20 : memref<200xi32, #tpu.memory_space<vmem>>) target_semaphore(%run_scoped3A : memref<!tpu.dma_semaphore, #tpu.memory_space<semaphore_mem>>)
      %dma_wait3A_158 = tpu.memref_slice %arg6[%add3A_40] : memref<320000xi32, #tpu.memory_space<hbm>> -> memref<200xi32, #tpu.memory_space<hbm>>
      %dma_wait3A_159 = tpu.memref_slice %arg6[%add3A_40] : memref<320000xi32, #tpu.memory_space<hbm>> -> memref<200xi32, #tpu.memory_space<hbm>>
      tpu.wait_dma2 semaphore(%run_scoped3A : memref<!tpu.dma_semaphore, #tpu.memory_space<semaphore_mem>>) src(%dma_wait3A_159 : memref<200xi32, #tpu.memory_space<hbm>>) dst(%arg20 : memref<200xi32, #tpu.memory_space<vmem>>)
      tpu.yield
    }) : () -> ()
    %add3A_41 = arith.constant 0 : i32
    %add3A_42 = arith.addi %add3A_38, %add3A_41 : i32
    "tpu.region"() ({
      %run_scoped3A = tpu.sem_alloc : memref<!tpu.dma_semaphore, #tpu.memory_space<semaphore_mem>>
      %dma_start3A_156 = tpu.memref_slice %arg5[%add3A_42] : memref<160000xi32, #tpu.memory_space<hbm>> -> memref<128xi32, #tpu.memory_space<hbm>>
      %dma_start3A_157 = tpu.memref_slice %arg5[%add3A_42] : memref<160000xi32, #tpu.memory_space<hbm>> -> memref<128xi32, #tpu.memory_space<hbm>>
      tpu.enqueue_dma source(%dma_start3A_157 : memref<128xi32, #tpu.memory_space<hbm>>) target(%arg31 : memref<128xi32, #tpu.memory_space<vmem>>) target_semaphore(%run_scoped3A : memref<!tpu.dma_semaphore, #tpu.memory_space<semaphore_mem>>)
      %dma_wait3A_158 = tpu.memref_slice %arg5[%add3A_42] : memref<160000xi32, #tpu.memory_space<hbm>> -> memref<128xi32, #tpu.memory_space<hbm>>
      %dma_wait3A_159 = tpu.memref_slice %arg5[%add3A_42] : memref<160000xi32, #tpu.memory_space<hbm>> -> memref<128xi32, #tpu.memory_space<hbm>>
      tpu.wait_dma2 semaphore(%run_scoped3A : memref<!tpu.dma_semaphore, #tpu.memory_space<semaphore_mem>>) src(%dma_wait3A_159 : memref<128xi32, #tpu.memory_space<hbm>>) dst(%arg31 : memref<128xi32, #tpu.memory_space<vmem>>)
      tpu.yield
    }) : () -> ()
    %add3A_43 = arith.constant 128 : i32
    %add3A_44 = arith.addi %add3A_38, %add3A_43 : i32
    "tpu.region"() ({
      %run_scoped3A = tpu.sem_alloc : memref<!tpu.dma_semaphore, #tpu.memory_space<semaphore_mem>>
      %dma_start3A_156 = tpu.memref_slice %arg5[%add3A_44] : memref<160000xi32, #tpu.memory_space<hbm>> -> memref<72xi32, #tpu.memory_space<hbm>>
      %dma_start3A_157 = tpu.memref_slice %arg5[%add3A_44] : memref<160000xi32, #tpu.memory_space<hbm>> -> memref<72xi32, #tpu.memory_space<hbm>>
      tpu.enqueue_dma source(%dma_start3A_157 : memref<72xi32, #tpu.memory_space<hbm>>) target(%arg32 : memref<72xi32, #tpu.memory_space<vmem>>) target_semaphore(%run_scoped3A : memref<!tpu.dma_semaphore, #tpu.memory_space<semaphore_mem>>)
      %dma_wait3A_158 = tpu.memref_slice %arg5[%add3A_44] : memref<160000xi32, #tpu.memory_space<hbm>> -> memref<72xi32, #tpu.memory_space<hbm>>
      %dma_wait3A_159 = tpu.memref_slice %arg5[%add3A_44] : memref<160000xi32, #tpu.memory_space<hbm>> -> memref<72xi32, #tpu.memory_space<hbm>>
      tpu.wait_dma2 semaphore(%run_scoped3A : memref<!tpu.dma_semaphore, #tpu.memory_space<semaphore_mem>>) src(%dma_wait3A_159 : memref<72xi32, #tpu.memory_space<hbm>>) dst(%arg32 : memref<72xi32, #tpu.memory_space<vmem>>)
      tpu.yield
    }) : () -> ()
    %dma_start3A = arith.constant 0 : i32
    %dma_start3A_45 = arith.constant 0 : i32
    %dma_start3A_46 = tpu.memref_slice %arg22[%dma_start3A, %dma_start3A_45] : memref<200x32xf32, #tpu.memory_space<vmem>> -> memref<128x32xf32, #tpu.memory_space<vmem>>
    %dma_start3A_47 = arith.constant 0 : i32
    %dma_start3A_48 = tpu.memref_slice %arg16[%dma_start3A_47] : memref<200xi32, #tpu.memory_space<vmem>> -> memref<128xi32, #tpu.memory_space<vmem>>
    %dma_start3A_49 = arith.constant 0 : i32
    %dma_start3A_50 = arith.constant 0 : i32
    %dma_start3A_51 = tpu.memref_slice %arg2[%dma_start3A_49, %dma_start3A_50] : memref<10000x32xf32, #tpu.memory_space<hbm>> -> memref<10000x32xf32, #tpu.memory_space<hbm>>
    tpu.enqueue_indirect_dma source(%dma_start3A_51 : memref<10000x32xf32, #tpu.memory_space<hbm>>) target(%dma_start3A_46 : memref<128x32xf32, #tpu.memory_space<vmem>>) offsets(%dma_start3A_48 : memref<128xi32, #tpu.memory_space<vmem>>) semaphore(%arg35 : memref<!tpu.dma_semaphore, #tpu.memory_space<semaphore_mem>>)
    %dma_start3A_52 = arith.constant 0 : i32
    %dma_start3A_53 = arith.constant 0 : i32
    %dma_start3A_54 = tpu.memref_slice %arg24[%dma_start3A_52, %dma_start3A_53] : memref<200x16xf32, #tpu.memory_space<vmem>> -> memref<128x16xf32, #tpu.memory_space<vmem>>
    %dma_start3A_55 = arith.constant 0 : i32
    %dma_start3A_56 = tpu.memref_slice %arg18[%dma_start3A_55] : memref<200xi32, #tpu.memory_space<vmem>> -> memref<128xi32, #tpu.memory_space<vmem>>
    %dma_start3A_57 = arith.constant 0 : i32
    %dma_start3A_58 = arith.constant 0 : i32
    %dma_start3A_59 = tpu.memref_slice %arg7[%dma_start3A_57, %dma_start3A_58] : memref<20000x16xf32, #tpu.memory_space<hbm>> -> memref<20000x16xf32, #tpu.memory_space<hbm>>
    tpu.enqueue_indirect_dma source(%dma_start3A_59 : memref<20000x16xf32, #tpu.memory_space<hbm>>) target(%dma_start3A_54 : memref<128x16xf32, #tpu.memory_space<vmem>>) offsets(%dma_start3A_56 : memref<128xi32, #tpu.memory_space<vmem>>) semaphore(%arg37 : memref<!tpu.dma_semaphore, #tpu.memory_space<semaphore_mem>>)
    %dma_start3A_60 = arith.constant 0 : i32
    %dma_start3A_61 = arith.constant 0 : i32
    %dma_start3A_62 = tpu.memref_slice %arg26[%dma_start3A_60, %dma_start3A_61] : memref<200x16xf32, #tpu.memory_space<vmem>> -> memref<128x16xf32, #tpu.memory_space<vmem>>
    %dma_start3A_63 = arith.constant 0 : i32
    %dma_start3A_64 = tpu.memref_slice %arg20[%dma_start3A_63] : memref<200xi32, #tpu.memory_space<vmem>> -> memref<128xi32, #tpu.memory_space<vmem>>
    %dma_start3A_65 = arith.constant 0 : i32
    %dma_start3A_66 = arith.constant 0 : i32
    %dma_start3A_67 = tpu.memref_slice %arg8[%dma_start3A_65, %dma_start3A_66] : memref<20000x16xf32, #tpu.memory_space<hbm>> -> memref<20000x16xf32, #tpu.memory_space<hbm>>
    tpu.enqueue_indirect_dma source(%dma_start3A_67 : memref<20000x16xf32, #tpu.memory_space<hbm>>) target(%dma_start3A_62 : memref<128x16xf32, #tpu.memory_space<vmem>>) offsets(%dma_start3A_64 : memref<128xi32, #tpu.memory_space<vmem>>) semaphore(%arg39 : memref<!tpu.dma_semaphore, #tpu.memory_space<semaphore_mem>>)
    %dma_start3A_68 = arith.constant 128 : i32
    %dma_start3A_69 = arith.constant 0 : i32
    %dma_start3A_70 = tpu.memref_slice %arg22[%dma_start3A_68, %dma_start3A_69] : memref<200x32xf32, #tpu.memory_space<vmem>> -> memref<72x32xf32, #tpu.memory_space<vmem>>
    %dma_start3A_71 = arith.constant 128 : i32
    %dma_start3A_72 = tpu.memref_slice %arg16[%dma_start3A_71] : memref<200xi32, #tpu.memory_space<vmem>> -> memref<72xi32, #tpu.memory_space<vmem>>
    %dma_start3A_73 = arith.constant 0 : i32
    %dma_start3A_74 = arith.constant 0 : i32
    %dma_start3A_75 = tpu.memref_slice %arg2[%dma_start3A_73, %dma_start3A_74] : memref<10000x32xf32, #tpu.memory_space<hbm>> -> memref<10000x32xf32, #tpu.memory_space<hbm>>
    tpu.enqueue_indirect_dma source(%dma_start3A_75 : memref<10000x32xf32, #tpu.memory_space<hbm>>) target(%dma_start3A_70 : memref<72x32xf32, #tpu.memory_space<vmem>>) offsets(%dma_start3A_72 : memref<72xi32, #tpu.memory_space<vmem>>) semaphore(%arg35 : memref<!tpu.dma_semaphore, #tpu.memory_space<semaphore_mem>>)
    %dma_start3A_76 = arith.constant 128 : i32
    %dma_start3A_77 = arith.constant 0 : i32
    %dma_start3A_78 = tpu.memref_slice %arg24[%dma_start3A_76, %dma_start3A_77] : memref<200x16xf32, #tpu.memory_space<vmem>> -> memref<72x16xf32, #tpu.memory_space<vmem>>
    %dma_start3A_79 = arith.constant 128 : i32
    %dma_start3A_80 = tpu.memref_slice %arg18[%dma_start3A_79] : memref<200xi32, #tpu.memory_space<vmem>> -> memref<72xi32, #tpu.memory_space<vmem>>
    %dma_start3A_81 = arith.constant 0 : i32
    %dma_start3A_82 = arith.constant 0 : i32
    %dma_start3A_83 = tpu.memref_slice %arg7[%dma_start3A_81, %dma_start3A_82] : memref<20000x16xf32, #tpu.memory_space<hbm>> -> memref<20000x16xf32, #tpu.memory_space<hbm>>
    tpu.enqueue_indirect_dma source(%dma_start3A_83 : memref<20000x16xf32, #tpu.memory_space<hbm>>) target(%dma_start3A_78 : memref<72x16xf32, #tpu.memory_space<vmem>>) offsets(%dma_start3A_80 : memref<72xi32, #tpu.memory_space<vmem>>) semaphore(%arg37 : memref<!tpu.dma_semaphore, #tpu.memory_space<semaphore_mem>>)
    %dma_start3A_84 = arith.constant 128 : i32
    %dma_start3A_85 = arith.constant 0 : i32
    %dma_start3A_86 = tpu.memref_slice %arg26[%dma_start3A_84, %dma_start3A_85] : memref<200x16xf32, #tpu.memory_space<vmem>> -> memref<72x16xf32, #tpu.memory_space<vmem>>
    %dma_start3A_87 = arith.constant 128 : i32
    %dma_start3A_88 = tpu.memref_slice %arg20[%dma_start3A_87] : memref<200xi32, #tpu.memory_space<vmem>> -> memref<72xi32, #tpu.memory_space<vmem>>
    %dma_start3A_89 = arith.constant 0 : i32
    %dma_start3A_90 = arith.constant 0 : i32
    %dma_start3A_91 = tpu.memref_slice %arg8[%dma_start3A_89, %dma_start3A_90] : memref<20000x16xf32, #tpu.memory_space<hbm>> -> memref<20000x16xf32, #tpu.memory_space<hbm>>
    tpu.enqueue_indirect_dma source(%dma_start3A_91 : memref<20000x16xf32, #tpu.memory_space<hbm>>) target(%dma_start3A_86 : memref<72x16xf32, #tpu.memory_space<vmem>>) offsets(%dma_start3A_88 : memref<72xi32, #tpu.memory_space<vmem>>) semaphore(%arg39 : memref<!tpu.dma_semaphore, #tpu.memory_space<semaphore_mem>>)
    %scan3A = arith.constant 0 : i32
    %scan3A_92 = arith.constant 0 : i32
    %scan3A_93 = arith.constant 12 : i32
    %scan3A_94 = arith.addi %scan3A_92, %scan3A_93 : i32
    %scan3A_95 = arith.constant 1 : i32
    %scan3A_96 = scf.for %scan3A_156 = %scan3A_92 to %scan3A_94 step %scan3A_95 iter_args(%scan3A_157 = %scan3A) -> (i32)  : i32 {
      %mul3A_158 = arith.constant 2 : i32
      %mul3A_159 = arith.muli %mul3A_158, %scan3A_156 : i32
      %add3A_160 = arith.constant 1 : i32
      %add3A_161 = arith.addi %mul3A_159, %add3A_160 : i32
      %mul3A_162 = arith.constant 200 : i32
      %mul3A_163 = arith.muli %add3A_161, %mul3A_162 : i32
      %add3A_164 = arith.addi %add3A_34, %mul3A_163 : i32
      "tpu.region"() ({
        %run_scoped3A = tpu.sem_alloc : memref<!tpu.dma_semaphore, #tpu.memory_space<semaphore_mem>>
        %dma_start3A_391 = tpu.memref_slice %arg3[%add3A_164] : memref<160000xi32, #tpu.memory_space<hbm>> -> memref<200xi32, #tpu.memory_space<hbm>>
        %dma_start3A_392 = tpu.memref_slice %arg3[%add3A_164] : memref<160000xi32, #tpu.memory_space<hbm>> -> memref<200xi32, #tpu.memory_space<hbm>>
        tpu.enqueue_dma source(%dma_start3A_392 : memref<200xi32, #tpu.memory_space<hbm>>) target(%arg17 : memref<200xi32, #tpu.memory_space<vmem>>) target_semaphore(%run_scoped3A : memref<!tpu.dma_semaphore, #tpu.memory_space<semaphore_mem>>)
        %dma_wait3A_393 = tpu.memref_slice %arg3[%add3A_164] : memref<160000xi32, #tpu.memory_space<hbm>> -> memref<200xi32, #tpu.memory_space<hbm>>
        %dma_wait3A_394 = tpu.memref_slice %arg3[%add3A_164] : memref<160000xi32, #tpu.memory_space<hbm>> -> memref<200xi32, #tpu.memory_space<hbm>>
        tpu.wait_dma2 semaphore(%run_scoped3A : memref<!tpu.dma_semaphore, #tpu.memory_space<semaphore_mem>>) src(%dma_wait3A_394 : memref<200xi32, #tpu.memory_space<hbm>>) dst(%arg17 : memref<200xi32, #tpu.memory_space<vmem>>)
        tpu.yield
      }) : () -> ()
      %add3A_165 = arith.addi %mul3A_36, %add3A_164 : i32
      "tpu.region"() ({
        %run_scoped3A = tpu.sem_alloc : memref<!tpu.dma_semaphore, #tpu.memory_space<semaphore_mem>>
        %dma_start3A_391 = tpu.memref_slice %arg4[%add3A_165] : memref<320000xi32, #tpu.memory_space<hbm>> -> memref<200xi32, #tpu.memory_space<hbm>>
        %dma_start3A_392 = tpu.memref_slice %arg4[%add3A_165] : memref<320000xi32, #tpu.memory_space<hbm>> -> memref<200xi32, #tpu.memory_space<hbm>>
        tpu.enqueue_dma source(%dma_start3A_392 : memref<200xi32, #tpu.memory_space<hbm>>) target(%arg19 : memref<200xi32, #tpu.memory_space<vmem>>) target_semaphore(%run_scoped3A : memref<!tpu.dma_semaphore, #tpu.memory_space<semaphore_mem>>)
        %dma_wait3A_393 = tpu.memref_slice %arg4[%add3A_165] : memref<320000xi32, #tpu.memory_space<hbm>> -> memref<200xi32, #tpu.memory_space<hbm>>
        %dma_wait3A_394 = tpu.memref_slice %arg4[%add3A_165] : memref<320000xi32, #tpu.memory_space<hbm>> -> memref<200xi32, #tpu.memory_space<hbm>>
        tpu.wait_dma2 semaphore(%run_scoped3A : memref<!tpu.dma_semaphore, #tpu.memory_space<semaphore_mem>>) src(%dma_wait3A_394 : memref<200xi32, #tpu.memory_space<hbm>>) dst(%arg19 : memref<200xi32, #tpu.memory_space<vmem>>)
        tpu.yield
      }) : () -> ()
      %add3A_166 = arith.addi %mul3A_36, %add3A_164 : i32
      "tpu.region"() ({
        %run_scoped3A = tpu.sem_alloc : memref<!tpu.dma_semaphore, #tpu.memory_space<semaphore_mem>>
        %dma_start3A_391 = tpu.memref_slice %arg6[%add3A_166] : memref<320000xi32, #tpu.memory_space<hbm>> -> memref<200xi32, #tpu.memory_space<hbm>>
        %dma_start3A_392 = tpu.memref_slice %arg6[%add3A_166] : memref<320000xi32, #tpu.memory_space<hbm>> -> memref<200xi32, #tpu.memory_space<hbm>>
        tpu.enqueue_dma source(%dma_start3A_392 : memref<200xi32, #tpu.memory_space<hbm>>) target(%arg21 : memref<200xi32, #tpu.memory_space<vmem>>) target_semaphore(%run_scoped3A : memref<!tpu.dma_semaphore, #tpu.memory_space<semaphore_mem>>)
        %dma_wait3A_393 = tpu.memref_slice %arg6[%add3A_166] : memref<320000xi32, #tpu.memory_space<hbm>> -> memref<200xi32, #tpu.memory_space<hbm>>
        %dma_wait3A_394 = tpu.memref_slice %arg6[%add3A_166] : memref<320000xi32, #tpu.memory_space<hbm>> -> memref<200xi32, #tpu.memory_space<hbm>>
        tpu.wait_dma2 semaphore(%run_scoped3A : memref<!tpu.dma_semaphore, #tpu.memory_space<semaphore_mem>>) src(%dma_wait3A_394 : memref<200xi32, #tpu.memory_space<hbm>>) dst(%arg21 : memref<200xi32, #tpu.memory_space<vmem>>)
        tpu.yield
      }) : () -> ()
      %add3A_167 = arith.constant 0 : i32
      %add3A_168 = arith.addi %add3A_164, %add3A_167 : i32
      "tpu.region"() ({
        %run_scoped3A = tpu.sem_alloc : memref<!tpu.dma_semaphore, #tpu.memory_space<semaphore_mem>>
        %dma_start3A_391 = tpu.memref_slice %arg5[%add3A_168] : memref<160000xi32, #tpu.memory_space<hbm>> -> memref<128xi32, #tpu.memory_space<hbm>>
        %dma_start3A_392 = tpu.memref_slice %arg5[%add3A_168] : memref<160000xi32, #tpu.memory_space<hbm>> -> memref<128xi32, #tpu.memory_space<hbm>>
        tpu.enqueue_dma source(%dma_start3A_392 : memref<128xi32, #tpu.memory_space<hbm>>) target(%arg33 : memref<128xi32, #tpu.memory_space<vmem>>) target_semaphore(%run_scoped3A : memref<!tpu.dma_semaphore, #tpu.memory_space<semaphore_mem>>)
        %dma_wait3A_393 = tpu.memref_slice %arg5[%add3A_168] : memref<160000xi32, #tpu.memory_space<hbm>> -> memref<128xi32, #tpu.memory_space<hbm>>
        %dma_wait3A_394 = tpu.memref_slice %arg5[%add3A_168] : memref<160000xi32, #tpu.memory_space<hbm>> -> memref<128xi32, #tpu.memory_space<hbm>>
        tpu.wait_dma2 semaphore(%run_scoped3A : memref<!tpu.dma_semaphore, #tpu.memory_space<semaphore_mem>>) src(%dma_wait3A_394 : memref<128xi32, #tpu.memory_space<hbm>>) dst(%arg33 : memref<128xi32, #tpu.memory_space<vmem>>)
        tpu.yield
      }) : () -> ()
      %add3A_169 = arith.constant 128 : i32
      %add3A_170 = arith.addi %add3A_164, %add3A_169 : i32
      "tpu.region"() ({
        %run_scoped3A = tpu.sem_alloc : memref<!tpu.dma_semaphore, #tpu.memory_space<semaphore_mem>>
        %dma_start3A_391 = tpu.memref_slice %arg5[%add3A_170] : memref<160000xi32, #tpu.memory_space<hbm>> -> memref<72xi32, #tpu.memory_space<hbm>>
        %dma_start3A_392 = tpu.memref_slice %arg5[%add3A_170] : memref<160000xi32, #tpu.memory_space<hbm>> -> memref<72xi32, #tpu.memory_space<hbm>>
        tpu.enqueue_dma source(%dma_start3A_392 : memref<72xi32, #tpu.memory_space<hbm>>) target(%arg34 : memref<72xi32, #tpu.memory_space<vmem>>) target_semaphore(%run_scoped3A : memref<!tpu.dma_semaphore, #tpu.memory_space<semaphore_mem>>)
        %dma_wait3A_393 = tpu.memref_slice %arg5[%add3A_170] : memref<160000xi32, #tpu.memory_space<hbm>> -> memref<72xi32, #tpu.memory_space<hbm>>
        %dma_wait3A_394 = tpu.memref_slice %arg5[%add3A_170] : memref<160000xi32, #tpu.memory_space<hbm>> -> memref<72xi32, #tpu.memory_space<hbm>>
        tpu.wait_dma2 semaphore(%run_scoped3A : memref<!tpu.dma_semaphore, #tpu.memory_space<semaphore_mem>>) src(%dma_wait3A_394 : memref<72xi32, #tpu.memory_space<hbm>>) dst(%arg34 : memref<72xi32, #tpu.memory_space<vmem>>)
        tpu.yield
      }) : () -> ()
      %dma_start3A_171 = arith.constant 0 : i32
      %dma_start3A_172 = arith.constant 0 : i32
      %dma_start3A_173 = tpu.memref_slice %arg23[%dma_start3A_171, %dma_start3A_172] : memref<200x32xf32, #tpu.memory_space<vmem>> -> memref<128x32xf32, #tpu.memory_space<vmem>>
      %dma_start3A_174 = arith.constant 0 : i32
      %dma_start3A_175 = tpu.memref_slice %arg17[%dma_start3A_174] : memref<200xi32, #tpu.memory_space<vmem>> -> memref<128xi32, #tpu.memory_space<vmem>>
      %dma_start3A_176 = arith.constant 0 : i32
      %dma_start3A_177 = arith.constant 0 : i32
      %dma_start3A_178 = tpu.memref_slice %arg2[%dma_start3A_176, %dma_start3A_177] : memref<10000x32xf32, #tpu.memory_space<hbm>> -> memref<10000x32xf32, #tpu.memory_space<hbm>>
      tpu.enqueue_indirect_dma source(%dma_start3A_178 : memref<10000x32xf32, #tpu.memory_space<hbm>>) target(%dma_start3A_173 : memref<128x32xf32, #tpu.memory_space<vmem>>) offsets(%dma_start3A_175 : memref<128xi32, #tpu.memory_space<vmem>>) semaphore(%arg36 : memref<!tpu.dma_semaphore, #tpu.memory_space<semaphore_mem>>)
      %dma_start3A_179 = arith.constant 0 : i32
      %dma_start3A_180 = arith.constant 0 : i32
      %dma_start3A_181 = tpu.memref_slice %arg25[%dma_start3A_179, %dma_start3A_180] : memref<200x16xf32, #tpu.memory_space<vmem>> -> memref<128x16xf32, #tpu.memory_space<vmem>>
      %dma_start3A_182 = arith.constant 0 : i32
      %dma_start3A_183 = tpu.memref_slice %arg19[%dma_start3A_182] : memref<200xi32, #tpu.memory_space<vmem>> -> memref<128xi32, #tpu.memory_space<vmem>>
      %dma_start3A_184 = arith.constant 0 : i32
      %dma_start3A_185 = arith.constant 0 : i32
      %dma_start3A_186 = tpu.memref_slice %arg7[%dma_start3A_184, %dma_start3A_185] : memref<20000x16xf32, #tpu.memory_space<hbm>> -> memref<20000x16xf32, #tpu.memory_space<hbm>>
      tpu.enqueue_indirect_dma source(%dma_start3A_186 : memref<20000x16xf32, #tpu.memory_space<hbm>>) target(%dma_start3A_181 : memref<128x16xf32, #tpu.memory_space<vmem>>) offsets(%dma_start3A_183 : memref<128xi32, #tpu.memory_space<vmem>>) semaphore(%arg38 : memref<!tpu.dma_semaphore, #tpu.memory_space<semaphore_mem>>)
      %dma_start3A_187 = arith.constant 0 : i32
      %dma_start3A_188 = arith.constant 0 : i32
      %dma_start3A_189 = tpu.memref_slice %arg27[%dma_start3A_187, %dma_start3A_188] : memref<200x16xf32, #tpu.memory_space<vmem>> -> memref<128x16xf32, #tpu.memory_space<vmem>>
      %dma_start3A_190 = arith.constant 0 : i32
      %dma_start3A_191 = tpu.memref_slice %arg21[%dma_start3A_190] : memref<200xi32, #tpu.memory_space<vmem>> -> memref<128xi32, #tpu.memory_space<vmem>>
      %dma_start3A_192 = arith.constant 0 : i32
      %dma_start3A_193 = arith.constant 0 : i32
      %dma_start3A_194 = tpu.memref_slice %arg8[%dma_start3A_192, %dma_start3A_193] : memref<20000x16xf32, #tpu.memory_space<hbm>> -> memref<20000x16xf32, #tpu.memory_space<hbm>>
      tpu.enqueue_indirect_dma source(%dma_start3A_194 : memref<20000x16xf32, #tpu.memory_space<hbm>>) target(%dma_start3A_189 : memref<128x16xf32, #tpu.memory_space<vmem>>) offsets(%dma_start3A_191 : memref<128xi32, #tpu.memory_space<vmem>>) semaphore(%arg40 : memref<!tpu.dma_semaphore, #tpu.memory_space<semaphore_mem>>)
      %dma_start3A_195 = arith.constant 128 : i32
      %dma_start3A_196 = arith.constant 0 : i32
      %dma_start3A_197 = tpu.memref_slice %arg23[%dma_start3A_195, %dma_start3A_196] : memref<200x32xf32, #tpu.memory_space<vmem>> -> memref<72x32xf32, #tpu.memory_space<vmem>>
      %dma_start3A_198 = arith.constant 128 : i32
      %dma_start3A_199 = tpu.memref_slice %arg17[%dma_start3A_198] : memref<200xi32, #tpu.memory_space<vmem>> -> memref<72xi32, #tpu.memory_space<vmem>>
      %dma_start3A_200 = arith.constant 0 : i32
      %dma_start3A_201 = arith.constant 0 : i32
      %dma_start3A_202 = tpu.memref_slice %arg2[%dma_start3A_200, %dma_start3A_201] : memref<10000x32xf32, #tpu.memory_space<hbm>> -> memref<10000x32xf32, #tpu.memory_space<hbm>>
      tpu.enqueue_indirect_dma source(%dma_start3A_202 : memref<10000x32xf32, #tpu.memory_space<hbm>>) target(%dma_start3A_197 : memref<72x32xf32, #tpu.memory_space<vmem>>) offsets(%dma_start3A_199 : memref<72xi32, #tpu.memory_space<vmem>>) semaphore(%arg36 : memref<!tpu.dma_semaphore, #tpu.memory_space<semaphore_mem>>)
      %dma_start3A_203 = arith.constant 128 : i32
      %dma_start3A_204 = arith.constant 0 : i32
      %dma_start3A_205 = tpu.memref_slice %arg25[%dma_start3A_203, %dma_start3A_204] : memref<200x16xf32, #tpu.memory_space<vmem>> -> memref<72x16xf32, #tpu.memory_space<vmem>>
      %dma_start3A_206 = arith.constant 128 : i32
      %dma_start3A_207 = tpu.memref_slice %arg19[%dma_start3A_206] : memref<200xi32, #tpu.memory_space<vmem>> -> memref<72xi32, #tpu.memory_space<vmem>>
      %dma_start3A_208 = arith.constant 0 : i32
      %dma_start3A_209 = arith.constant 0 : i32
      %dma_start3A_210 = tpu.memref_slice %arg7[%dma_start3A_208, %dma_start3A_209] : memref<20000x16xf32, #tpu.memory_space<hbm>> -> memref<20000x16xf32, #tpu.memory_space<hbm>>
      tpu.enqueue_indirect_dma source(%dma_start3A_210 : memref<20000x16xf32, #tpu.memory_space<hbm>>) target(%dma_start3A_205 : memref<72x16xf32, #tpu.memory_space<vmem>>) offsets(%dma_start3A_207 : memref<72xi32, #tpu.memory_space<vmem>>) semaphore(%arg38 : memref<!tpu.dma_semaphore, #tpu.memory_space<semaphore_mem>>)
      %dma_start3A_211 = arith.constant 128 : i32
      %dma_start3A_212 = arith.constant 0 : i32
      %dma_start3A_213 = tpu.memref_slice %arg27[%dma_start3A_211, %dma_start3A_212] : memref<200x16xf32, #tpu.memory_space<vmem>> -> memref<72x16xf32, #tpu.memory_space<vmem>>
      %dma_start3A_214 = arith.constant 128 : i32
      %dma_start3A_215 = tpu.memref_slice %arg21[%dma_start3A_214] : memref<200xi32, #tpu.memory_space<vmem>> -> memref<72xi32, #tpu.memory_space<vmem>>
      %dma_start3A_216 = arith.constant 0 : i32
      %dma_start3A_217 = arith.constant 0 : i32
      %dma_start3A_218 = tpu.memref_slice %arg8[%dma_start3A_216, %dma_start3A_217] : memref<20000x16xf32, #tpu.memory_space<hbm>> -> memref<20000x16xf32, #tpu.memory_space<hbm>>
      tpu.enqueue_indirect_dma source(%dma_start3A_218 : memref<20000x16xf32, #tpu.memory_space<hbm>>) target(%dma_start3A_213 : memref<72x16xf32, #tpu.memory_space<vmem>>) offsets(%dma_start3A_215 : memref<72xi32, #tpu.memory_space<vmem>>) semaphore(%arg40 : memref<!tpu.dma_semaphore, #tpu.memory_space<semaphore_mem>>)
      %dma_wait3A_219 = arith.constant 0 : i32
      %dma_wait3A_220 = arith.constant 0 : i32
      %dma_wait3A_221 = tpu.memref_slice %arg22[%dma_wait3A_219, %dma_wait3A_220] : memref<200x32xf32, #tpu.memory_space<vmem>> -> memref<128x32xf32, #tpu.memory_space<vmem>>
      %dma_wait3A_222 = arith.constant 0 : i32
      %dma_wait3A_223 = tpu.memref_slice %arg16[%dma_wait3A_222] : memref<200xi32, #tpu.memory_space<vmem>> -> memref<128xi32, #tpu.memory_space<vmem>>
      %dma_wait3A_224 = arith.constant 0 : i32
      %dma_wait3A_225 = arith.constant 0 : i32
      %dma_wait3A_226 = tpu.memref_slice %arg2[%dma_wait3A_224, %dma_wait3A_225] : memref<10000x32xf32, #tpu.memory_space<hbm>> -> memref<10000x32xf32, #tpu.memory_space<hbm>>
      tpu.wait_indirect_dma semaphore(%arg35 : memref<!tpu.dma_semaphore, #tpu.memory_space<semaphore_mem>>) src(%dma_wait3A_226 : memref<10000x32xf32, #tpu.memory_space<hbm>>) dst(%dma_wait3A_221 : memref<128x32xf32, #tpu.memory_space<vmem>>)
      %dma_wait3A_227 = arith.constant 0 : i32
      %dma_wait3A_228 = arith.constant 0 : i32
      %dma_wait3A_229 = tpu.memref_slice %arg24[%dma_wait3A_227, %dma_wait3A_228] : memref<200x16xf32, #tpu.memory_space<vmem>> -> memref<128x16xf32, #tpu.memory_space<vmem>>
      %dma_wait3A_230 = arith.constant 0 : i32
      %dma_wait3A_231 = tpu.memref_slice %arg18[%dma_wait3A_230] : memref<200xi32, #tpu.memory_space<vmem>> -> memref<128xi32, #tpu.memory_space<vmem>>
      %dma_wait3A_232 = arith.constant 0 : i32
      %dma_wait3A_233 = arith.constant 0 : i32
      %dma_wait3A_234 = tpu.memref_slice %arg7[%dma_wait3A_232, %dma_wait3A_233] : memref<20000x16xf32, #tpu.memory_space<hbm>> -> memref<20000x16xf32, #tpu.memory_space<hbm>>
      tpu.wait_indirect_dma semaphore(%arg37 : memref<!tpu.dma_semaphore, #tpu.memory_space<semaphore_mem>>) src(%dma_wait3A_234 : memref<20000x16xf32, #tpu.memory_space<hbm>>) dst(%dma_wait3A_229 : memref<128x16xf32, #tpu.memory_space<vmem>>)
      %dma_wait3A_235 = arith.constant 0 : i32
      %dma_wait3A_236 = arith.constant 0 : i32
      %dma_wait3A_237 = tpu.memref_slice %arg26[%dma_wait3A_235, %dma_wait3A_236] : memref<200x16xf32, #tpu.memory_space<vmem>> -> memref<128x16xf32, #tpu.memory_space<vmem>>
      %dma_wait3A_238 = arith.constant 0 : i32
      %dma_wait3A_239 = tpu.memref_slice %arg20[%dma_wait3A_238] : memref<200xi32, #tpu.memory_space<vmem>> -> memref<128xi32, #tpu.memory_space<vmem>>
      %dma_wait3A_240 = arith.constant 0 : i32
      %dma_wait3A_241 = arith.constant 0 : i32
      %dma_wait3A_242 = tpu.memref_slice %arg8[%dma_wait3A_240, %dma_wait3A_241] : memref<20000x16xf32, #tpu.memory_space<hbm>> -> memref<20000x16xf32, #tpu.memory_space<hbm>>
      tpu.wait_indirect_dma semaphore(%arg39 : memref<!tpu.dma_semaphore, #tpu.memory_space<semaphore_mem>>) src(%dma_wait3A_242 : memref<20000x16xf32, #tpu.memory_space<hbm>>) dst(%dma_wait3A_237 : memref<128x16xf32, #tpu.memory_space<vmem>>)
      %dma_wait3A_243 = arith.constant 128 : i32
      %dma_wait3A_244 = arith.constant 0 : i32
      %dma_wait3A_245 = tpu.memref_slice %arg22[%dma_wait3A_243, %dma_wait3A_244] : memref<200x32xf32, #tpu.memory_space<vmem>> -> memref<72x32xf32, #tpu.memory_space<vmem>>
      %dma_wait3A_246 = arith.constant 128 : i32
      %dma_wait3A_247 = tpu.memref_slice %arg16[%dma_wait3A_246] : memref<200xi32, #tpu.memory_space<vmem>> -> memref<72xi32, #tpu.memory_space<vmem>>
      %dma_wait3A_248 = arith.constant 0 : i32
      %dma_wait3A_249 = arith.constant 0 : i32
      %dma_wait3A_250 = tpu.memref_slice %arg2[%dma_wait3A_248, %dma_wait3A_249] : memref<10000x32xf32, #tpu.memory_space<hbm>> -> memref<10000x32xf32, #tpu.memory_space<hbm>>
      tpu.wait_indirect_dma semaphore(%arg35 : memref<!tpu.dma_semaphore, #tpu.memory_space<semaphore_mem>>) src(%dma_wait3A_250 : memref<10000x32xf32, #tpu.memory_space<hbm>>) dst(%dma_wait3A_245 : memref<72x32xf32, #tpu.memory_space<vmem>>)
      %dma_wait3A_251 = arith.constant 128 : i32
      %dma_wait3A_252 = arith.constant 0 : i32
      %dma_wait3A_253 = tpu.memref_slice %arg24[%dma_wait3A_251, %dma_wait3A_252] : memref<200x16xf32, #tpu.memory_space<vmem>> -> memref<72x16xf32, #tpu.memory_space<vmem>>
      %dma_wait3A_254 = arith.constant 128 : i32
      %dma_wait3A_255 = tpu.memref_slice %arg18[%dma_wait3A_254] : memref<200xi32, #tpu.memory_space<vmem>> -> memref<72xi32, #tpu.memory_space<vmem>>
      %dma_wait3A_256 = arith.constant 0 : i32
      %dma_wait3A_257 = arith.constant 0 : i32
      %dma_wait3A_258 = tpu.memref_slice %arg7[%dma_wait3A_256, %dma_wait3A_257] : memref<20000x16xf32, #tpu.memory_space<hbm>> -> memref<20000x16xf32, #tpu.memory_space<hbm>>
      tpu.wait_indirect_dma semaphore(%arg37 : memref<!tpu.dma_semaphore, #tpu.memory_space<semaphore_mem>>) src(%dma_wait3A_258 : memref<20000x16xf32, #tpu.memory_space<hbm>>) dst(%dma_wait3A_253 : memref<72x16xf32, #tpu.memory_space<vmem>>)
      %dma_wait3A_259 = arith.constant 128 : i32
      %dma_wait3A_260 = arith.constant 0 : i32
      %dma_wait3A_261 = tpu.memref_slice %arg26[%dma_wait3A_259, %dma_wait3A_260] : memref<200x16xf32, #tpu.memory_space<vmem>> -> memref<72x16xf32, #tpu.memory_space<vmem>>
      %dma_wait3A_262 = arith.constant 128 : i32
      %dma_wait3A_263 = tpu.memref_slice %arg20[%dma_wait3A_262] : memref<200xi32, #tpu.memory_space<vmem>> -> memref<72xi32, #tpu.memory_space<vmem>>
      %dma_wait3A_264 = arith.constant 0 : i32
      %dma_wait3A_265 = arith.constant 0 : i32
      %dma_wait3A_266 = tpu.memref_slice %arg8[%dma_wait3A_264, %dma_wait3A_265] : memref<20000x16xf32, #tpu.memory_space<hbm>> -> memref<20000x16xf32, #tpu.memory_space<hbm>>
      tpu.wait_indirect_dma semaphore(%arg39 : memref<!tpu.dma_semaphore, #tpu.memory_space<semaphore_mem>>) src(%dma_wait3A_266 : memref<20000x16xf32, #tpu.memory_space<hbm>>) dst(%dma_wait3A_261 : memref<72x16xf32, #tpu.memory_space<vmem>>)
      %scan3A_267 = arith.constant 0 : i32
      %scan3A_268 = arith.constant 0 : i32
      %scan3A_269 = arith.constant 200 : i32
      %scan3A_270 = arith.addi %scan3A_268, %scan3A_269 : i32
      %scan3A_271 = arith.constant 2 : i32
      %scan3A_272 = scf.for %scan3A_391 = %scan3A_268 to %scan3A_270 step %scan3A_271 iter_args(%scan3A_392 = %scan3A_267) -> (i32)  : i32 {
        %get3A_393 = arith.index_cast %scan3A_391 : i32 to index
        %get3A_394 = arith.constant 0 : index
        %get3A_395 = tpu.vector_load %arg24[%get3A_393, %get3A_394] {strides = array<i32>} : memref<200x16xf32, #tpu.memory_space<vmem>>, vector<1x16xf32>,
        %get3A_396 = vector.shape_cast %get3A_395 : vector<1x16xf32> to vector<16xf32>
        %get3A_397 = arith.index_cast %scan3A_391 : i32 to index
        %get3A_398 = arith.constant 0 : index
        %get3A_399 = tpu.vector_load %arg26[%get3A_397, %get3A_398] {strides = array<i32>} : memref<200x16xf32, #tpu.memory_space<vmem>>, vector<1x16xf32>,
        %get3A_400 = vector.shape_cast %get3A_399 : vector<1x16xf32> to vector<16xf32>
        %add3A_401 = arith.addf %get3A_396, %get3A_400 : vector<16xf32>
        %gt3A_402 = arith.constant 0.000000e+00 : f32
        %gt3A_403 = vector.broadcast %gt3A_402 : f32 to vector<16xf32>
        %gt3A_404 = arith.cmpf ogt, %add3A_401, %gt3A_403 : vector<16xf32>
        %mul3A_405 = arith.constant 2.000000e-01 : f32
        %mul3A_406 = vector.broadcast %mul3A_405 : f32 to vector<16xf32>
        %mul3A_407 = arith.mulf %mul3A_406, %add3A_401 : vector<16xf32>
        %select_n3A_408 = arith.select %gt3A_404, %add3A_401, %mul3A_407 : vector<16xi1>, vector<16xf32>
        %sub3A = arith.subf %select_n3A_408, %max3A_29 : vector<16xf32>
        %exp3A = math.exp %sub3A : vector<16xf32>
        %swap3A = arith.index_cast %scan3A_391 : i32 to index
        %swap3A_409 = arith.constant 0 : index
        %swap3A_410 = tpu.vector_load %arg28[%swap3A, %swap3A_409] {strides = array<i32>} : memref<200x16xf32, #tpu.memory_space<vmem>>, vector<1x16xf32>,
        %swap3A_411 = vector.shape_cast %swap3A_410 : vector<1x16xf32> to vector<16xf32>
        %swap3A_412 = vector.shape_cast %exp3A : vector<16xf32> to vector<1x16xf32>
        tpu.vector_store %arg28[%swap3A, %swap3A_409], %swap3A_412 {strides = array<i32>} : memref<200x16xf32, #tpu.memory_space<vmem>>, vector<1x16xf32>,
        %slice3A = vector.extract_strided_slice %exp3A {offsets = [0], sizes = [1], strides = [1]} : vector<16xf32> to vector<1xf32>
        %squeeze3A = vector.extract %slice3A[0] : f32 from vector<1xf32>
        %get3A_413 = arith.index_cast %scan3A_391 : i32 to index
        %get3A_414 = arith.constant 0 : index
        %get3A_415 = tpu.vector_load %arg22[%get3A_413, %get3A_414] {strides = array<i32>} : memref<200x32xf32, #tpu.memory_space<vmem>>, vector<1x16xf32>,
        %get3A_416 = vector.shape_cast %get3A_415 : vector<1x16xf32> to vector<16xf32>
        %mul3A_417 = vector.broadcast %squeeze3A : f32 to vector<16xf32>
        %mul3A_418 = arith.mulf %get3A_416, %mul3A_417 : vector<16xf32>
        %swap3A_419 = arith.index_cast %scan3A_391 : i32 to index
        %swap3A_420 = arith.constant 0 : index
        %swap3A_421 = tpu.vector_load %arg22[%swap3A_419, %swap3A_420] {strides = array<i32>} : memref<200x32xf32, #tpu.memory_space<vmem>>, vector<1x16xf32>,
        %swap3A_422 = vector.shape_cast %swap3A_421 : vector<1x16xf32> to vector<16xf32>
        %swap3A_423 = vector.shape_cast %mul3A_418 : vector<16xf32> to vector<1x16xf32>
        tpu.vector_store %arg22[%swap3A_419, %swap3A_420], %swap3A_423 {strides = array<i32>} : memref<200x32xf32, #tpu.memory_space<vmem>>, vector<1x16xf32>,
        %get3A_424 = arith.index_cast %scan3A_391 : i32 to index
        %get3A_425 = arith.constant 16 : index
        %get3A_426 = tpu.vector_load %arg22[%get3A_424, %get3A_425] {strides = array<i32>} : memref<200x32xf32, #tpu.memory_space<vmem>>, vector<1x16xf32>,
        %get3A_427 = vector.shape_cast %get3A_426 : vector<1x16xf32> to vector<16xf32>
        %mul3A_428 = vector.broadcast %squeeze3A : f32 to vector<16xf32>
        %mul3A_429 = arith.mulf %get3A_427, %mul3A_428 : vector<16xf32>
        %swap3A_430 = arith.index_cast %scan3A_391 : i32 to index
        %swap3A_431 = arith.constant 16 : index
        %swap3A_432 = tpu.vector_load %arg22[%swap3A_430, %swap3A_431] {strides = array<i32>} : memref<200x32xf32, #tpu.memory_space<vmem>>, vector<1x16xf32>,
        %swap3A_433 = vector.shape_cast %swap3A_432 : vector<1x16xf32> to vector<16xf32>
        %swap3A_434 = vector.shape_cast %mul3A_429 : vector<16xf32> to vector<1x16xf32>
        tpu.vector_store %arg22[%swap3A_430, %swap3A_431], %swap3A_434 {strides = array<i32>} : memref<200x32xf32, #tpu.memory_space<vmem>>, vector<1x16xf32>,
        %scan3A_435 = arith.constant 0 : i32
        %scan3A_436 = arith.constant 1 : i32
        %scan3A_437 = arith.addi %scan3A_391, %scan3A_436 : i32
        %get3A_438 = arith.index_cast %scan3A_437 : i32 to index
        %get3A_439 = arith.constant 0 : index
        %get3A_440 = tpu.vector_load %arg24[%get3A_438, %get3A_439] {strides = array<i32>} : memref<200x16xf32, #tpu.memory_space<vmem>>, vector<1x16xf32>,
        %get3A_441 = vector.shape_cast %get3A_440 : vector<1x16xf32> to vector<16xf32>
        %get3A_442 = arith.index_cast %scan3A_437 : i32 to index
        %get3A_443 = arith.constant 0 : index
        %get3A_444 = tpu.vector_load %arg26[%get3A_442, %get3A_443] {strides = array<i32>} : memref<200x16xf32, #tpu.memory_space<vmem>>, vector<1x16xf32>,
        %get3A_445 = vector.shape_cast %get3A_444 : vector<1x16xf32> to vector<16xf32>
        %add3A_446 = arith.addf %get3A_441, %get3A_445 : vector<16xf32>
        %gt3A_447 = arith.constant 0.000000e+00 : f32
        %gt3A_448 = vector.broadcast %gt3A_447 : f32 to vector<16xf32>
        %gt3A_449 = arith.cmpf ogt, %add3A_446, %gt3A_448 : vector<16xf32>
        %mul3A_450 = arith.constant 2.000000e-01 : f32
        %mul3A_451 = vector.broadcast %mul3A_450 : f32 to vector<16xf32>
        %mul3A_452 = arith.mulf %mul3A_451, %add3A_446 : vector<16xf32>
        %select_n3A_453 = arith.select %gt3A_449, %add3A_446, %mul3A_452 : vector<16xi1>, vector<16xf32>
        %sub3A_454 = arith.subf %select_n3A_453, %max3A_29 : vector<16xf32>
        %exp3A_455 = math.exp %sub3A_454 : vector<16xf32>
        %swap3A_456 = arith.index_cast %scan3A_437 : i32 to index
        %swap3A_457 = arith.constant 0 : index
        %swap3A_458 = tpu.vector_load %arg28[%swap3A_456, %swap3A_457] {strides = array<i32>} : memref<200x16xf32, #tpu.memory_space<vmem>>, vector<1x16xf32>,
        %swap3A_459 = vector.shape_cast %swap3A_458 : vector<1x16xf32> to vector<16xf32>
        %swap3A_460 = vector.shape_cast %exp3A_455 : vector<16xf32> to vector<1x16xf32>
        tpu.vector_store %arg28[%swap3A_456, %swap3A_457], %swap3A_460 {strides = array<i32>} : memref<200x16xf32, #tpu.memory_space<vmem>>, vector<1x16xf32>,
        %slice3A_461 = vector.extract_strided_slice %exp3A_455 {offsets = [0], sizes = [1], strides = [1]} : vector<16xf32> to vector<1xf32>
        %squeeze3A_462 = vector.extract %slice3A_461[0] : f32 from vector<1xf32>
        %get3A_463 = arith.index_cast %scan3A_437 : i32 to index
        %get3A_464 = arith.constant 0 : index
        %get3A_465 = tpu.vector_load %arg22[%get3A_463, %get3A_464] {strides = array<i32>} : memref<200x32xf32, #tpu.memory_space<vmem>>, vector<1x16xf32>,
        %get3A_466 = vector.shape_cast %get3A_465 : vector<1x16xf32> to vector<16xf32>
        %mul3A_467 = vector.broadcast %squeeze3A_462 : f32 to vector<16xf32>
        %mul3A_468 = arith.mulf %get3A_466, %mul3A_467 : vector<16xf32>
        %swap3A_469 = arith.index_cast %scan3A_437 : i32 to index
        %swap3A_470 = arith.constant 0 : index
        %swap3A_471 = tpu.vector_load %arg22[%swap3A_469, %swap3A_470] {strides = array<i32>} : memref<200x32xf32, #tpu.memory_space<vmem>>, vector<1x16xf32>,
        %swap3A_472 = vector.shape_cast %swap3A_471 : vector<1x16xf32> to vector<16xf32>
        %swap3A_473 = vector.shape_cast %mul3A_468 : vector<16xf32> to vector<1x16xf32>
        tpu.vector_store %arg22[%swap3A_469, %swap3A_470], %swap3A_473 {strides = array<i32>} : memref<200x32xf32, #tpu.memory_space<vmem>>, vector<1x16xf32>,
        %get3A_474 = arith.index_cast %scan3A_437 : i32 to index
        %get3A_475 = arith.constant 16 : index
        %get3A_476 = tpu.vector_load %arg22[%get3A_474, %get3A_475] {strides = array<i32>} : memref<200x32xf32, #tpu.memory_space<vmem>>, vector<1x16xf32>,
        %get3A_477 = vector.shape_cast %get3A_476 : vector<1x16xf32> to vector<16xf32>
        %mul3A_478 = vector.broadcast %squeeze3A_462 : f32 to vector<16xf32>
        %mul3A_479 = arith.mulf %get3A_477, %mul3A_478 : vector<16xf32>
        %swap3A_480 = arith.index_cast %scan3A_437 : i32 to index
        %swap3A_481 = arith.constant 16 : index
        %swap3A_482 = tpu.vector_load %arg22[%swap3A_480, %swap3A_481] {strides = array<i32>} : memref<200x32xf32, #tpu.memory_space<vmem>>, vector<1x16xf32>,
        %swap3A_483 = vector.shape_cast %swap3A_482 : vector<1x16xf32> to vector<16xf32>
        %swap3A_484 = vector.shape_cast %mul3A_479 : vector<16xf32> to vector<1x16xf32>
        tpu.vector_store %arg22[%swap3A_480, %swap3A_481], %swap3A_484 {strides = array<i32>} : memref<200x32xf32, #tpu.memory_space<vmem>>, vector<1x16xf32>,
        %scan3A_485 = arith.constant 0 : i32
        scf.yield %scan3A_485 : i32
      }
      %scan3A_273 = arith.constant 200 : i32
      "tpu.region"() ({
        %run_scoped3A = tpu.sem_alloc : memref<!tpu.dma_semaphore, #tpu.memory_space<semaphore_mem>>
        %dma_start3A_391 = arith.constant 0 : i32
        %dma_start3A_392 = arith.constant 0 : i32
        %dma_start3A_393 = tpu.memref_slice %arg28[%dma_start3A_391, %dma_start3A_392] : memref<200x16xf32, #tpu.memory_space<vmem>> -> memref<128x16xf32, #tpu.memory_space<vmem>>
        %dma_start3A_394 = arith.constant 0 : i32
        %dma_start3A_395 = arith.constant 0 : i32
        %dma_start3A_396 = tpu.memref_slice %arg15[%dma_start3A_394, %dma_start3A_395] : memref<10240x16xf32, #tpu.memory_space<vmem_shared>> -> memref<10240x16xf32, #tpu.memory_space<vmem_shared>>
        tpu.enqueue_indirect_dma source(%dma_start3A_393 : memref<128x16xf32, #tpu.memory_space<vmem>>) target(%dma_start3A_396 : memref<10240x16xf32, #tpu.memory_space<vmem_shared>>) offsets(%arg31 : memref<128xi32, #tpu.memory_space<vmem>>) semaphore(%run_scoped3A : memref<!tpu.dma_semaphore, #tpu.memory_space<semaphore_mem>>) {add = true}
        %dma_wait3A_397 = arith.constant 0 : i32
        %dma_wait3A_398 = arith.constant 0 : i32
        %dma_wait3A_399 = tpu.memref_slice %arg28[%dma_wait3A_397, %dma_wait3A_398] : memref<200x16xf32, #tpu.memory_space<vmem>> -> memref<128x16xf32, #tpu.memory_space<vmem>>
        %dma_wait3A_400 = arith.constant 0 : i32
        %dma_wait3A_401 = arith.constant 0 : i32
        %dma_wait3A_402 = tpu.memref_slice %arg15[%dma_wait3A_400, %dma_wait3A_401] : memref<10240x16xf32, #tpu.memory_space<vmem_shared>> -> memref<10240x16xf32, #tpu.memory_space<vmem_shared>>
        tpu.wait_indirect_dma semaphore(%run_scoped3A : memref<!tpu.dma_semaphore, #tpu.memory_space<semaphore_mem>>) src(%dma_wait3A_399 : memref<128x16xf32, #tpu.memory_space<vmem>>) dst(%dma_wait3A_402 : memref<10240x16xf32, #tpu.memory_space<vmem_shared>>)
        tpu.yield
      }) : () -> ()
      "tpu.region"() ({
        %run_scoped3A = tpu.sem_alloc : memref<!tpu.dma_semaphore, #tpu.memory_space<semaphore_mem>>
        %dma_start3A_391 = arith.constant 0 : i32
        %dma_start3A_392 = arith.constant 0 : i32
        %dma_start3A_393 = tpu.memref_slice %arg22[%dma_start3A_391, %dma_start3A_392] : memref<200x32xf32, #tpu.memory_space<vmem>> -> memref<128x32xf32, #tpu.memory_space<vmem>>
        %dma_start3A_394 = arith.constant 0 : i32
        %dma_start3A_395 = arith.constant 0 : i32
        %dma_start3A_396 = tpu.memref_slice %arg14[%dma_start3A_394, %dma_start3A_395] : memref<10240x32xf32, #tpu.memory_space<vmem_shared>> -> memref<10240x32xf32, #tpu.memory_space<vmem_shared>>
        tpu.enqueue_indirect_dma source(%dma_start3A_393 : memref<128x32xf32, #tpu.memory_space<vmem>>) target(%dma_start3A_396 : memref<10240x32xf32, #tpu.memory_space<vmem_shared>>) offsets(%arg31 : memref<128xi32, #tpu.memory_space<vmem>>) semaphore(%run_scoped3A : memref<!tpu.dma_semaphore, #tpu.memory_space<semaphore_mem>>) {add = true}
        %dma_wait3A_397 = arith.constant 0 : i32
        %dma_wait3A_398 = arith.constant 0 : i32
        %dma_wait3A_399 = tpu.memref_slice %arg22[%dma_wait3A_397, %dma_wait3A_398] : memref<200x32xf32, #tpu.memory_space<vmem>> -> memref<128x32xf32, #tpu.memory_space<vmem>>
        %dma_wait3A_400 = arith.constant 0 : i32
        %dma_wait3A_401 = arith.constant 0 : i32
        %dma_wait3A_402 = tpu.memref_slice %arg14[%dma_wait3A_400, %dma_wait3A_401] : memref<10240x32xf32, #tpu.memory_space<vmem_shared>> -> memref<10240x32xf32, #tpu.memory_space<vmem_shared>>
        tpu.wait_indirect_dma semaphore(%run_scoped3A : memref<!tpu.dma_semaphore, #tpu.memory_space<semaphore_mem>>) src(%dma_wait3A_399 : memref<128x32xf32, #tpu.memory_space<vmem>>) dst(%dma_wait3A_402 : memref<10240x32xf32, #tpu.memory_space<vmem_shared>>)
        tpu.yield
      }) : () -> ()
      "tpu.region"() ({
        %run_scoped3A = tpu.sem_alloc : memref<!tpu.dma_semaphore, #tpu.memory_space<semaphore_mem>>
        %dma_start3A_391 = arith.constant 128 : i32
        %dma_start3A_392 = arith.constant 0 : i32
        %dma_start3A_393 = tpu.memref_slice %arg28[%dma_start3A_391, %dma_start3A_392] : memref<200x16xf32, #tpu.memory_space<vmem>> -> memref<72x16xf32, #tpu.memory_space<vmem>>
        %dma_start3A_394 = arith.constant 0 : i32
        %dma_start3A_395 = arith.constant 0 : i32
        %dma_start3A_396 = tpu.memref_slice %arg15[%dma_start3A_394, %dma_start3A_395] : memref<10240x16xf32, #tpu.memory_space<vmem_shared>> -> memref<10240x16xf32, #tpu.memory_space<vmem_shared>>
        tpu.enqueue_indirect_dma source(%dma_start3A_393 : memref<72x16xf32, #tpu.memory_space<vmem>>) target(%dma_start3A_396 : memref<10240x16xf32, #tpu.memory_space<vmem_shared>>) offsets(%arg32 : memref<72xi32, #tpu.memory_space<vmem>>) semaphore(%run_scoped3A : memref<!tpu.dma_semaphore, #tpu.memory_space<semaphore_mem>>) {add = true}
        %dma_wait3A_397 = arith.constant 128 : i32
        %dma_wait3A_398 = arith.constant 0 : i32
        %dma_wait3A_399 = tpu.memref_slice %arg28[%dma_wait3A_397, %dma_wait3A_398] : memref<200x16xf32, #tpu.memory_space<vmem>> -> memref<72x16xf32, #tpu.memory_space<vmem>>
        %dma_wait3A_400 = arith.constant 0 : i32
        %dma_wait3A_401 = arith.constant 0 : i32
        %dma_wait3A_402 = tpu.memref_slice %arg15[%dma_wait3A_400, %dma_wait3A_401] : memref<10240x16xf32, #tpu.memory_space<vmem_shared>> -> memref<10240x16xf32, #tpu.memory_space<vmem_shared>>
        tpu.wait_indirect_dma semaphore(%run_scoped3A : memref<!tpu.dma_semaphore, #tpu.memory_space<semaphore_mem>>) src(%dma_wait3A_399 : memref<72x16xf32, #tpu.memory_space<vmem>>) dst(%dma_wait3A_402 : memref<10240x16xf32, #tpu.memory_space<vmem_shared>>)
        tpu.yield
      }) : () -> ()
      "tpu.region"() ({
        %run_scoped3A = tpu.sem_alloc : memref<!tpu.dma_semaphore, #tpu.memory_space<semaphore_mem>>
        %dma_start3A_391 = arith.constant 128 : i32
        %dma_start3A_392 = arith.constant 0 : i32
        %dma_start3A_393 = tpu.memref_slice %arg22[%dma_start3A_391, %dma_start3A_392] : memref<200x32xf32, #tpu.memory_space<vmem>> -> memref<72x32xf32, #tpu.memory_space<vmem>>
        %dma_start3A_394 = arith.constant 0 : i32
        %dma_start3A_395 = arith.constant 0 : i32
        %dma_start3A_396 = tpu.memref_slice %arg14[%dma_start3A_394, %dma_start3A_395] : memref<10240x32xf32, #tpu.memory_space<vmem_shared>> -> memref<10240x32xf32, #tpu.memory_space<vmem_shared>>
        tpu.enqueue_indirect_dma source(%dma_start3A_393 : memref<72x32xf32, #tpu.memory_space<vmem>>) target(%dma_start3A_396 : memref<10240x32xf32, #tpu.memory_space<vmem_shared>>) offsets(%arg32 : memref<72xi32, #tpu.memory_space<vmem>>) semaphore(%run_scoped3A : memref<!tpu.dma_semaphore, #tpu.memory_space<semaphore_mem>>) {add = true}
        %dma_wait3A_397 = arith.constant 128 : i32
        %dma_wait3A_398 = arith.constant 0 : i32
        %dma_wait3A_399 = tpu.memref_slice %arg22[%dma_wait3A_397, %dma_wait3A_398] : memref<200x32xf32, #tpu.memory_space<vmem>> -> memref<72x32xf32, #tpu.memory_space<vmem>>
        %dma_wait3A_400 = arith.constant 0 : i32
        %dma_wait3A_401 = arith.constant 0 : i32
        %dma_wait3A_402 = tpu.memref_slice %arg14[%dma_wait3A_400, %dma_wait3A_401] : memref<10240x32xf32, #tpu.memory_space<vmem_shared>> -> memref<10240x32xf32, #tpu.memory_space<vmem_shared>>
        tpu.wait_indirect_dma semaphore(%run_scoped3A : memref<!tpu.dma_semaphore, #tpu.memory_space<semaphore_mem>>) src(%dma_wait3A_399 : memref<72x32xf32, #tpu.memory_space<vmem>>) dst(%dma_wait3A_402 : memref<10240x32xf32, #tpu.memory_space<vmem_shared>>)
        tpu.yield
      }) : () -> ()
      %mul3A_274 = arith.constant 2 : i32
      %mul3A_275 = arith.muli %mul3A_274, %scan3A_156 : i32
      %add3A_276 = arith.constant 2 : i32
      %add3A_277 = arith.addi %mul3A_275, %add3A_276 : i32
      %mul3A_278 = arith.constant 200 : i32
      %mul3A_279 = arith.muli %add3A_277, %mul3A_278 : i32
      %add3A_280 = arith.addi %add3A_34, %mul3A_279 : i32
      "tpu.region"() ({
        %run_scoped3A = tpu.sem_alloc : memref<!tpu.dma_semaphore, #tpu.memory_space<semaphore_mem>>
        %dma_start3A_391 = tpu.memref_slice %arg3[%add3A_280] : memref<160000xi32, #tpu.memory_space<hbm>> -> memref<200xi32, #tpu.memory_space<hbm>>
        %dma_start3A_392 = tpu.memref_slice %arg3[%add3A_280] : memref<160000xi32, #tpu.memory_space<hbm>> -> memref<200xi32, #tpu.memory_space<hbm>>
        tpu.enqueue_dma source(%dma_start3A_392 : memref<200xi32, #tpu.memory_space<hbm>>) target(%arg16 : memref<200xi32, #tpu.memory_space<vmem>>) target_semaphore(%run_scoped3A : memref<!tpu.dma_semaphore, #tpu.memory_space<semaphore_mem>>)
        %dma_wait3A_393 = tpu.memref_slice %arg3[%add3A_280] : memref<160000xi32, #tpu.memory_space<hbm>> -> memref<200xi32, #tpu.memory_space<hbm>>
        %dma_wait3A_394 = tpu.memref_slice %arg3[%add3A_280] : memref<160000xi32, #tpu.memory_space<hbm>> -> memref<200xi32, #tpu.memory_space<hbm>>
        tpu.wait_dma2 semaphore(%run_scoped3A : memref<!tpu.dma_semaphore, #tpu.memory_space<semaphore_mem>>) src(%dma_wait3A_394 : memref<200xi32, #tpu.memory_space<hbm>>) dst(%arg16 : memref<200xi32, #tpu.memory_space<vmem>>)
        tpu.yield
      }) : () -> ()
      %add3A_281 = arith.addi %mul3A_36, %add3A_280 : i32
      "tpu.region"() ({
        %run_scoped3A = tpu.sem_alloc : memref<!tpu.dma_semaphore, #tpu.memory_space<semaphore_mem>>
        %dma_start3A_391 = tpu.memref_slice %arg4[%add3A_281] : memref<320000xi32, #tpu.memory_space<hbm>> -> memref<200xi32, #tpu.memory_space<hbm>>
        %dma_start3A_392 = tpu.memref_slice %arg4[%add3A_281] : memref<320000xi32, #tpu.memory_space<hbm>> -> memref<200xi32, #tpu.memory_space<hbm>>
        tpu.enqueue_dma source(%dma_start3A_392 : memref<200xi32, #tpu.memory_space<hbm>>) target(%arg18 : memref<200xi32, #tpu.memory_space<vmem>>) target_semaphore(%run_scoped3A : memref<!tpu.dma_semaphore, #tpu.memory_space<semaphore_mem>>)
        %dma_wait3A_393 = tpu.memref_slice %arg4[%add3A_281] : memref<320000xi32, #tpu.memory_space<hbm>> -> memref<200xi32, #tpu.memory_space<hbm>>
        %dma_wait3A_394 = tpu.memref_slice %arg4[%add3A_281] : memref<320000xi32, #tpu.memory_space<hbm>> -> memref<200xi32, #tpu.memory_space<hbm>>
        tpu.wait_dma2 semaphore(%run_scoped3A : memref<!tpu.dma_semaphore, #tpu.memory_space<semaphore_mem>>) src(%dma_wait3A_394 : memref<200xi32, #tpu.memory_space<hbm>>) dst(%arg18 : memref<200xi32, #tpu.memory_space<vmem>>)
        tpu.yield
      }) : () -> ()
      %add3A_282 = arith.addi %mul3A_36, %add3A_280 : i32
      "tpu.region"() ({
        %run_scoped3A = tpu.sem_alloc : memref<!tpu.dma_semaphore, #tpu.memory_space<semaphore_mem>>
        %dma_start3A_391 = tpu.memref_slice %arg6[%add3A_282] : memref<320000xi32, #tpu.memory_space<hbm>> -> memref<200xi32, #tpu.memory_space<hbm>>
        %dma_start3A_392 = tpu.memref_slice %arg6[%add3A_282] : memref<320000xi32, #tpu.memory_space<hbm>> -> memref<200xi32, #tpu.memory_space<hbm>>
        tpu.enqueue_dma source(%dma_start3A_392 : memref<200xi32, #tpu.memory_space<hbm>>) target(%arg20 : memref<200xi32, #tpu.memory_space<vmem>>) target_semaphore(%run_scoped3A : memref<!tpu.dma_semaphore, #tpu.memory_space<semaphore_mem>>)
        %dma_wait3A_393 = tpu.memref_slice %arg6[%add3A_282] : memref<320000xi32, #tpu.memory_space<hbm>> -> memref<200xi32, #tpu.memory_space<hbm>>
        %dma_wait3A_394 = tpu.memref_slice %arg6[%add3A_282] : memref<320000xi32, #tpu.memory_space<hbm>> -> memref<200xi32, #tpu.memory_space<hbm>>
        tpu.wait_dma2 semaphore(%run_scoped3A : memref<!tpu.dma_semaphore, #tpu.memory_space<semaphore_mem>>) src(%dma_wait3A_394 : memref<200xi32, #tpu.memory_space<hbm>>) dst(%arg20 : memref<200xi32, #tpu.memory_space<vmem>>)
        tpu.yield
      }) : () -> ()
      %add3A_283 = arith.constant 0 : i32
      %add3A_284 = arith.addi %add3A_280, %add3A_283 : i32
      "tpu.region"() ({
        %run_scoped3A = tpu.sem_alloc : memref<!tpu.dma_semaphore, #tpu.memory_space<semaphore_mem>>
        %dma_start3A_391 = tpu.memref_slice %arg5[%add3A_284] : memref<160000xi32, #tpu.memory_space<hbm>> -> memref<128xi32, #tpu.memory_space<hbm>>
        %dma_start3A_392 = tpu.memref_slice %arg5[%add3A_284] : memref<160000xi32, #tpu.memory_space<hbm>> -> memref<128xi32, #tpu.memory_space<hbm>>
        tpu.enqueue_dma source(%dma_start3A_392 : memref<128xi32, #tpu.memory_space<hbm>>) target(%arg31 : memref<128xi32, #tpu.memory_space<vmem>>) target_semaphore(%run_scoped3A : memref<!tpu.dma_semaphore, #tpu.memory_space<semaphore_mem>>)
        %dma_wait3A_393 = tpu.memref_slice %arg5[%add3A_284] : memref<160000xi32, #tpu.memory_space<hbm>> -> memref<128xi32, #tpu.memory_space<hbm>>
        %dma_wait3A_394 = tpu.memref_slice %arg5[%add3A_284] : memref<160000xi32, #tpu.memory_space<hbm>> -> memref<128xi32, #tpu.memory_space<hbm>>
        tpu.wait_dma2 semaphore(%run_scoped3A : memref<!tpu.dma_semaphore, #tpu.memory_space<semaphore_mem>>) src(%dma_wait3A_394 : memref<128xi32, #tpu.memory_space<hbm>>) dst(%arg31 : memref<128xi32, #tpu.memory_space<vmem>>)
        tpu.yield
      }) : () -> ()
      %add3A_285 = arith.constant 128 : i32
      %add3A_286 = arith.addi %add3A_280, %add3A_285 : i32
      "tpu.region"() ({
        %run_scoped3A = tpu.sem_alloc : memref<!tpu.dma_semaphore, #tpu.memory_space<semaphore_mem>>
        %dma_start3A_391 = tpu.memref_slice %arg5[%add3A_286] : memref<160000xi32, #tpu.memory_space<hbm>> -> memref<72xi32, #tpu.memory_space<hbm>>
        %dma_start3A_392 = tpu.memref_slice %arg5[%add3A_286] : memref<160000xi32, #tpu.memory_space<hbm>> -> memref<72xi32, #tpu.memory_space<hbm>>
        tpu.enqueue_dma source(%dma_start3A_392 : memref<72xi32, #tpu.memory_space<hbm>>) target(%arg32 : memref<72xi32, #tpu.memory_space<vmem>>) target_semaphore(%run_scoped3A : memref<!tpu.dma_semaphore, #tpu.memory_space<semaphore_mem>>)
        %dma_wait3A_393 = tpu.memref_slice %arg5[%add3A_286] : memref<160000xi32, #tpu.memory_space<hbm>> -> memref<72xi32, #tpu.memory_space<hbm>>
        %dma_wait3A_394 = tpu.memref_slice %arg5[%add3A_286] : memref<160000xi32, #tpu.memory_space<hbm>> -> memref<72xi32, #tpu.memory_space<hbm>>
        tpu.wait_dma2 semaphore(%run_scoped3A : memref<!tpu.dma_semaphore, #tpu.memory_space<semaphore_mem>>) src(%dma_wait3A_394 : memref<72xi32, #tpu.memory_space<hbm>>) dst(%arg32 : memref<72xi32, #tpu.memory_space<vmem>>)
        tpu.yield
      }) : () -> ()
      %dma_start3A_287 = arith.constant 0 : i32
      %dma_start3A_288 = arith.constant 0 : i32
      %dma_start3A_289 = tpu.memref_slice %arg22[%dma_start3A_287, %dma_start3A_288] : memref<200x32xf32, #tpu.memory_space<vmem>> -> memref<128x32xf32, #tpu.memory_space<vmem>>
      %dma_start3A_290 = arith.constant 0 : i32
      %dma_start3A_291 = tpu.memref_slice %arg16[%dma_start3A_290] : memref<200xi32, #tpu.memory_space<vmem>> -> memref<128xi32, #tpu.memory_space<vmem>>
      %dma_start3A_292 = arith.constant 0 : i32
      %dma_start3A_293 = arith.constant 0 : i32
      %dma_start3A_294 = tpu.memref_slice %arg2[%dma_start3A_292, %dma_start3A_293] : memref<10000x32xf32, #tpu.memory_space<hbm>> -> memref<10000x32xf32, #tpu.memory_space<hbm>>
      tpu.enqueue_indirect_dma source(%dma_start3A_294 : memref<10000x32xf32, #tpu.memory_space<hbm>>) target(%dma_start3A_289 : memref<128x32xf32, #tpu.memory_space<vmem>>) offsets(%dma_start3A_291 : memref<128xi32, #tpu.memory_space<vmem>>) semaphore(%arg35 : memref<!tpu.dma_semaphore, #tpu.memory_space<semaphore_mem>>)
      %dma_start3A_295 = arith.constant 0 : i32
      %dma_start3A_296 = arith.constant 0 : i32
      %dma_start3A_297 = tpu.memref_slice %arg24[%dma_start3A_295, %dma_start3A_296] : memref<200x16xf32, #tpu.memory_space<vmem>> -> memref<128x16xf32, #tpu.memory_space<vmem>>
      %dma_start3A_298 = arith.constant 0 : i32
      %dma_start3A_299 = tpu.memref_slice %arg18[%dma_start3A_298] : memref<200xi32, #tpu.memory_space<vmem>> -> memref<128xi32, #tpu.memory_space<vmem>>
      %dma_start3A_300 = arith.constant 0 : i32
      %dma_start3A_301 = arith.constant 0 : i32
      %dma_start3A_302 = tpu.memref_slice %arg7[%dma_start3A_300, %dma_start3A_301] : memref<20000x16xf32, #tpu.memory_space<hbm>> -> memref<20000x16xf32, #tpu.memory_space<hbm>>
      tpu.enqueue_indirect_dma source(%dma_start3A_302 : memref<20000x16xf32, #tpu.memory_space<hbm>>) target(%dma_start3A_297 : memref<128x16xf32, #tpu.memory_space<vmem>>) offsets(%dma_start3A_299 : memref<128xi32, #tpu.memory_space<vmem>>) semaphore(%arg37 : memref<!tpu.dma_semaphore, #tpu.memory_space<semaphore_mem>>)
      %dma_start3A_303 = arith.constant 0 : i32
      %dma_start3A_304 = arith.constant 0 : i32
      %dma_start3A_305 = tpu.memref_slice %arg26[%dma_start3A_303, %dma_start3A_304] : memref<200x16xf32, #tpu.memory_space<vmem>> -> memref<128x16xf32, #tpu.memory_space<vmem>>
      %dma_start3A_306 = arith.constant 0 : i32
      %dma_start3A_307 = tpu.memref_slice %arg20[%dma_start3A_306] : memref<200xi32, #tpu.memory_space<vmem>> -> memref<128xi32, #tpu.memory_space<vmem>>
      %dma_start3A_308 = arith.constant 0 : i32
      %dma_start3A_309 = arith.constant 0 : i32
      %dma_start3A_310 = tpu.memref_slice %arg8[%dma_start3A_308, %dma_start3A_309] : memref<20000x16xf32, #tpu.memory_space<hbm>> -> memref<20000x16xf32, #tpu.memory_space<hbm>>
      tpu.enqueue_indirect_dma source(%dma_start3A_310 : memref<20000x16xf32, #tpu.memory_space<hbm>>) target(%dma_start3A_305 : memref<128x16xf32, #tpu.memory_space<vmem>>) offsets(%dma_start3A_307 : memref<128xi32, #tpu.memory_space<vmem>>) semaphore(%arg39 : memref<!tpu.dma_semaphore, #tpu.memory_space<semaphore_mem>>)
      %dma_start3A_311 = arith.constant 128 : i32
      %dma_start3A_312 = arith.constant 0 : i32
      %dma_start3A_313 = tpu.memref_slice %arg22[%dma_start3A_311, %dma_start3A_312] : memref<200x32xf32, #tpu.memory_space<vmem>> -> memref<72x32xf32, #tpu.memory_space<vmem>>
      %dma_start3A_314 = arith.constant 128 : i32
      %dma_start3A_315 = tpu.memref_slice %arg16[%dma_start3A_314] : memref<200xi32, #tpu.memory_space<vmem>> -> memref<72xi32, #tpu.memory_space<vmem>>
      %dma_start3A_316 = arith.constant 0 : i32
      %dma_start3A_317 = arith.constant 0 : i32
      %dma_start3A_318 = tpu.memref_slice %arg2[%dma_start3A_316, %dma_start3A_317] : memref<10000x32xf32, #tpu.memory_space<hbm>> -> memref<10000x32xf32, #tpu.memory_space<hbm>>
      tpu.enqueue_indirect_dma source(%dma_start3A_318 : memref<10000x32xf32, #tpu.memory_space<hbm>>) target(%dma_start3A_313 : memref<72x32xf32, #tpu.memory_space<vmem>>) offsets(%dma_start3A_315 : memref<72xi32, #tpu.memory_space<vmem>>) semaphore(%arg35 : memref<!tpu.dma_semaphore, #tpu.memory_space<semaphore_mem>>)
      %dma_start3A_319 = arith.constant 128 : i32
      %dma_start3A_320 = arith.constant 0 : i32
      %dma_start3A_321 = tpu.memref_slice %arg24[%dma_start3A_319, %dma_start3A_320] : memref<200x16xf32, #tpu.memory_space<vmem>> -> memref<72x16xf32, #tpu.memory_space<vmem>>
      %dma_start3A_322 = arith.constant 128 : i32
      %dma_start3A_323 = tpu.memref_slice %arg18[%dma_start3A_322] : memref<200xi32, #tpu.memory_space<vmem>> -> memref<72xi32, #tpu.memory_space<vmem>>
      %dma_start3A_324 = arith.constant 0 : i32
      %dma_start3A_325 = arith.constant 0 : i32
      %dma_start3A_326 = tpu.memref_slice %arg7[%dma_start3A_324, %dma_start3A_325] : memref<20000x16xf32, #tpu.memory_space<hbm>> -> memref<20000x16xf32, #tpu.memory_space<hbm>>
      tpu.enqueue_indirect_dma source(%dma_start3A_326 : memref<20000x16xf32, #tpu.memory_space<hbm>>) target(%dma_start3A_321 : memref<72x16xf32, #tpu.memory_space<vmem>>) offsets(%dma_start3A_323 : memref<72xi32, #tpu.memory_space<vmem>>) semaphore(%arg37 : memref<!tpu.dma_semaphore, #tpu.memory_space<semaphore_mem>>)
      %dma_start3A_327 = arith.constant 128 : i32
      %dma_start3A_328 = arith.constant 0 : i32
      %dma_start3A_329 = tpu.memref_slice %arg26[%dma_start3A_327, %dma_start3A_328] : memref<200x16xf32, #tpu.memory_space<vmem>> -> memref<72x16xf32, #tpu.memory_space<vmem>>
      %dma_start3A_330 = arith.constant 128 : i32
      %dma_start3A_331 = tpu.memref_slice %arg20[%dma_start3A_330] : memref<200xi32, #tpu.memory_space<vmem>> -> memref<72xi32, #tpu.memory_space<vmem>>
      %dma_start3A_332 = arith.constant 0 : i32
      %dma_start3A_333 = arith.constant 0 : i32
      %dma_start3A_334 = tpu.memref_slice %arg8[%dma_start3A_332, %dma_start3A_333] : memref<20000x16xf32, #tpu.memory_space<hbm>> -> memref<20000x16xf32, #tpu.memory_space<hbm>>
      tpu.enqueue_indirect_dma source(%dma_start3A_334 : memref<20000x16xf32, #tpu.memory_space<hbm>>) target(%dma_start3A_329 : memref<72x16xf32, #tpu.memory_space<vmem>>) offsets(%dma_start3A_331 : memref<72xi32, #tpu.memory_space<vmem>>) semaphore(%arg39 : memref<!tpu.dma_semaphore, #tpu.memory_space<semaphore_mem>>)
      %dma_wait3A_335 = arith.constant 0 : i32
      %dma_wait3A_336 = arith.constant 0 : i32
      %dma_wait3A_337 = tpu.memref_slice %arg23[%dma_wait3A_335, %dma_wait3A_336] : memref<200x32xf32, #tpu.memory_space<vmem>> -> memref<128x32xf32, #tpu.memory_space<vmem>>
      %dma_wait3A_338 = arith.constant 0 : i32
      %dma_wait3A_339 = tpu.memref_slice %arg17[%dma_wait3A_338] : memref<200xi32, #tpu.memory_space<vmem>> -> memref<128xi32, #tpu.memory_space<vmem>>
      %dma_wait3A_340 = arith.constant 0 : i32
      %dma_wait3A_341 = arith.constant 0 : i32
      %dma_wait3A_342 = tpu.memref_slice %arg2[%dma_wait3A_340, %dma_wait3A_341] : memref<10000x32xf32, #tpu.memory_space<hbm>> -> memref<10000x32xf32, #tpu.memory_space<hbm>>
      tpu.wait_indirect_dma semaphore(%arg36 : memref<!tpu.dma_semaphore, #tpu.memory_space<semaphore_mem>>) src(%dma_wait3A_342 : memref<10000x32xf32, #tpu.memory_space<hbm>>) dst(%dma_wait3A_337 : memref<128x32xf32, #tpu.memory_space<vmem>>)
      %dma_wait3A_343 = arith.constant 0 : i32
      %dma_wait3A_344 = arith.constant 0 : i32
      %dma_wait3A_345 = tpu.memref_slice %arg25[%dma_wait3A_343, %dma_wait3A_344] : memref<200x16xf32, #tpu.memory_space<vmem>> -> memref<128x16xf32, #tpu.memory_space<vmem>>
      %dma_wait3A_346 = arith.constant 0 : i32
      %dma_wait3A_347 = tpu.memref_slice %arg19[%dma_wait3A_346] : memref<200xi32, #tpu.memory_space<vmem>> -> memref<128xi32, #tpu.memory_space<vmem>>
      %dma_wait3A_348 = arith.constant 0 : i32
      %dma_wait3A_349 = arith.constant 0 : i32
      %dma_wait3A_350 = tpu.memref_slice %arg7[%dma_wait3A_348, %dma_wait3A_349] : memref<20000x16xf32, #tpu.memory_space<hbm>> -> memref<20000x16xf32, #tpu.memory_space<hbm>>
      tpu.wait_indirect_dma semaphore(%arg38 : memref<!tpu.dma_semaphore, #tpu.memory_space<semaphore_mem>>) src(%dma_wait3A_350 : memref<20000x16xf32, #tpu.memory_space<hbm>>) dst(%dma_wait3A_345 : memref<128x16xf32, #tpu.memory_space<vmem>>)
      %dma_wait3A_351 = arith.constant 0 : i32
      %dma_wait3A_352 = arith.constant 0 : i32
      %dma_wait3A_353 = tpu.memref_slice %arg27[%dma_wait3A_351, %dma_wait3A_352] : memref<200x16xf32, #tpu.memory_space<vmem>> -> memref<128x16xf32, #tpu.memory_space<vmem>>
      %dma_wait3A_354 = arith.constant 0 : i32
      %dma_wait3A_355 = tpu.memref_slice %arg21[%dma_wait3A_354] : memref<200xi32, #tpu.memory_space<vmem>> -> memref<128xi32, #tpu.memory_space<vmem>>
      %dma_wait3A_356 = arith.constant 0 : i32
      %dma_wait3A_357 = arith.constant 0 : i32
      %dma_wait3A_358 = tpu.memref_slice %arg8[%dma_wait3A_356, %dma_wait3A_357] : memref<20000x16xf32, #tpu.memory_space<hbm>> -> memref<20000x16xf32, #tpu.memory_space<hbm>>
      tpu.wait_indirect_dma semaphore(%arg40 : memref<!tpu.dma_semaphore, #tpu.memory_space<semaphore_mem>>) src(%dma_wait3A_358 : memref<20000x16xf32, #tpu.memory_space<hbm>>) dst(%dma_wait3A_353 : memref<128x16xf32, #tpu.memory_space<vmem>>)
      %dma_wait3A_359 = arith.constant 128 : i32
      %dma_wait3A_360 = arith.constant 0 : i32
      %dma_wait3A_361 = tpu.memref_slice %arg23[%dma_wait3A_359, %dma_wait3A_360] : memref<200x32xf32, #tpu.memory_space<vmem>> -> memref<72x32xf32, #tpu.memory_space<vmem>>
      %dma_wait3A_362 = arith.constant 128 : i32
      %dma_wait3A_363 = tpu.memref_slice %arg17[%dma_wait3A_362] : memref<200xi32, #tpu.memory_space<vmem>> -> memref<72xi32, #tpu.memory_space<vmem>>
      %dma_wait3A_364 = arith.constant 0 : i32
      %dma_wait3A_365 = arith.constant 0 : i32
      %dma_wait3A_366 = tpu.memref_slice %arg2[%dma_wait3A_364, %dma_wait3A_365] : memref<10000x32xf32, #tpu.memory_space<hbm>> -> memref<10000x32xf32, #tpu.memory_space<hbm>>
      tpu.wait_indirect_dma semaphore(%arg36 : memref<!tpu.dma_semaphore, #tpu.memory_space<semaphore_mem>>) src(%dma_wait3A_366 : memref<10000x32xf32, #tpu.memory_space<hbm>>) dst(%dma_wait3A_361 : memref<72x32xf32, #tpu.memory_space<vmem>>)
      %dma_wait3A_367 = arith.constant 128 : i32
      %dma_wait3A_368 = arith.constant 0 : i32
      %dma_wait3A_369 = tpu.memref_slice %arg25[%dma_wait3A_367, %dma_wait3A_368] : memref<200x16xf32, #tpu.memory_space<vmem>> -> memref<72x16xf32, #tpu.memory_space<vmem>>
      %dma_wait3A_370 = arith.constant 128 : i32
      %dma_wait3A_371 = tpu.memref_slice %arg19[%dma_wait3A_370] : memref<200xi32, #tpu.memory_space<vmem>> -> memref<72xi32, #tpu.memory_space<vmem>>
      %dma_wait3A_372 = arith.constant 0 : i32
      %dma_wait3A_373 = arith.constant 0 : i32
      %dma_wait3A_374 = tpu.memref_slice %arg7[%dma_wait3A_372, %dma_wait3A_373] : memref<20000x16xf32, #tpu.memory_space<hbm>> -> memref<20000x16xf32, #tpu.memory_space<hbm>>
      tpu.wait_indirect_dma semaphore(%arg38 : memref<!tpu.dma_semaphore, #tpu.memory_space<semaphore_mem>>) src(%dma_wait3A_374 : memref<20000x16xf32, #tpu.memory_space<hbm>>) dst(%dma_wait3A_369 : memref<72x16xf32, #tpu.memory_space<vmem>>)
      %dma_wait3A_375 = arith.constant 128 : i32
      %dma_wait3A_376 = arith.constant 0 : i32
      %dma_wait3A_377 = tpu.memref_slice %arg27[%dma_wait3A_375, %dma_wait3A_376] : memref<200x16xf32, #tpu.memory_space<vmem>> -> memref<72x16xf32, #tpu.memory_space<vmem>>
      %dma_wait3A_378 = arith.constant 128 : i32
      %dma_wait3A_379 = tpu.memref_slice %arg21[%dma_wait3A_378] : memref<200xi32, #tpu.memory_space<vmem>> -> memref<72xi32, #tpu.memory_space<vmem>>
      %dma_wait3A_380 = arith.constant 0 : i32
      %dma_wait3A_381 = arith.constant 0 : i32
      %dma_wait3A_382 = tpu.memref_slice %arg8[%dma_wait3A_380, %dma_wait3A_381] : memref<20000x16xf32, #tpu.memory_space<hbm>> -> memref<20000x16xf32, #tpu.memory_space<hbm>>
      tpu.wait_indirect_dma semaphore(%arg40 : memref<!tpu.dma_semaphore, #tpu.memory_space<semaphore_mem>>) src(%dma_wait3A_382 : memref<20000x16xf32, #tpu.memory_space<hbm>>) dst(%dma_wait3A_377 : memref<72x16xf32, #tpu.memory_space<vmem>>)
      %scan3A_383 = arith.constant 0 : i32
      %scan3A_384 = arith.constant 0 : i32
      %scan3A_385 = arith.constant 200 : i32
      %scan3A_386 = arith.addi %scan3A_384, %scan3A_385 : i32
      %scan3A_387 = arith.constant 2 : i32
      %scan3A_388 = scf.for %scan3A_391 = %scan3A_384 to %scan3A_386 step %scan3A_387 iter_args(%scan3A_392 = %scan3A_383) -> (i32)  : i32 {
        %get3A_393 = arith.index_cast %scan3A_391 : i32 to index
        %get3A_394 = arith.constant 0 : index
        %get3A_395 = tpu.vector_load %arg25[%get3A_393, %get3A_394] {strides = array<i32>} : memref<200x16xf32, #tpu.memory_space<vmem>>, vector<1x16xf32>,
        %get3A_396 = vector.shape_cast %get3A_395 : vector<1x16xf32> to vector<16xf32>
        %get3A_397 = arith.index_cast %scan3A_391 : i32 to index
        %get3A_398 = arith.constant 0 : index
        %get3A_399 = tpu.vector_load %arg27[%get3A_397, %get3A_398] {strides = array<i32>} : memref<200x16xf32, #tpu.memory_space<vmem>>, vector<1x16xf32>,
        %get3A_400 = vector.shape_cast %get3A_399 : vector<1x16xf32> to vector<16xf32>
        %add3A_401 = arith.addf %get3A_396, %get3A_400 : vector<16xf32>
        %gt3A_402 = arith.constant 0.000000e+00 : f32
        %gt3A_403 = vector.broadcast %gt3A_402 : f32 to vector<16xf32>
        %gt3A_404 = arith.cmpf ogt, %add3A_401, %gt3A_403 : vector<16xf32>
        %mul3A_405 = arith.constant 2.000000e-01 : f32
        %mul3A_406 = vector.broadcast %mul3A_405 : f32 to vector<16xf32>
        %mul3A_407 = arith.mulf %mul3A_406, %add3A_401 : vector<16xf32>
        %select_n3A_408 = arith.select %gt3A_404, %add3A_401, %mul3A_407 : vector<16xi1>, vector<16xf32>
        %sub3A = arith.subf %select_n3A_408, %max3A_29 : vector<16xf32>
        %exp3A = math.exp %sub3A : vector<16xf32>
        %swap3A = arith.index_cast %scan3A_391 : i32 to index
        %swap3A_409 = arith.constant 0 : index
        %swap3A_410 = tpu.vector_load %arg29[%swap3A, %swap3A_409] {strides = array<i32>} : memref<200x16xf32, #tpu.memory_space<vmem>>, vector<1x16xf32>,
        %swap3A_411 = vector.shape_cast %swap3A_410 : vector<1x16xf32> to vector<16xf32>
        %swap3A_412 = vector.shape_cast %exp3A : vector<16xf32> to vector<1x16xf32>
        tpu.vector_store %arg29[%swap3A, %swap3A_409], %swap3A_412 {strides = array<i32>} : memref<200x16xf32, #tpu.memory_space<vmem>>, vector<1x16xf32>,
        %slice3A = vector.extract_strided_slice %exp3A {offsets = [0], sizes = [1], strides = [1]} : vector<16xf32> to vector<1xf32>
        %squeeze3A = vector.extract %slice3A[0] : f32 from vector<1xf32>
        %get3A_413 = arith.index_cast %scan3A_391 : i32 to index
        %get3A_414 = arith.constant 0 : index
        %get3A_415 = tpu.vector_load %arg23[%get3A_413, %get3A_414] {strides = array<i32>} : memref<200x32xf32, #tpu.memory_space<vmem>>, vector<1x16xf32>,
        %get3A_416 = vector.shape_cast %get3A_415 : vector<1x16xf32> to vector<16xf32>
        %mul3A_417 = vector.broadcast %squeeze3A : f32 to vector<16xf32>
        %mul3A_418 = arith.mulf %get3A_416, %mul3A_417 : vector<16xf32>
        %swap3A_419 = arith.index_cast %scan3A_391 : i32 to index
        %swap3A_420 = arith.constant 0 : index
        %swap3A_421 = tpu.vector_load %arg23[%swap3A_419, %swap3A_420] {strides = array<i32>} : memref<200x32xf32, #tpu.memory_space<vmem>>, vector<1x16xf32>,
        %swap3A_422 = vector.shape_cast %swap3A_421 : vector<1x16xf32> to vector<16xf32>
        %swap3A_423 = vector.shape_cast %mul3A_418 : vector<16xf32> to vector<1x16xf32>
        tpu.vector_store %arg23[%swap3A_419, %swap3A_420], %swap3A_423 {strides = array<i32>} : memref<200x32xf32, #tpu.memory_space<vmem>>, vector<1x16xf32>,
        %get3A_424 = arith.index_cast %scan3A_391 : i32 to index
        %get3A_425 = arith.constant 16 : index
        %get3A_426 = tpu.vector_load %arg23[%get3A_424, %get3A_425] {strides = array<i32>} : memref<200x32xf32, #tpu.memory_space<vmem>>, vector<1x16xf32>,
        %get3A_427 = vector.shape_cast %get3A_426 : vector<1x16xf32> to vector<16xf32>
        %mul3A_428 = vector.broadcast %squeeze3A : f32 to vector<16xf32>
        %mul3A_429 = arith.mulf %get3A_427, %mul3A_428 : vector<16xf32>
        %swap3A_430 = arith.index_cast %scan3A_391 : i32 to index
        %swap3A_431 = arith.constant 16 : index
        %swap3A_432 = tpu.vector_load %arg23[%swap3A_430, %swap3A_431] {strides = array<i32>} : memref<200x32xf32, #tpu.memory_space<vmem>>, vector<1x16xf32>,
        %swap3A_433 = vector.shape_cast %swap3A_432 : vector<1x16xf32> to vector<16xf32>
        %swap3A_434 = vector.shape_cast %mul3A_429 : vector<16xf32> to vector<1x16xf32>
        tpu.vector_store %arg23[%swap3A_430, %swap3A_431], %swap3A_434 {strides = array<i32>} : memref<200x32xf32, #tpu.memory_space<vmem>>, vector<1x16xf32>,
        %scan3A_435 = arith.constant 0 : i32
        %scan3A_436 = arith.constant 1 : i32
        %scan3A_437 = arith.addi %scan3A_391, %scan3A_436 : i32
        %get3A_438 = arith.index_cast %scan3A_437 : i32 to index
        %get3A_439 = arith.constant 0 : index
        %get3A_440 = tpu.vector_load %arg25[%get3A_438, %get3A_439] {strides = array<i32>} : memref<200x16xf32, #tpu.memory_space<vmem>>, vector<1x16xf32>,
        %get3A_441 = vector.shape_cast %get3A_440 : vector<1x16xf32> to vector<16xf32>
        %get3A_442 = arith.index_cast %scan3A_437 : i32 to index
        %get3A_443 = arith.constant 0 : index
        %get3A_444 = tpu.vector_load %arg27[%get3A_442, %get3A_443] {strides = array<i32>} : memref<200x16xf32, #tpu.memory_space<vmem>>, vector<1x16xf32>,
        %get3A_445 = vector.shape_cast %get3A_444 : vector<1x16xf32> to vector<16xf32>
        %add3A_446 = arith.addf %get3A_441, %get3A_445 : vector<16xf32>
        %gt3A_447 = arith.constant 0.000000e+00 : f32
        %gt3A_448 = vector.broadcast %gt3A_447 : f32 to vector<16xf32>
        %gt3A_449 = arith.cmpf ogt, %add3A_446, %gt3A_448 : vector<16xf32>
        %mul3A_450 = arith.constant 2.000000e-01 : f32
        %mul3A_451 = vector.broadcast %mul3A_450 : f32 to vector<16xf32>
        %mul3A_452 = arith.mulf %mul3A_451, %add3A_446 : vector<16xf32>
        %select_n3A_453 = arith.select %gt3A_449, %add3A_446, %mul3A_452 : vector<16xi1>, vector<16xf32>
        %sub3A_454 = arith.subf %select_n3A_453, %max3A_29 : vector<16xf32>
        %exp3A_455 = math.exp %sub3A_454 : vector<16xf32>
        %swap3A_456 = arith.index_cast %scan3A_437 : i32 to index
        %swap3A_457 = arith.constant 0 : index
        %swap3A_458 = tpu.vector_load %arg29[%swap3A_456, %swap3A_457] {strides = array<i32>} : memref<200x16xf32, #tpu.memory_space<vmem>>, vector<1x16xf32>,
        %swap3A_459 = vector.shape_cast %swap3A_458 : vector<1x16xf32> to vector<16xf32>
        %swap3A_460 = vector.shape_cast %exp3A_455 : vector<16xf32> to vector<1x16xf32>
        tpu.vector_store %arg29[%swap3A_456, %swap3A_457], %swap3A_460 {strides = array<i32>} : memref<200x16xf32, #tpu.memory_space<vmem>>, vector<1x16xf32>,
        %slice3A_461 = vector.extract_strided_slice %exp3A_455 {offsets = [0], sizes = [1], strides = [1]} : vector<16xf32> to vector<1xf32>
        %squeeze3A_462 = vector.extract %slice3A_461[0] : f32 from vector<1xf32>
        %get3A_463 = arith.index_cast %scan3A_437 : i32 to index
        %get3A_464 = arith.constant 0 : index
        %get3A_465 = tpu.vector_load %arg23[%get3A_463, %get3A_464] {strides = array<i32>} : memref<200x32xf32, #tpu.memory_space<vmem>>, vector<1x16xf32>,
        %get3A_466 = vector.shape_cast %get3A_465 : vector<1x16xf32> to vector<16xf32>
        %mul3A_467 = vector.broadcast %squeeze3A_462 : f32 to vector<16xf32>
        %mul3A_468 = arith.mulf %get3A_466, %mul3A_467 : vector<16xf32>
        %swap3A_469 = arith.index_cast %scan3A_437 : i32 to index
        %swap3A_470 = arith.constant 0 : index
        %swap3A_471 = tpu.vector_load %arg23[%swap3A_469, %swap3A_470] {strides = array<i32>} : memref<200x32xf32, #tpu.memory_space<vmem>>, vector<1x16xf32>,
        %swap3A_472 = vector.shape_cast %swap3A_471 : vector<1x16xf32> to vector<16xf32>
        %swap3A_473 = vector.shape_cast %mul3A_468 : vector<16xf32> to vector<1x16xf32>
        tpu.vector_store %arg23[%swap3A_469, %swap3A_470], %swap3A_473 {strides = array<i32>} : memref<200x32xf32, #tpu.memory_space<vmem>>, vector<1x16xf32>,
        %get3A_474 = arith.index_cast %scan3A_437 : i32 to index
        %get3A_475 = arith.constant 16 : index
        %get3A_476 = tpu.vector_load %arg23[%get3A_474, %get3A_475] {strides = array<i32>} : memref<200x32xf32, #tpu.memory_space<vmem>>, vector<1x16xf32>,
        %get3A_477 = vector.shape_cast %get3A_476 : vector<1x16xf32> to vector<16xf32>
        %mul3A_478 = vector.broadcast %squeeze3A_462 : f32 to vector<16xf32>
        %mul3A_479 = arith.mulf %get3A_477, %mul3A_478 : vector<16xf32>
        %swap3A_480 = arith.index_cast %scan3A_437 : i32 to index
        %swap3A_481 = arith.constant 16 : index
        %swap3A_482 = tpu.vector_load %arg23[%swap3A_480, %swap3A_481] {strides = array<i32>} : memref<200x32xf32, #tpu.memory_space<vmem>>, vector<1x16xf32>,
        %swap3A_483 = vector.shape_cast %swap3A_482 : vector<1x16xf32> to vector<16xf32>
        %swap3A_484 = vector.shape_cast %mul3A_479 : vector<16xf32> to vector<1x16xf32>
        tpu.vector_store %arg23[%swap3A_480, %swap3A_481], %swap3A_484 {strides = array<i32>} : memref<200x32xf32, #tpu.memory_space<vmem>>, vector<1x16xf32>,
        %scan3A_485 = arith.constant 0 : i32
        scf.yield %scan3A_485 : i32
      }
      %scan3A_389 = arith.constant 200 : i32
      "tpu.region"() ({
        %run_scoped3A = tpu.sem_alloc : memref<!tpu.dma_semaphore, #tpu.memory_space<semaphore_mem>>
        %dma_start3A_391 = arith.constant 0 : i32
        %dma_start3A_392 = arith.constant 0 : i32
        %dma_start3A_393 = tpu.memref_slice %arg29[%dma_start3A_391, %dma_start3A_392] : memref<200x16xf32, #tpu.memory_space<vmem>> -> memref<128x16xf32, #tpu.memory_space<vmem>>
        %dma_start3A_394 = arith.constant 0 : i32
        %dma_start3A_395 = arith.constant 0 : i32
        %dma_start3A_396 = tpu.memref_slice %arg15[%dma_start3A_394, %dma_start3A_395] : memref<10240x16xf32, #tpu.memory_space<vmem_shared>> -> memref<10240x16xf32, #tpu.memory_space<vmem_shared>>
        tpu.enqueue_indirect_dma source(%dma_start3A_393 : memref<128x16xf32, #tpu.memory_space<vmem>>) target(%dma_start3A_396 : memref<10240x16xf32, #tpu.memory_space<vmem_shared>>) offsets(%arg33 : memref<128xi32, #tpu.memory_space<vmem>>) semaphore(%run_scoped3A : memref<!tpu.dma_semaphore, #tpu.memory_space<semaphore_mem>>) {add = true}
        %dma_wait3A_397 = arith.constant 0 : i32
        %dma_wait3A_398 = arith.constant 0 : i32
        %dma_wait3A_399 = tpu.memref_slice %arg29[%dma_wait3A_397, %dma_wait3A_398] : memref<200x16xf32, #tpu.memory_space<vmem>> -> memref<128x16xf32, #tpu.memory_space<vmem>>
        %dma_wait3A_400 = arith.constant 0 : i32
        %dma_wait3A_401 = arith.constant 0 : i32
        %dma_wait3A_402 = tpu.memref_slice %arg15[%dma_wait3A_400, %dma_wait3A_401] : memref<10240x16xf32, #tpu.memory_space<vmem_shared>> -> memref<10240x16xf32, #tpu.memory_space<vmem_shared>>
        tpu.wait_indirect_dma semaphore(%run_scoped3A : memref<!tpu.dma_semaphore, #tpu.memory_space<semaphore_mem>>) src(%dma_wait3A_399 : memref<128x16xf32, #tpu.memory_space<vmem>>) dst(%dma_wait3A_402 : memref<10240x16xf32, #tpu.memory_space<vmem_shared>>)
        tpu.yield
      }) : () -> ()
      "tpu.region"() ({
        %run_scoped3A = tpu.sem_alloc : memref<!tpu.dma_semaphore, #tpu.memory_space<semaphore_mem>>
        %dma_start3A_391 = arith.constant 0 : i32
        %dma_start3A_392 = arith.constant 0 : i32
        %dma_start3A_393 = tpu.memref_slice %arg23[%dma_start3A_391, %dma_start3A_392] : memref<200x32xf32, #tpu.memory_space<vmem>> -> memref<128x32xf32, #tpu.memory_space<vmem>>
        %dma_start3A_394 = arith.constant 0 : i32
        %dma_start3A_395 = arith.constant 0 : i32
        %dma_start3A_396 = tpu.memref_slice %arg14[%dma_start3A_394, %dma_start3A_395] : memref<10240x32xf32, #tpu.memory_space<vmem_shared>> -> memref<10240x32xf32, #tpu.memory_space<vmem_shared>>
        tpu.enqueue_indirect_dma source(%dma_start3A_393 : memref<128x32xf32, #tpu.memory_space<vmem>>) target(%dma_start3A_396 : memref<10240x32xf32, #tpu.memory_space<vmem_shared>>) offsets(%arg33 : memref<128xi32, #tpu.memory_space<vmem>>) semaphore(%run_scoped3A : memref<!tpu.dma_semaphore, #tpu.memory_space<semaphore_mem>>) {add = true}
        %dma_wait3A_397 = arith.constant 0 : i32
        %dma_wait3A_398 = arith.constant 0 : i32
        %dma_wait3A_399 = tpu.memref_slice %arg23[%dma_wait3A_397, %dma_wait3A_398] : memref<200x32xf32, #tpu.memory_space<vmem>> -> memref<128x32xf32, #tpu.memory_space<vmem>>
        %dma_wait3A_400 = arith.constant 0 : i32
        %dma_wait3A_401 = arith.constant 0 : i32
        %dma_wait3A_402 = tpu.memref_slice %arg14[%dma_wait3A_400, %dma_wait3A_401] : memref<10240x32xf32, #tpu.memory_space<vmem_shared>> -> memref<10240x32xf32, #tpu.memory_space<vmem_shared>>
        tpu.wait_indirect_dma semaphore(%run_scoped3A : memref<!tpu.dma_semaphore, #tpu.memory_space<semaphore_mem>>) src(%dma_wait3A_399 : memref<128x32xf32, #tpu.memory_space<vmem>>) dst(%dma_wait3A_402 : memref<10240x32xf32, #tpu.memory_space<vmem_shared>>)
        tpu.yield
      }) : () -> ()
      "tpu.region"() ({
        %run_scoped3A = tpu.sem_alloc : memref<!tpu.dma_semaphore, #tpu.memory_space<semaphore_mem>>
        %dma_start3A_391 = arith.constant 128 : i32
        %dma_start3A_392 = arith.constant 0 : i32
        %dma_start3A_393 = tpu.memref_slice %arg29[%dma_start3A_391, %dma_start3A_392] : memref<200x16xf32, #tpu.memory_space<vmem>> -> memref<72x16xf32, #tpu.memory_space<vmem>>
        %dma_start3A_394 = arith.constant 0 : i32
        %dma_start3A_395 = arith.constant 0 : i32
        %dma_start3A_396 = tpu.memref_slice %arg15[%dma_start3A_394, %dma_start3A_395] : memref<10240x16xf32, #tpu.memory_space<vmem_shared>> -> memref<10240x16xf32, #tpu.memory_space<vmem_shared>>
        tpu.enqueue_indirect_dma source(%dma_start3A_393 : memref<72x16xf32, #tpu.memory_space<vmem>>) target(%dma_start3A_396 : memref<10240x16xf32, #tpu.memory_space<vmem_shared>>) offsets(%arg34 : memref<72xi32, #tpu.memory_space<vmem>>) semaphore(%run_scoped3A : memref<!tpu.dma_semaphore, #tpu.memory_space<semaphore_mem>>) {add = true}
        %dma_wait3A_397 = arith.constant 128 : i32
        %dma_wait3A_398 = arith.constant 0 : i32
        %dma_wait3A_399 = tpu.memref_slice %arg29[%dma_wait3A_397, %dma_wait3A_398] : memref<200x16xf32, #tpu.memory_space<vmem>> -> memref<72x16xf32, #tpu.memory_space<vmem>>
        %dma_wait3A_400 = arith.constant 0 : i32
        %dma_wait3A_401 = arith.constant 0 : i32
        %dma_wait3A_402 = tpu.memref_slice %arg15[%dma_wait3A_400, %dma_wait3A_401] : memref<10240x16xf32, #tpu.memory_space<vmem_shared>> -> memref<10240x16xf32, #tpu.memory_space<vmem_shared>>
        tpu.wait_indirect_dma semaphore(%run_scoped3A : memref<!tpu.dma_semaphore, #tpu.memory_space<semaphore_mem>>) src(%dma_wait3A_399 : memref<72x16xf32, #tpu.memory_space<vmem>>) dst(%dma_wait3A_402 : memref<10240x16xf32, #tpu.memory_space<vmem_shared>>)
        tpu.yield
      }) : () -> ()
      "tpu.region"() ({
        %run_scoped3A = tpu.sem_alloc : memref<!tpu.dma_semaphore, #tpu.memory_space<semaphore_mem>>
        %dma_start3A_391 = arith.constant 128 : i32
        %dma_start3A_392 = arith.constant 0 : i32
        %dma_start3A_393 = tpu.memref_slice %arg23[%dma_start3A_391, %dma_start3A_392] : memref<200x32xf32, #tpu.memory_space<vmem>> -> memref<72x32xf32, #tpu.memory_space<vmem>>
        %dma_start3A_394 = arith.constant 0 : i32
        %dma_start3A_395 = arith.constant 0 : i32
        %dma_start3A_396 = tpu.memref_slice %arg14[%dma_start3A_394, %dma_start3A_395] : memref<10240x32xf32, #tpu.memory_space<vmem_shared>> -> memref<10240x32xf32, #tpu.memory_space<vmem_shared>>
        tpu.enqueue_indirect_dma source(%dma_start3A_393 : memref<72x32xf32, #tpu.memory_space<vmem>>) target(%dma_start3A_396 : memref<10240x32xf32, #tpu.memory_space<vmem_shared>>) offsets(%arg34 : memref<72xi32, #tpu.memory_space<vmem>>) semaphore(%run_scoped3A : memref<!tpu.dma_semaphore, #tpu.memory_space<semaphore_mem>>) {add = true}
        %dma_wait3A_397 = arith.constant 128 : i32
        %dma_wait3A_398 = arith.constant 0 : i32
        %dma_wait3A_399 = tpu.memref_slice %arg23[%dma_wait3A_397, %dma_wait3A_398] : memref<200x32xf32, #tpu.memory_space<vmem>> -> memref<72x32xf32, #tpu.memory_space<vmem>>
        %dma_wait3A_400 = arith.constant 0 : i32
        %dma_wait3A_401 = arith.constant 0 : i32
        %dma_wait3A_402 = tpu.memref_slice %arg14[%dma_wait3A_400, %dma_wait3A_401] : memref<10240x32xf32, #tpu.memory_space<vmem_shared>> -> memref<10240x32xf32, #tpu.memory_space<vmem_shared>>
        tpu.wait_indirect_dma semaphore(%run_scoped3A : memref<!tpu.dma_semaphore, #tpu.memory_space<semaphore_mem>>) src(%dma_wait3A_399 : memref<72x32xf32, #tpu.memory_space<vmem>>) dst(%dma_wait3A_402 : memref<10240x32xf32, #tpu.memory_space<vmem_shared>>)
        tpu.yield
      }) : () -> ()
      %scan3A_390 = arith.constant 0 : i32
      scf.yield %scan3A_390 : i32
    }
    %scan3A_97 = arith.constant 12 : i32
    %dma_wait3A = arith.constant 0 : i32
    %dma_wait3A_98 = arith.constant 0 : i32
    %dma_wait3A_99 = tpu.memref_slice %arg22[%dma_wait3A, %dma_wait3A_98] : memref<200x32xf32, #tpu.memory_space<vmem>> -> memref<128x32xf32, #tpu.memory_space<vmem>>
    %dma_wait3A_100 = arith.constant 0 : i32
    %dma_wait3A_101 = tpu.memref_slice %arg16[%dma_wait3A_100] : memref<200xi32, #tpu.memory_space<vmem>> -> memref<128xi32, #tpu.memory_space<vmem>>
    %dma_wait3A_102 = arith.constant 0 : i32
    %dma_wait3A_103 = arith.constant 0 : i32
    %dma_wait3A_104 = tpu.memref_slice %arg2[%dma_wait3A_102, %dma_wait3A_103] : memref<10000x32xf32, #tpu.memory_space<hbm>> -> memref<10000x32xf32, #tpu.memory_space<hbm>>
    tpu.wait_indirect_dma semaphore(%arg35 : memref<!tpu.dma_semaphore, #tpu.memory_space<semaphore_mem>>) src(%dma_wait3A_104 : memref<10000x32xf32, #tpu.memory_space<hbm>>) dst(%dma_wait3A_99 : memref<128x32xf32, #tpu.memory_space<vmem>>)
    %dma_wait3A_105 = arith.constant 0 : i32
    %dma_wait3A_106 = arith.constant 0 : i32
    %dma_wait3A_107 = tpu.memref_slice %arg24[%dma_wait3A_105, %dma_wait3A_106] : memref<200x16xf32, #tpu.memory_space<vmem>> -> memref<128x16xf32, #tpu.memory_space<vmem>>
    %dma_wait3A_108 = arith.constant 0 : i32
    %dma_wait3A_109 = tpu.memref_slice %arg18[%dma_wait3A_108] : memref<200xi32, #tpu.memory_space<vmem>> -> memref<128xi32, #tpu.memory_space<vmem>>
    %dma_wait3A_110 = arith.constant 0 : i32
    %dma_wait3A_111 = arith.constant 0 : i32
    %dma_wait3A_112 = tpu.memref_slice %arg7[%dma_wait3A_110, %dma_wait3A_111] : memref<20000x16xf32, #tpu.memory_space<hbm>> -> memref<20000x16xf32, #tpu.memory_space<hbm>>
    tpu.wait_indirect_dma semaphore(%arg37 : memref<!tpu.dma_semaphore, #tpu.memory_space<semaphore_mem>>) src(%dma_wait3A_112 : memref<20000x16xf32, #tpu.memory_space<hbm>>) dst(%dma_wait3A_107 : memref<128x16xf32, #tpu.memory_space<vmem>>)
    %dma_wait3A_113 = arith.constant 0 : i32
    %dma_wait3A_114 = arith.constant 0 : i32
    %dma_wait3A_115 = tpu.memref_slice %arg26[%dma_wait3A_113, %dma_wait3A_114] : memref<200x16xf32, #tpu.memory_space<vmem>> -> memref<128x16xf32, #tpu.memory_space<vmem>>
    %dma_wait3A_116 = arith.constant 0 : i32
    %dma_wait3A_117 = tpu.memref_slice %arg20[%dma_wait3A_116] : memref<200xi32, #tpu.memory_space<vmem>> -> memref<128xi32, #tpu.memory_space<vmem>>
    %dma_wait3A_118 = arith.constant 0 : i32
    %dma_wait3A_119 = arith.constant 0 : i32
    %dma_wait3A_120 = tpu.memref_slice %arg8[%dma_wait3A_118, %dma_wait3A_119] : memref<20000x16xf32, #tpu.memory_space<hbm>> -> memref<20000x16xf32, #tpu.memory_space<hbm>>
    tpu.wait_indirect_dma semaphore(%arg39 : memref<!tpu.dma_semaphore, #tpu.memory_space<semaphore_mem>>) src(%dma_wait3A_120 : memref<20000x16xf32, #tpu.memory_space<hbm>>) dst(%dma_wait3A_115 : memref<128x16xf32, #tpu.memory_space<vmem>>)
    %dma_wait3A_121 = arith.constant 128 : i32
    %dma_wait3A_122 = arith.constant 0 : i32
    %dma_wait3A_123 = tpu.memref_slice %arg22[%dma_wait3A_121, %dma_wait3A_122] : memref<200x32xf32, #tpu.memory_space<vmem>> -> memref<72x32xf32, #tpu.memory_space<vmem>>
    %dma_wait3A_124 = arith.constant 128 : i32
    %dma_wait3A_125 = tpu.memref_slice %arg16[%dma_wait3A_124] : memref<200xi32, #tpu.memory_space<vmem>> -> memref<72xi32, #tpu.memory_space<vmem>>
    %dma_wait3A_126 = arith.constant 0 : i32
    %dma_wait3A_127 = arith.constant 0 : i32
    %dma_wait3A_128 = tpu.memref_slice %arg2[%dma_wait3A_126, %dma_wait3A_127] : memref<10000x32xf32, #tpu.memory_space<hbm>> -> memref<10000x32xf32, #tpu.memory_space<hbm>>
    tpu.wait_indirect_dma semaphore(%arg35 : memref<!tpu.dma_semaphore, #tpu.memory_space<semaphore_mem>>) src(%dma_wait3A_128 : memref<10000x32xf32, #tpu.memory_space<hbm>>) dst(%dma_wait3A_123 : memref<72x32xf32, #tpu.memory_space<vmem>>)
    %dma_wait3A_129 = arith.constant 128 : i32
    %dma_wait3A_130 = arith.constant 0 : i32
    %dma_wait3A_131 = tpu.memref_slice %arg24[%dma_wait3A_129, %dma_wait3A_130] : memref<200x16xf32, #tpu.memory_space<vmem>> -> memref<72x16xf32, #tpu.memory_space<vmem>>
    %dma_wait3A_132 = arith.constant 128 : i32
    %dma_wait3A_133 = tpu.memref_slice %arg18[%dma_wait3A_132] : memref<200xi32, #tpu.memory_space<vmem>> -> memref<72xi32, #tpu.memory_space<vmem>>
    %dma_wait3A_134 = arith.constant 0 : i32
    %dma_wait3A_135 = arith.constant 0 : i32
    %dma_wait3A_136 = tpu.memref_slice %arg7[%dma_wait3A_134, %dma_wait3A_135] : memref<20000x16xf32, #tpu.memory_space<hbm>> -> memref<20000x16xf32, #tpu.memory_space<hbm>>
    tpu.wait_indirect_dma semaphore(%arg37 : memref<!tpu.dma_semaphore, #tpu.memory_space<semaphore_mem>>) src(%dma_wait3A_136 : memref<20000x16xf32, #tpu.memory_space<hbm>>) dst(%dma_wait3A_131 : memref<72x16xf32, #tpu.memory_space<vmem>>)
    %dma_wait3A_137 = arith.constant 128 : i32
    %dma_wait3A_138 = arith.constant 0 : i32
    %dma_wait3A_139 = tpu.memref_slice %arg26[%dma_wait3A_137, %dma_wait3A_138] : memref<200x16xf32, #tpu.memory_space<vmem>> -> memref<72x16xf32, #tpu.memory_space<vmem>>
    %dma_wait3A_140 = arith.constant 128 : i32
    %dma_wait3A_141 = tpu.memref_slice %arg20[%dma_wait3A_140] : memref<200xi32, #tpu.memory_space<vmem>> -> memref<72xi32, #tpu.memory_space<vmem>>
    %dma_wait3A_142 = arith.constant 0 : i32
    %dma_wait3A_143 = arith.constant 0 : i32
    %dma_wait3A_144 = tpu.memref_slice %arg8[%dma_wait3A_142, %dma_wait3A_143] : memref<20000x16xf32, #tpu.memory_space<hbm>> -> memref<20000x16xf32, #tpu.memory_space<hbm>>
    tpu.wait_indirect_dma semaphore(%arg39 : memref<!tpu.dma_semaphore, #tpu.memory_space<semaphore_mem>>) src(%dma_wait3A_144 : memref<20000x16xf32, #tpu.memory_space<hbm>>) dst(%dma_wait3A_139 : memref<72x16xf32, #tpu.memory_space<vmem>>)
    %scan3A_145 = arith.constant 0 : i32
    %scan3A_146 = arith.constant 0 : i32
    %scan3A_147 = arith.constant 200 : i32
    %scan3A_148 = arith.addi %scan3A_146, %scan3A_147 : i32
    %scan3A_149 = arith.constant 2 : i32
    %scan3A_150 = scf.for %scan3A_156 = %scan3A_146 to %scan3A_148 step %scan3A_149 iter_args(%scan3A_157 = %scan3A_145) -> (i32)  : i32 {
      %get3A_158 = arith.index_cast %scan3A_156 : i32 to index
      %get3A_159 = arith.constant 0 : index
      %get3A_160 = tpu.vector_load %arg24[%get3A_158, %get3A_159] {strides = array<i32>} : memref<200x16xf32, #tpu.memory_space<vmem>>, vector<1x16xf32>,
      %get3A_161 = vector.shape_cast %get3A_160 : vector<1x16xf32> to vector<16xf32>
      %get3A_162 = arith.index_cast %scan3A_156 : i32 to index
      %get3A_163 = arith.constant 0 : index
      %get3A_164 = tpu.vector_load %arg26[%get3A_162, %get3A_163] {strides = array<i32>} : memref<200x16xf32, #tpu.memory_space<vmem>>, vector<1x16xf32>,
      %get3A_165 = vector.shape_cast %get3A_164 : vector<1x16xf32> to vector<16xf32>
      %add3A_166 = arith.addf %get3A_161, %get3A_165 : vector<16xf32>
      %gt3A_167 = arith.constant 0.000000e+00 : f32
      %gt3A_168 = vector.broadcast %gt3A_167 : f32 to vector<16xf32>
      %gt3A_169 = arith.cmpf ogt, %add3A_166, %gt3A_168 : vector<16xf32>
      %mul3A_170 = arith.constant 2.000000e-01 : f32
      %mul3A_171 = vector.broadcast %mul3A_170 : f32 to vector<16xf32>
      %mul3A_172 = arith.mulf %mul3A_171, %add3A_166 : vector<16xf32>
      %select_n3A_173 = arith.select %gt3A_169, %add3A_166, %mul3A_172 : vector<16xi1>, vector<16xf32>
      %sub3A = arith.subf %select_n3A_173, %max3A_29 : vector<16xf32>
      %exp3A = math.exp %sub3A : vector<16xf32>
      %swap3A = arith.index_cast %scan3A_156 : i32 to index
      %swap3A_174 = arith.constant 0 : index
      %swap3A_175 = tpu.vector_load %arg28[%swap3A, %swap3A_174] {strides = array<i32>} : memref<200x16xf32, #tpu.memory_space<vmem>>, vector<1x16xf32>,
      %swap3A_176 = vector.shape_cast %swap3A_175 : vector<1x16xf32> to vector<16xf32>
      %swap3A_177 = vector.shape_cast %exp3A : vector<16xf32> to vector<1x16xf32>
      tpu.vector_store %arg28[%swap3A, %swap3A_174], %swap3A_177 {strides = array<i32>} : memref<200x16xf32, #tpu.memory_space<vmem>>, vector<1x16xf32>,
      %slice3A = vector.extract_strided_slice %exp3A {offsets = [0], sizes = [1], strides = [1]} : vector<16xf32> to vector<1xf32>
      %squeeze3A = vector.extract %slice3A[0] : f32 from vector<1xf32>
      %get3A_178 = arith.index_cast %scan3A_156 : i32 to index
      %get3A_179 = arith.constant 0 : index
      %get3A_180 = tpu.vector_load %arg22[%get3A_178, %get3A_179] {strides = array<i32>} : memref<200x32xf32, #tpu.memory_space<vmem>>, vector<1x16xf32>,
      %get3A_181 = vector.shape_cast %get3A_180 : vector<1x16xf32> to vector<16xf32>
      %mul3A_182 = vector.broadcast %squeeze3A : f32 to vector<16xf32>
      %mul3A_183 = arith.mulf %get3A_181, %mul3A_182 : vector<16xf32>
      %swap3A_184 = arith.index_cast %scan3A_156 : i32 to index
      %swap3A_185 = arith.constant 0 : index
      %swap3A_186 = tpu.vector_load %arg22[%swap3A_184, %swap3A_185] {strides = array<i32>} : memref<200x32xf32, #tpu.memory_space<vmem>>, vector<1x16xf32>,
      %swap3A_187 = vector.shape_cast %swap3A_186 : vector<1x16xf32> to vector<16xf32>
      %swap3A_188 = vector.shape_cast %mul3A_183 : vector<16xf32> to vector<1x16xf32>
      tpu.vector_store %arg22[%swap3A_184, %swap3A_185], %swap3A_188 {strides = array<i32>} : memref<200x32xf32, #tpu.memory_space<vmem>>, vector<1x16xf32>,
      %get3A_189 = arith.index_cast %scan3A_156 : i32 to index
      %get3A_190 = arith.constant 16 : index
      %get3A_191 = tpu.vector_load %arg22[%get3A_189, %get3A_190] {strides = array<i32>} : memref<200x32xf32, #tpu.memory_space<vmem>>, vector<1x16xf32>,
      %get3A_192 = vector.shape_cast %get3A_191 : vector<1x16xf32> to vector<16xf32>
      %mul3A_193 = vector.broadcast %squeeze3A : f32 to vector<16xf32>
      %mul3A_194 = arith.mulf %get3A_192, %mul3A_193 : vector<16xf32>
      %swap3A_195 = arith.index_cast %scan3A_156 : i32 to index
      %swap3A_196 = arith.constant 16 : index
      %swap3A_197 = tpu.vector_load %arg22[%swap3A_195, %swap3A_196] {strides = array<i32>} : memref<200x32xf32, #tpu.memory_space<vmem>>, vector<1x16xf32>,
      %swap3A_198 = vector.shape_cast %swap3A_197 : vector<1x16xf32> to vector<16xf32>
      %swap3A_199 = vector.shape_cast %mul3A_194 : vector<16xf32> to vector<1x16xf32>
      tpu.vector_store %arg22[%swap3A_195, %swap3A_196], %swap3A_199 {strides = array<i32>} : memref<200x32xf32, #tpu.memory_space<vmem>>, vector<1x16xf32>,
      %scan3A_200 = arith.constant 0 : i32
      %scan3A_201 = arith.constant 1 : i32
      %scan3A_202 = arith.addi %scan3A_156, %scan3A_201 : i32
      %get3A_203 = arith.index_cast %scan3A_202 : i32 to index
      %get3A_204 = arith.constant 0 : index
      %get3A_205 = tpu.vector_load %arg24[%get3A_203, %get3A_204] {strides = array<i32>} : memref<200x16xf32, #tpu.memory_space<vmem>>, vector<1x16xf32>,
      %get3A_206 = vector.shape_cast %get3A_205 : vector<1x16xf32> to vector<16xf32>
      %get3A_207 = arith.index_cast %scan3A_202 : i32 to index
      %get3A_208 = arith.constant 0 : index
      %get3A_209 = tpu.vector_load %arg26[%get3A_207, %get3A_208] {strides = array<i32>} : memref<200x16xf32, #tpu.memory_space<vmem>>, vector<1x16xf32>,
      %get3A_210 = vector.shape_cast %get3A_209 : vector<1x16xf32> to vector<16xf32>
      %add3A_211 = arith.addf %get3A_206, %get3A_210 : vector<16xf32>
      %gt3A_212 = arith.constant 0.000000e+00 : f32
      %gt3A_213 = vector.broadcast %gt3A_212 : f32 to vector<16xf32>
      %gt3A_214 = arith.cmpf ogt, %add3A_211, %gt3A_213 : vector<16xf32>
      %mul3A_215 = arith.constant 2.000000e-01 : f32
      %mul3A_216 = vector.broadcast %mul3A_215 : f32 to vector<16xf32>
      %mul3A_217 = arith.mulf %mul3A_216, %add3A_211 : vector<16xf32>
      %select_n3A_218 = arith.select %gt3A_214, %add3A_211, %mul3A_217 : vector<16xi1>, vector<16xf32>
      %sub3A_219 = arith.subf %select_n3A_218, %max3A_29 : vector<16xf32>
      %exp3A_220 = math.exp %sub3A_219 : vector<16xf32>
      %swap3A_221 = arith.index_cast %scan3A_202 : i32 to index
      %swap3A_222 = arith.constant 0 : index
      %swap3A_223 = tpu.vector_load %arg28[%swap3A_221, %swap3A_222] {strides = array<i32>} : memref<200x16xf32, #tpu.memory_space<vmem>>, vector<1x16xf32>,
      %swap3A_224 = vector.shape_cast %swap3A_223 : vector<1x16xf32> to vector<16xf32>
      %swap3A_225 = vector.shape_cast %exp3A_220 : vector<16xf32> to vector<1x16xf32>
      tpu.vector_store %arg28[%swap3A_221, %swap3A_222], %swap3A_225 {strides = array<i32>} : memref<200x16xf32, #tpu.memory_space<vmem>>, vector<1x16xf32>,
      %slice3A_226 = vector.extract_strided_slice %exp3A_220 {offsets = [0], sizes = [1], strides = [1]} : vector<16xf32> to vector<1xf32>
      %squeeze3A_227 = vector.extract %slice3A_226[0] : f32 from vector<1xf32>
      %get3A_228 = arith.index_cast %scan3A_202 : i32 to index
      %get3A_229 = arith.constant 0 : index
      %get3A_230 = tpu.vector_load %arg22[%get3A_228, %get3A_229] {strides = array<i32>} : memref<200x32xf32, #tpu.memory_space<vmem>>, vector<1x16xf32>,
      %get3A_231 = vector.shape_cast %get3A_230 : vector<1x16xf32> to vector<16xf32>
      %mul3A_232 = vector.broadcast %squeeze3A_227 : f32 to vector<16xf32>
      %mul3A_233 = arith.mulf %get3A_231, %mul3A_232 : vector<16xf32>
      %swap3A_234 = arith.index_cast %scan3A_202 : i32 to index
      %swap3A_235 = arith.constant 0 : index
      %swap3A_236 = tpu.vector_load %arg22[%swap3A_234, %swap3A_235] {strides = array<i32>} : memref<200x32xf32, #tpu.memory_space<vmem>>, vector<1x16xf32>,
      %swap3A_237 = vector.shape_cast %swap3A_236 : vector<1x16xf32> to vector<16xf32>
      %swap3A_238 = vector.shape_cast %mul3A_233 : vector<16xf32> to vector<1x16xf32>
      tpu.vector_store %arg22[%swap3A_234, %swap3A_235], %swap3A_238 {strides = array<i32>} : memref<200x32xf32, #tpu.memory_space<vmem>>, vector<1x16xf32>,
      %get3A_239 = arith.index_cast %scan3A_202 : i32 to index
      %get3A_240 = arith.constant 16 : index
      %get3A_241 = tpu.vector_load %arg22[%get3A_239, %get3A_240] {strides = array<i32>} : memref<200x32xf32, #tpu.memory_space<vmem>>, vector<1x16xf32>,
      %get3A_242 = vector.shape_cast %get3A_241 : vector<1x16xf32> to vector<16xf32>
      %mul3A_243 = vector.broadcast %squeeze3A_227 : f32 to vector<16xf32>
      %mul3A_244 = arith.mulf %get3A_242, %mul3A_243 : vector<16xf32>
      %swap3A_245 = arith.index_cast %scan3A_202 : i32 to index
      %swap3A_246 = arith.constant 16 : index
      %swap3A_247 = tpu.vector_load %arg22[%swap3A_245, %swap3A_246] {strides = array<i32>} : memref<200x32xf32, #tpu.memory_space<vmem>>, vector<1x16xf32>,
      %swap3A_248 = vector.shape_cast %swap3A_247 : vector<1x16xf32> to vector<16xf32>
      %swap3A_249 = vector.shape_cast %mul3A_244 : vector<16xf32> to vector<1x16xf32>
      tpu.vector_store %arg22[%swap3A_245, %swap3A_246], %swap3A_249 {strides = array<i32>} : memref<200x32xf32, #tpu.memory_space<vmem>>, vector<1x16xf32>,
      %scan3A_250 = arith.constant 0 : i32
      scf.yield %scan3A_250 : i32
    }
    %scan3A_151 = arith.constant 200 : i32
    "tpu.region"() ({
      %run_scoped3A = tpu.sem_alloc : memref<!tpu.dma_semaphore, #tpu.memory_space<semaphore_mem>>
      %dma_start3A_156 = arith.constant 0 : i32
      %dma_start3A_157 = arith.constant 0 : i32
      %dma_start3A_158 = tpu.memref_slice %arg28[%dma_start3A_156, %dma_start3A_157] : memref<200x16xf32, #tpu.memory_space<vmem>> -> memref<128x16xf32, #tpu.memory_space<vmem>>
      %dma_start3A_159 = arith.constant 0 : i32
      %dma_start3A_160 = arith.constant 0 : i32
      %dma_start3A_161 = tpu.memref_slice %arg15[%dma_start3A_159, %dma_start3A_160] : memref<10240x16xf32, #tpu.memory_space<vmem_shared>> -> memref<10240x16xf32, #tpu.memory_space<vmem_shared>>
      tpu.enqueue_indirect_dma source(%dma_start3A_158 : memref<128x16xf32, #tpu.memory_space<vmem>>) target(%dma_start3A_161 : memref<10240x16xf32, #tpu.memory_space<vmem_shared>>) offsets(%arg31 : memref<128xi32, #tpu.memory_space<vmem>>) semaphore(%run_scoped3A : memref<!tpu.dma_semaphore, #tpu.memory_space<semaphore_mem>>) {add = true}
      %dma_wait3A_162 = arith.constant 0 : i32
      %dma_wait3A_163 = arith.constant 0 : i32
      %dma_wait3A_164 = tpu.memref_slice %arg28[%dma_wait3A_162, %dma_wait3A_163] : memref<200x16xf32, #tpu.memory_space<vmem>> -> memref<128x16xf32, #tpu.memory_space<vmem>>
      %dma_wait3A_165 = arith.constant 0 : i32
      %dma_wait3A_166 = arith.constant 0 : i32
      %dma_wait3A_167 = tpu.memref_slice %arg15[%dma_wait3A_165, %dma_wait3A_166] : memref<10240x16xf32, #tpu.memory_space<vmem_shared>> -> memref<10240x16xf32, #tpu.memory_space<vmem_shared>>
      tpu.wait_indirect_dma semaphore(%run_scoped3A : memref<!tpu.dma_semaphore, #tpu.memory_space<semaphore_mem>>) src(%dma_wait3A_164 : memref<128x16xf32, #tpu.memory_space<vmem>>) dst(%dma_wait3A_167 : memref<10240x16xf32, #tpu.memory_space<vmem_shared>>)
      tpu.yield
    }) : () -> ()
    "tpu.region"() ({
      %run_scoped3A = tpu.sem_alloc : memref<!tpu.dma_semaphore, #tpu.memory_space<semaphore_mem>>
      %dma_start3A_156 = arith.constant 0 : i32
      %dma_start3A_157 = arith.constant 0 : i32
      %dma_start3A_158 = tpu.memref_slice %arg22[%dma_start3A_156, %dma_start3A_157] : memref<200x32xf32, #tpu.memory_space<vmem>> -> memref<128x32xf32, #tpu.memory_space<vmem>>
      %dma_start3A_159 = arith.constant 0 : i32
      %dma_start3A_160 = arith.constant 0 : i32
      %dma_start3A_161 = tpu.memref_slice %arg14[%dma_start3A_159, %dma_start3A_160] : memref<10240x32xf32, #tpu.memory_space<vmem_shared>> -> memref<10240x32xf32, #tpu.memory_space<vmem_shared>>
      tpu.enqueue_indirect_dma source(%dma_start3A_158 : memref<128x32xf32, #tpu.memory_space<vmem>>) target(%dma_start3A_161 : memref<10240x32xf32, #tpu.memory_space<vmem_shared>>) offsets(%arg31 : memref<128xi32, #tpu.memory_space<vmem>>) semaphore(%run_scoped3A : memref<!tpu.dma_semaphore, #tpu.memory_space<semaphore_mem>>) {add = true}
      %dma_wait3A_162 = arith.constant 0 : i32
      %dma_wait3A_163 = arith.constant 0 : i32
      %dma_wait3A_164 = tpu.memref_slice %arg22[%dma_wait3A_162, %dma_wait3A_163] : memref<200x32xf32, #tpu.memory_space<vmem>> -> memref<128x32xf32, #tpu.memory_space<vmem>>
      %dma_wait3A_165 = arith.constant 0 : i32
      %dma_wait3A_166 = arith.constant 0 : i32
      %dma_wait3A_167 = tpu.memref_slice %arg14[%dma_wait3A_165, %dma_wait3A_166] : memref<10240x32xf32, #tpu.memory_space<vmem_shared>> -> memref<10240x32xf32, #tpu.memory_space<vmem_shared>>
      tpu.wait_indirect_dma semaphore(%run_scoped3A : memref<!tpu.dma_semaphore, #tpu.memory_space<semaphore_mem>>) src(%dma_wait3A_164 : memref<128x32xf32, #tpu.memory_space<vmem>>) dst(%dma_wait3A_167 : memref<10240x32xf32, #tpu.memory_space<vmem_shared>>)
      tpu.yield
    }) : () -> ()
    "tpu.region"() ({
      %run_scoped3A = tpu.sem_alloc : memref<!tpu.dma_semaphore, #tpu.memory_space<semaphore_mem>>
      %dma_start3A_156 = arith.constant 128 : i32
      %dma_start3A_157 = arith.constant 0 : i32
      %dma_start3A_158 = tpu.memref_slice %arg28[%dma_start3A_156, %dma_start3A_157] : memref<200x16xf32, #tpu.memory_space<vmem>> -> memref<72x16xf32, #tpu.memory_space<vmem>>
      %dma_start3A_159 = arith.constant 0 : i32
      %dma_start3A_160 = arith.constant 0 : i32
      %dma_start3A_161 = tpu.memref_slice %arg15[%dma_start3A_159, %dma_start3A_160] : memref<10240x16xf32, #tpu.memory_space<vmem_shared>> -> memref<10240x16xf32, #tpu.memory_space<vmem_shared>>
      tpu.enqueue_indirect_dma source(%dma_start3A_158 : memref<72x16xf32, #tpu.memory_space<vmem>>) target(%dma_start3A_161 : memref<10240x16xf32, #tpu.memory_space<vmem_shared>>) offsets(%arg32 : memref<72xi32, #tpu.memory_space<vmem>>) semaphore(%run_scoped3A : memref<!tpu.dma_semaphore, #tpu.memory_space<semaphore_mem>>) {add = true}
      %dma_wait3A_162 = arith.constant 128 : i32
      %dma_wait3A_163 = arith.constant 0 : i32
      %dma_wait3A_164 = tpu.memref_slice %arg28[%dma_wait3A_162, %dma_wait3A_163] : memref<200x16xf32, #tpu.memory_space<vmem>> -> memref<72x16xf32, #tpu.memory_space<vmem>>
      %dma_wait3A_165 = arith.constant 0 : i32
      %dma_wait3A_166 = arith.constant 0 : i32
      %dma_wait3A_167 = tpu.memref_slice %arg15[%dma_wait3A_165, %dma_wait3A_166] : memref<10240x16xf32, #tpu.memory_space<vmem_shared>> -> memref<10240x16xf32, #tpu.memory_space<vmem_shared>>
      tpu.wait_indirect_dma semaphore(%run_scoped3A : memref<!tpu.dma_semaphore, #tpu.memory_space<semaphore_mem>>) src(%dma_wait3A_164 : memref<72x16xf32, #tpu.memory_space<vmem>>) dst(%dma_wait3A_167 : memref<10240x16xf32, #tpu.memory_space<vmem_shared>>)
      tpu.yield
    }) : () -> ()
    "tpu.region"() ({
      %run_scoped3A = tpu.sem_alloc : memref<!tpu.dma_semaphore, #tpu.memory_space<semaphore_mem>>
      %dma_start3A_156 = arith.constant 128 : i32
      %dma_start3A_157 = arith.constant 0 : i32
      %dma_start3A_158 = tpu.memref_slice %arg22[%dma_start3A_156, %dma_start3A_157] : memref<200x32xf32, #tpu.memory_space<vmem>> -> memref<72x32xf32, #tpu.memory_space<vmem>>
      %dma_start3A_159 = arith.constant 0 : i32
      %dma_start3A_160 = arith.constant 0 : i32
      %dma_start3A_161 = tpu.memref_slice %arg14[%dma_start3A_159, %dma_start3A_160] : memref<10240x32xf32, #tpu.memory_space<vmem_shared>> -> memref<10240x32xf32, #tpu.memory_space<vmem_shared>>
      tpu.enqueue_indirect_dma source(%dma_start3A_158 : memref<72x32xf32, #tpu.memory_space<vmem>>) target(%dma_start3A_161 : memref<10240x32xf32, #tpu.memory_space<vmem_shared>>) offsets(%arg32 : memref<72xi32, #tpu.memory_space<vmem>>) semaphore(%run_scoped3A : memref<!tpu.dma_semaphore, #tpu.memory_space<semaphore_mem>>) {add = true}
      %dma_wait3A_162 = arith.constant 128 : i32
      %dma_wait3A_163 = arith.constant 0 : i32
      %dma_wait3A_164 = tpu.memref_slice %arg22[%dma_wait3A_162, %dma_wait3A_163] : memref<200x32xf32, #tpu.memory_space<vmem>> -> memref<72x32xf32, #tpu.memory_space<vmem>>
      %dma_wait3A_165 = arith.constant 0 : i32
      %dma_wait3A_166 = arith.constant 0 : i32
      %dma_wait3A_167 = tpu.memref_slice %arg14[%dma_wait3A_165, %dma_wait3A_166] : memref<10240x32xf32, #tpu.memory_space<vmem_shared>> -> memref<10240x32xf32, #tpu.memory_space<vmem_shared>>
      tpu.wait_indirect_dma semaphore(%run_scoped3A : memref<!tpu.dma_semaphore, #tpu.memory_space<semaphore_mem>>) src(%dma_wait3A_164 : memref<72x32xf32, #tpu.memory_space<vmem>>) dst(%dma_wait3A_167 : memref<10240x32xf32, #tpu.memory_space<vmem_shared>>)
      tpu.yield
    }) : () -> ()
    %barrier3A_152 = arith.constant 0 : index
    tpu.barrier barrier_id(%barrier3A_152)
    %mul3A_153 = arith.constant 10240 : i32
    %mul3A_154 = arith.muli %arg0, %mul3A_153 : i32
    %add3A_155 = arith.addi %mul3A_154, %mul3A_0 : i32
    "tpu.region"() ({
      %run_scoped3A = tpu.sem_alloc : memref<!tpu.dma_semaphore, #tpu.memory_space<semaphore_mem>>
      %dma_start3A_156 = arith.constant 0 : i32
      %dma_start3A_157 = tpu.memref_slice %arg12[%add3A_155, %dma_start3A_156] : memref<20480x32xf32, #tpu.memory_space<hbm>> -> memref<640x32xf32, #tpu.memory_space<hbm>>
      %dma_start3A_158 = arith.constant 0 : i32
      %dma_start3A_159 = tpu.memref_slice %arg14[%mul3A_0, %dma_start3A_158] : memref<10240x32xf32, #tpu.memory_space<vmem_shared>> -> memref<640x32xf32, #tpu.memory_space<vmem_shared>>
      tpu.enqueue_dma source(%dma_start3A_159 : memref<640x32xf32, #tpu.memory_space<vmem_shared>>) target(%dma_start3A_157 : memref<640x32xf32, #tpu.memory_space<hbm>>) target_semaphore(%run_scoped3A : memref<!tpu.dma_semaphore, #tpu.memory_space<semaphore_mem>>)
      %dma_wait3A_160 = arith.constant 0 : i32
      %dma_wait3A_161 = tpu.memref_slice %arg12[%add3A_155, %dma_wait3A_160] : memref<20480x32xf32, #tpu.memory_space<hbm>> -> memref<640x32xf32, #tpu.memory_space<hbm>>
      %dma_wait3A_162 = arith.constant 0 : i32
      %dma_wait3A_163 = tpu.memref_slice %arg14[%mul3A_0, %dma_wait3A_162] : memref<10240x32xf32, #tpu.memory_space<vmem_shared>> -> memref<640x32xf32, #tpu.memory_space<vmem_shared>>
      tpu.wait_dma2 semaphore(%run_scoped3A : memref<!tpu.dma_semaphore, #tpu.memory_space<semaphore_mem>>) src(%dma_wait3A_163 : memref<640x32xf32, #tpu.memory_space<vmem_shared>>) dst(%dma_wait3A_161 : memref<640x32xf32, #tpu.memory_space<hbm>>)
      tpu.yield
    }) : () -> ()
    "tpu.region"() ({
      %run_scoped3A = tpu.sem_alloc : memref<!tpu.dma_semaphore, #tpu.memory_space<semaphore_mem>>
      %dma_start3A_156 = arith.constant 0 : i32
      %dma_start3A_157 = tpu.memref_slice %arg13[%add3A_155, %dma_start3A_156] : memref<20480x16xf32, #tpu.memory_space<hbm>> -> memref<640x16xf32, #tpu.memory_space<hbm>>
      %dma_start3A_158 = arith.constant 0 : i32
      %dma_start3A_159 = tpu.memref_slice %arg15[%mul3A_0, %dma_start3A_158] : memref<10240x16xf32, #tpu.memory_space<vmem_shared>> -> memref<640x16xf32, #tpu.memory_space<vmem_shared>>
      tpu.enqueue_dma source(%dma_start3A_159 : memref<640x16xf32, #tpu.memory_space<vmem_shared>>) target(%dma_start3A_157 : memref<640x16xf32, #tpu.memory_space<hbm>>) target_semaphore(%run_scoped3A : memref<!tpu.dma_semaphore, #tpu.memory_space<semaphore_mem>>)
      %dma_wait3A_160 = arith.constant 0 : i32
      %dma_wait3A_161 = tpu.memref_slice %arg13[%add3A_155, %dma_wait3A_160] : memref<20480x16xf32, #tpu.memory_space<hbm>> -> memref<640x16xf32, #tpu.memory_space<hbm>>
      %dma_wait3A_162 = arith.constant 0 : i32
      %dma_wait3A_163 = tpu.memref_slice %arg15[%mul3A_0, %dma_wait3A_162] : memref<10240x16xf32, #tpu.memory_space<vmem_shared>> -> memref<640x16xf32, #tpu.memory_space<vmem_shared>>
      tpu.wait_dma2 semaphore(%run_scoped3A : memref<!tpu.dma_semaphore, #tpu.memory_space<semaphore_mem>>) src(%dma_wait3A_163 : memref<640x16xf32, #tpu.memory_space<vmem_shared>>) dst(%dma_wait3A_161 : memref<640x16xf32, #tpu.memory_space<hbm>>)
      tpu.yield
    }) : () -> ()
    return
  }
}

module attributes {stable_mosaic.version = 14 : i64} {
  func.func @_tc1_body(%arg0: i32, %arg1: memref<1000x128xf32, #tpu.memory_space<vmem>>, %arg2: memref<128x320xf32, #tpu.memory_space<vmem>>, %arg3: memref<320x16xf32, #tpu.memory_space<vmem>>, %arg4: memref<320x16xf32, #tpu.memory_space<vmem>>, %arg5: memref<1000x320xf32, #tpu.memory_space<vmem>>, %arg6: memref<1000x16xf32, #tpu.memory_space<vmem>>, %arg7: memref<1000x16xf32, #tpu.memory_space<vmem>>, %arg8: memref<1x16xf32, #tpu.memory_space<vmem>>, %arg9: memref<1x16xf32, #tpu.memory_space<vmem>>) attributes {dimension_semantics = [#tpu.dimension_semantics<arbitrary>], iteration_bounds = array<i64: 10>, scalar_prefetch = 0 : i64, scratch_operands = 0 : i64, tpu.core_type = #tpu.core_type<tc>, window_params = [{transform_indices = @transform_0, window_bounds = array<i64: 1000, 128>}, {pipeline_mode = #tpu.pipeline_mode<synchronous>, transform_indices = @transform_1, window_bounds = array<i64: 128, 320>}, {pipeline_mode = #tpu.pipeline_mode<synchronous>, transform_indices = @transform_2, window_bounds = array<i64: 320, 16>}, {pipeline_mode = #tpu.pipeline_mode<synchronous>, transform_indices = @transform_3, window_bounds = array<i64: 320, 16>}, {transform_indices = @transform_4, window_bounds = array<i64: 1000, 320>}, {transform_indices = @transform_5, window_bounds = array<i64: 1000, 16>}, {transform_indices = @transform_6, window_bounds = array<i64: 1000, 16>}, {pipeline_mode = #tpu.pipeline_mode<synchronous>, transform_indices = @transform_7, window_bounds = array<i64: 1, 16>}, {pipeline_mode = #tpu.pipeline_mode<synchronous>, transform_indices = @transform_8, window_bounds = array<i64: 1, 16>}]} {
    %get3A = arith.constant 0 : index
    %get3A_0 = arith.constant 0 : index
    %get3A_1 = vector.load %arg1[%get3A, %get3A_0] : memref<1000x128xf32, #tpu.memory_space<vmem>>, vector<1000x128xf32>
    %get3A_2 = arith.constant 0 : index
    %get3A_3 = arith.constant 0 : index
    %get3A_4 = vector.load %arg2[%get3A_2, %get3A_3] : memref<128x320xf32, #tpu.memory_space<vmem>>, vector<128x320xf32>
    %dot_general3A = arith.constant dense<0.000000e+00> : vector<1000x320xf32>
    %dot_general3A_5 = tpu.matmul %get3A_1, %get3A_4, %dot_general3A {dimension_numbers = #tpu.dot_dimension_numbers<[1], [0], [0], [1], [0, 0, 1, 1], [], []>, transpose_lhs_hint = false} : vector<1000x128xf32>, vector<128x320xf32>, vector<1000x320xf32> -> vector<1000x320xf32>
    %swap3A = arith.constant 0 : index
    %swap3A_6 = arith.constant 0 : index
    %swap3A_7 = vector.load %arg5[%swap3A, %swap3A_6] : memref<1000x320xf32, #tpu.memory_space<vmem>>, vector<1000x320xf32>
    tpu.vector_store %arg5[%swap3A, %swap3A_6], %dot_general3A_5 {strides = array<i32>} : memref<1000x320xf32, #tpu.memory_space<vmem>>, vector<1000x320xf32>,
    %get3A_8 = arith.constant 0 : index
    %get3A_9 = arith.constant 0 : index
    %get3A_10 = vector.load %arg3[%get3A_8, %get3A_9] : memref<320x16xf32, #tpu.memory_space<vmem>>, vector<320x16xf32>
    %dot_general3A_11 = arith.constant dense<0.000000e+00> : vector<1000x16xf32>
    %dot_general3A_12 = tpu.matmul %dot_general3A_5, %get3A_10, %dot_general3A_11 {dimension_numbers = #tpu.dot_dimension_numbers<[1], [0], [0], [1], [0, 0, 1, 1], [], []>, transpose_lhs_hint = false} : vector<1000x320xf32>, vector<320x16xf32>, vector<1000x16xf32> -> vector<1000x16xf32>
    %get3A_13 = arith.constant 0 : index
    %get3A_14 = arith.constant 0 : index
    %get3A_15 = vector.load %arg4[%get3A_13, %get3A_14] : memref<320x16xf32, #tpu.memory_space<vmem>>, vector<320x16xf32>
    %dot_general3A_16 = arith.constant dense<0.000000e+00> : vector<1000x16xf32>
    %dot_general3A_17 = tpu.matmul %dot_general3A_5, %get3A_15, %dot_general3A_16 {dimension_numbers = #tpu.dot_dimension_numbers<[1], [0], [0], [1], [0, 0, 1, 1], [], []>, transpose_lhs_hint = false} : vector<1000x320xf32>, vector<320x16xf32>, vector<1000x16xf32> -> vector<1000x16xf32>
    %swap3A_18 = arith.constant 0 : index
    %swap3A_19 = arith.constant 0 : index
    %swap3A_20 = vector.load %arg6[%swap3A_18, %swap3A_19] : memref<1000x16xf32, #tpu.memory_space<vmem>>, vector<1000x16xf32>
    tpu.vector_store %arg6[%swap3A_18, %swap3A_19], %dot_general3A_12 {strides = array<i32>} : memref<1000x16xf32, #tpu.memory_space<vmem>>, vector<1000x16xf32>,
    %swap3A_21 = arith.constant 0 : index
    %swap3A_22 = arith.constant 0 : index
    %swap3A_23 = vector.load %arg7[%swap3A_21, %swap3A_22] : memref<1000x16xf32, #tpu.memory_space<vmem>>, vector<1000x16xf32>
    tpu.vector_store %arg7[%swap3A_21, %swap3A_22], %dot_general3A_17 {strides = array<i32>} : memref<1000x16xf32, #tpu.memory_space<vmem>>, vector<1000x16xf32>,
    %eq3A = arith.constant 0 : i32
    %eq3A_24 = arith.cmpi eq, %arg0, %eq3A : i32
    %convert_element_type3A = arith.extui %eq3A_24 : i1 to i32
    %cond3A = arith.constant 0 : i32
    %cond3A_25 = arith.cmpi ne, %convert_element_type3A, %cond3A : i32
    scf.if %cond3A_25 {
      %broadcast_in_dim3A_43 = arith.constant -1.000000e+30 : f32
      %broadcast_in_dim3A_44 = vector.broadcast %broadcast_in_dim3A_43 : f32 to vector<1x16xf32>
      %swap3A_45 = arith.constant 0 : index
      %swap3A_46 = arith.constant 0 : index
      %swap3A_47 = vector.load %arg8[%swap3A_45, %swap3A_46] : memref<1x16xf32, #tpu.memory_space<vmem>>, vector<1x16xf32>
      tpu.vector_store %arg8[%swap3A_45, %swap3A_46], %broadcast_in_dim3A_44 {strides = array<i32>} : memref<1x16xf32, #tpu.memory_space<vmem>>, vector<1x16xf32>,
      %broadcast_in_dim3A_48 = arith.constant -1.000000e+30 : f32
      %broadcast_in_dim3A_49 = vector.broadcast %broadcast_in_dim3A_48 : f32 to vector<1x16xf32>
      %swap3A_50 = arith.constant 0 : index
      %swap3A_51 = arith.constant 0 : index
      %swap3A_52 = vector.load %arg9[%swap3A_50, %swap3A_51] : memref<1x16xf32, #tpu.memory_space<vmem>>, vector<1x16xf32>
      tpu.vector_store %arg9[%swap3A_50, %swap3A_51], %broadcast_in_dim3A_49 {strides = array<i32>} : memref<1x16xf32, #tpu.memory_space<vmem>>, vector<1x16xf32>,
    } else {
    }
    %get3A_26 = arith.constant 0 : index
    %get3A_27 = arith.constant 0 : index
    %get3A_28 = vector.load %arg8[%get3A_26, %get3A_27] : memref<1x16xf32, #tpu.memory_space<vmem>>, vector<1x16xf32>
    %reduce_max3A = arith.constant dense<0xFF800000> : vector<16xf32>
    %reduce_max3A_29 = vector.multi_reduction <maximumf>, %dot_general3A_12, %reduce_max3A [0] : vector<1000x16xf32> to vector<16xf32>
    %broadcast_in_dim3A = vector.shape_cast %reduce_max3A_29 : vector<16xf32> to vector<1x16xf32>
    %max3A = arith.maximumf %get3A_28, %broadcast_in_dim3A : vector<1x16xf32>
    %swap3A_30 = arith.constant 0 : index
    %swap3A_31 = arith.constant 0 : index
    %swap3A_32 = vector.load %arg8[%swap3A_30, %swap3A_31] : memref<1x16xf32, #tpu.memory_space<vmem>>, vector<1x16xf32>
    tpu.vector_store %arg8[%swap3A_30, %swap3A_31], %max3A {strides = array<i32>} : memref<1x16xf32, #tpu.memory_space<vmem>>, vector<1x16xf32>,
    %get3A_33 = arith.constant 0 : index
    %get3A_34 = arith.constant 0 : index
    %get3A_35 = vector.load %arg9[%get3A_33, %get3A_34] : memref<1x16xf32, #tpu.memory_space<vmem>>, vector<1x16xf32>
    %reduce_max3A_36 = arith.constant dense<0xFF800000> : vector<16xf32>
    %reduce_max3A_37 = vector.multi_reduction <maximumf>, %dot_general3A_17, %reduce_max3A_36 [0] : vector<1000x16xf32> to vector<16xf32>
    %broadcast_in_dim3A_38 = vector.shape_cast %reduce_max3A_37 : vector<16xf32> to vector<1x16xf32>
    %max3A_39 = arith.maximumf %get3A_35, %broadcast_in_dim3A_38 : vector<1x16xf32>
    %swap3A_40 = arith.constant 0 : index
    %swap3A_41 = arith.constant 0 : index
    %swap3A_42 = vector.load %arg9[%swap3A_40, %swap3A_41] : memref<1x16xf32, #tpu.memory_space<vmem>>, vector<1x16xf32>
    tpu.vector_store %arg9[%swap3A_40, %swap3A_41], %max3A_39 {strides = array<i32>} : memref<1x16xf32, #tpu.memory_space<vmem>>, vector<1x16xf32>,
    return
  }
  func.func @transform_0(%arg0: i32) -> (i32, i32) {
    %c0_i32 = arith.constant 0 : i32
    %c0_i32_0 = arith.constant 0 : i32
    return %arg0, %c0_i32 : i32, i32
  }
  func.func @transform_1(%arg0: i32) -> (i32, i32) {
    %c0_i32 = arith.constant 0 : i32
    %c0_i32_0 = arith.constant 0 : i32
    %c0_i32_1 = arith.constant 0 : i32
    return %c0_i32, %c0_i32_0 : i32, i32
  }
  func.func @transform_2(%arg0: i32) -> (i32, i32) {
    %c0_i32 = arith.constant 0 : i32
    %c0_i32_0 = arith.constant 0 : i32
    %c0_i32_1 = arith.constant 0 : i32
    return %c0_i32, %c0_i32_0 : i32, i32
  }
  func.func @transform_3(%arg0: i32) -> (i32, i32) {
    %c0_i32 = arith.constant 0 : i32
    %c0_i32_0 = arith.constant 0 : i32
    %c0_i32_1 = arith.constant 0 : i32
    return %c0_i32, %c0_i32_0 : i32, i32
  }
  func.func @transform_4(%arg0: i32) -> (i32, i32) {
    %c0_i32 = arith.constant 0 : i32
    %c0_i32_0 = arith.constant 0 : i32
    return %arg0, %c0_i32 : i32, i32
  }
  func.func @transform_5(%arg0: i32) -> (i32, i32) {
    %c0_i32 = arith.constant 0 : i32
    %c0_i32_0 = arith.constant 0 : i32
    return %arg0, %c0_i32 : i32, i32
  }
  func.func @transform_6(%arg0: i32) -> (i32, i32) {
    %c0_i32 = arith.constant 0 : i32
    %c0_i32_0 = arith.constant 0 : i32
    return %arg0, %c0_i32 : i32, i32
  }
  func.func @transform_7(%arg0: i32) -> (i32, i32) {
    %c0_i32 = arith.constant 0 : i32
    %c0_i32_0 = arith.constant 0 : i32
    %c0_i32_1 = arith.constant 0 : i32
    return %c0_i32, %c0_i32_0 : i32, i32
  }
  func.func @transform_8(%arg0: i32) -> (i32, i32) {
    %c0_i32 = arith.constant 0 : i32
    %c0_i32_0 = arith.constant 0 : i32
    %c0_i32_1 = arith.constant 0 : i32
    return %c0_i32, %c0_i32_0 : i32, i32
  }
}

module attributes {stable_mosaic.version = 14 : i64} {
  func.func @_tc2_body(%arg0: i32, %arg1: memref<1000x320xf32, #tpu.memory_space<vmem>>, %arg2: memref<1000x16xf32, #tpu.memory_space<vmem>>, %arg3: memref<1000x320xf32, #tpu.memory_space<vmem>>, %arg4: memref<1000x16xf32, #tpu.memory_space<vmem>>, %arg5: memref<1000x16xf32, #tpu.memory_space<vmem>>, %arg6: memref<1x16xf32, #tpu.memory_space<vmem>>, %arg7: memref<1x16xf32, #tpu.memory_space<vmem>>, %arg8: memref<1x320xf32, #tpu.memory_space<vmem>>, %arg9: memref<320x32xf32, #tpu.memory_space<vmem>>, %arg10: memref<32x16xf32, #tpu.memory_space<vmem>>, %arg11: memref<32x16xf32, #tpu.memory_space<vmem>>, %arg12: memref<16x320xf32, #tpu.memory_space<vmem>>, %arg13: memref<1000x32xf32, #tpu.memory_space<vmem>>, %arg14: memref<1000x16xf32, #tpu.memory_space<vmem>>, %arg15: memref<1000x16xf32, #tpu.memory_space<vmem>>, %arg16: memref<1x16xf32, #tpu.memory_space<vmem>>, %arg17: memref<1x16xf32, #tpu.memory_space<vmem>>) attributes {dimension_semantics = [#tpu.dimension_semantics<arbitrary>], iteration_bounds = array<i64: 10>, scalar_prefetch = 0 : i64, scratch_operands = 0 : i64, tpu.core_type = #tpu.core_type<tc>, window_params = [{transform_indices = @transform_0, window_bounds = array<i64: 1000, 320>}, {transform_indices = @transform_1, window_bounds = array<i64: 1000, 16>}, {transform_indices = @transform_2, window_bounds = array<i64: 1000, 320>}, {transform_indices = @transform_3, window_bounds = array<i64: 1000, 16>}, {transform_indices = @transform_4, window_bounds = array<i64: 1000, 16>}, {pipeline_mode = #tpu.pipeline_mode<synchronous>, transform_indices = @transform_5, window_bounds = array<i64: 1, 16>}, {pipeline_mode = #tpu.pipeline_mode<synchronous>, transform_indices = @transform_6, window_bounds = array<i64: 1, 16>}, {pipeline_mode = #tpu.pipeline_mode<synchronous>, transform_indices = @transform_7, window_bounds = array<i64: 1, 320>}, {pipeline_mode = #tpu.pipeline_mode<synchronous>, transform_indices = @transform_8, window_bounds = array<i64: 320, 32>}, {pipeline_mode = #tpu.pipeline_mode<synchronous>, transform_indices = @transform_9, window_bounds = array<i64: 32, 16>}, {pipeline_mode = #tpu.pipeline_mode<synchronous>, transform_indices = @transform_10, window_bounds = array<i64: 32, 16>}, {pipeline_mode = #tpu.pipeline_mode<synchronous>, transform_indices = @transform_11, window_bounds = array<i64: 16, 320>}, {transform_indices = @transform_12, window_bounds = array<i64: 1000, 32>}, {transform_indices = @transform_13, window_bounds = array<i64: 1000, 16>}, {transform_indices = @transform_14, window_bounds = array<i64: 1000, 16>}, {pipeline_mode = #tpu.pipeline_mode<synchronous>, transform_indices = @transform_15, window_bounds = array<i64: 1, 16>}, {pipeline_mode = #tpu.pipeline_mode<synchronous>, transform_indices = @transform_16, window_bounds = array<i64: 1, 16>}]} {
    %get3A = arith.constant 0 : index
    %get3A_0 = arith.constant 0 : index
    %get3A_1 = vector.load %arg6[%get3A, %get3A_0] : memref<1x16xf32, #tpu.memory_space<vmem>>, vector<1x16xf32>
    %get3A_2 = arith.constant 0 : index
    %get3A_3 = arith.constant 0 : index
    %get3A_4 = vector.load %arg7[%get3A_2, %get3A_3] : memref<1x16xf32, #tpu.memory_space<vmem>>, vector<1x16xf32>
    %add3A = arith.addf %get3A_1, %get3A_4 : vector<1x16xf32>
    %gt3A = arith.constant 0.000000e+00 : f32
    %gt3A_5 = vector.broadcast %gt3A : f32 to vector<1x16xf32>
    %gt3A_6 = arith.cmpf ogt, %add3A, %gt3A_5 : vector<1x16xf32>
    %mul3A = arith.constant 2.000000e-01 : f32
    %mul3A_7 = vector.broadcast %mul3A : f32 to vector<1x16xf32>
    %mul3A_8 = arith.mulf %mul3A_7, %add3A : vector<1x16xf32>
    %select_n3A = arith.select %gt3A_6, %add3A, %mul3A_8 : vector<1x16xi1>, vector<1x16xf32>
    %max3A = arith.constant 0.000000e+00 : f32
    %max3A_9 = vector.broadcast %max3A : f32 to vector<1x16xf32>
    %max3A_10 = arith.maximumf %select_n3A, %max3A_9 : vector<1x16xf32>
    %get3A_11 = arith.constant 0 : index
    %get3A_12 = arith.constant 0 : index
    %get3A_13 = vector.load %arg4[%get3A_11, %get3A_12] : memref<1000x16xf32, #tpu.memory_space<vmem>>, vector<1000x16xf32>
    %get3A_14 = arith.constant 0 : index
    %get3A_15 = arith.constant 0 : index
    %get3A_16 = vector.load %arg5[%get3A_14, %get3A_15] : memref<1000x16xf32, #tpu.memory_space<vmem>>, vector<1000x16xf32>
    %add3A_17 = arith.addf %get3A_13, %get3A_16 : vector<1000x16xf32>
    %gt3A_18 = arith.constant 0.000000e+00 : f32
    %gt3A_19 = vector.broadcast %gt3A_18 : f32 to vector<1000x16xf32>
    %gt3A_20 = arith.cmpf ogt, %add3A_17, %gt3A_19 : vector<1000x16xf32>
    %mul3A_21 = arith.constant 2.000000e-01 : f32
    %mul3A_22 = vector.broadcast %mul3A_21 : f32 to vector<1000x16xf32>
    %mul3A_23 = arith.mulf %mul3A_22, %add3A_17 : vector<1000x16xf32>
    %select_n3A_24 = arith.select %gt3A_20, %add3A_17, %mul3A_23 : vector<1000x16xi1>, vector<1000x16xf32>
    %sub3A = vector.broadcast %max3A_10 : vector<1x16xf32> to vector<1000x16xf32>
    %sub3A_25 = arith.subf %select_n3A_24, %sub3A : vector<1000x16xf32>
    %exp3A = math.exp %sub3A_25 : vector<1000x16xf32>
    %get3A_26 = arith.constant 0 : index
    %get3A_27 = arith.constant 0 : index
    %get3A_28 = vector.load %arg2[%get3A_26, %get3A_27] : memref<1000x16xf32, #tpu.memory_space<vmem>>, vector<1000x16xf32>
    %add3A_29 = arith.addf %get3A_28, %exp3A : vector<1000x16xf32>
    %get3A_30 = arith.constant 0 : index
    %get3A_31 = arith.constant 0 : index
    %get3A_32 = vector.load %arg12[%get3A_30, %get3A_31] : memref<16x320xf32, #tpu.memory_space<vmem>>, vector<16x320xf32>
    %dot_general3A = arith.constant dense<0.000000e+00> : vector<1000x320xf32>
    %dot_general3A_33 = tpu.matmul %exp3A, %get3A_32, %dot_general3A {dimension_numbers = #tpu.dot_dimension_numbers<[1], [0], [0], [1], [0, 0, 1, 1], [], []>, transpose_lhs_hint = false} : vector<1000x16xf32>, vector<16x320xf32>, vector<1000x320xf32> -> vector<1000x320xf32>
    %get3A_34 = arith.constant 0 : index
    %get3A_35 = arith.constant 0 : index
    %get3A_36 = vector.load %arg12[%get3A_34, %get3A_35] : memref<16x320xf32, #tpu.memory_space<vmem>>, vector<16x320xf32>
    %dot_general3A_37 = arith.constant dense<0.000000e+00> : vector<1000x320xf32>
    %dot_general3A_38 = tpu.matmul %add3A_29, %get3A_36, %dot_general3A_37 {dimension_numbers = #tpu.dot_dimension_numbers<[1], [0], [0], [1], [0, 0, 1, 1], [], []>, transpose_lhs_hint = false} : vector<1000x16xf32>, vector<16x320xf32>, vector<1000x320xf32> -> vector<1000x320xf32>
    %get3A_39 = arith.constant 0 : index
    %get3A_40 = arith.constant 0 : index
    %get3A_41 = vector.load %arg1[%get3A_39, %get3A_40] : memref<1000x320xf32, #tpu.memory_space<vmem>>, vector<1000x320xf32>
    %get3A_42 = arith.constant 0 : index
    %get3A_43 = arith.constant 0 : index
    %get3A_44 = vector.load %arg3[%get3A_42, %get3A_43] : memref<1000x320xf32, #tpu.memory_space<vmem>>, vector<1000x320xf32>
    %mul3A_45 = arith.mulf %get3A_44, %dot_general3A_33 : vector<1000x320xf32>
    %add3A_46 = arith.addf %get3A_41, %mul3A_45 : vector<1000x320xf32>
    %jit3A = arith.constant 1.000000e-16 : f32
    %max3A_47 = vector.broadcast %jit3A : f32 to vector<1000x320xf32>
    %max3A_48 = arith.maximumf %max3A_47, %dot_general3A_38 : vector<1000x320xf32>
    %div3A = arith.divf %add3A_46, %max3A_48 : vector<1000x320xf32>
    %get3A_49 = arith.constant 0 : index
    %get3A_50 = arith.constant 0 : index
    %get3A_51 = vector.load %arg8[%get3A_49, %get3A_50] : memref<1x320xf32, #tpu.memory_space<vmem>>, vector<1x320xf32>
    %add3A_52 = vector.broadcast %get3A_51 : vector<1x320xf32> to vector<1000x320xf32>
    %add3A_53 = arith.addf %div3A, %add3A_52 : vector<1000x320xf32>
    %gt3A_54 = arith.constant 0.000000e+00 : f32
    %gt3A_55 = vector.broadcast %gt3A_54 : f32 to vector<1000x320xf32>
    %gt3A_56 = arith.cmpf ogt, %add3A_53, %gt3A_55 : vector<1000x320xf32>
    %min3A = arith.constant 0.000000e+00 : f32
    %min3A_57 = vector.broadcast %min3A : f32 to vector<1000x320xf32>
    %min3A_58 = arith.minimumf %add3A_53, %min3A_57 : vector<1000x320xf32>
    %exp3A_59 = math.exp %min3A_58 : vector<1000x320xf32>
    %sub3A_60 = arith.constant 1.000000e+00 : f32
    %sub3A_61 = vector.broadcast %sub3A_60 : f32 to vector<1000x320xf32>
    %sub3A_62 = arith.subf %exp3A_59, %sub3A_61 : vector<1000x320xf32>
    %select_n3A_63 = arith.select %gt3A_56, %add3A_53, %sub3A_62 : vector<1000x320xi1>, vector<1000x320xf32>
    %get3A_64 = arith.constant 0 : index
    %get3A_65 = arith.constant 0 : index
    %get3A_66 = vector.load %arg9[%get3A_64, %get3A_65] : memref<320x32xf32, #tpu.memory_space<vmem>>, vector<320x32xf32>
    %dot_general3A_67 = arith.constant dense<0.000000e+00> : vector<1000x32xf32>
    %dot_general3A_68 = tpu.matmul %select_n3A_63, %get3A_66, %dot_general3A_67 {dimension_numbers = #tpu.dot_dimension_numbers<[1], [0], [0], [1], [0, 0, 1, 1], [], []>, transpose_lhs_hint = false} : vector<1000x320xf32>, vector<320x32xf32>, vector<1000x32xf32> -> vector<1000x32xf32>
    %swap3A = arith.constant 0 : index
    %swap3A_69 = arith.constant 0 : index
    %swap3A_70 = vector.load %arg13[%swap3A, %swap3A_69] : memref<1000x32xf32, #tpu.memory_space<vmem>>, vector<1000x32xf32>
    tpu.vector_store %arg13[%swap3A, %swap3A_69], %dot_general3A_68 {strides = array<i32>} : memref<1000x32xf32, #tpu.memory_space<vmem>>, vector<1000x32xf32>,
    %get3A_71 = arith.constant 0 : index
    %get3A_72 = arith.constant 0 : index
    %get3A_73 = vector.load %arg10[%get3A_71, %get3A_72] : memref<32x16xf32, #tpu.memory_space<vmem>>, vector<32x16xf32>
    %dot_general3A_74 = arith.constant dense<0.000000e+00> : vector<1000x16xf32>
    %dot_general3A_75 = tpu.matmul %dot_general3A_68, %get3A_73, %dot_general3A_74 {dimension_numbers = #tpu.dot_dimension_numbers<[1], [0], [0], [1], [0, 0, 1, 1], [], []>, transpose_lhs_hint = false} : vector<1000x32xf32>, vector<32x16xf32>, vector<1000x16xf32> -> vector<1000x16xf32>
    %get3A_76 = arith.constant 0 : index
    %get3A_77 = arith.constant 0 : index
    %get3A_78 = vector.load %arg11[%get3A_76, %get3A_77] : memref<32x16xf32, #tpu.memory_space<vmem>>, vector<32x16xf32>
    %dot_general3A_79 = arith.constant dense<0.000000e+00> : vector<1000x16xf32>
    %dot_general3A_80 = tpu.matmul %dot_general3A_68, %get3A_78, %dot_general3A_79 {dimension_numbers = #tpu.dot_dimension_numbers<[1], [0], [0], [1], [0, 0, 1, 1], [], []>, transpose_lhs_hint = false} : vector<1000x32xf32>, vector<32x16xf32>, vector<1000x16xf32> -> vector<1000x16xf32>
    %swap3A_81 = arith.constant 0 : index
    %swap3A_82 = arith.constant 0 : index
    %swap3A_83 = vector.load %arg14[%swap3A_81, %swap3A_82] : memref<1000x16xf32, #tpu.memory_space<vmem>>, vector<1000x16xf32>
    tpu.vector_store %arg14[%swap3A_81, %swap3A_82], %dot_general3A_75 {strides = array<i32>} : memref<1000x16xf32, #tpu.memory_space<vmem>>, vector<1000x16xf32>,
    %swap3A_84 = arith.constant 0 : index
    %swap3A_85 = arith.constant 0 : index
    %swap3A_86 = vector.load %arg15[%swap3A_84, %swap3A_85] : memref<1000x16xf32, #tpu.memory_space<vmem>>, vector<1000x16xf32>
    tpu.vector_store %arg15[%swap3A_84, %swap3A_85], %dot_general3A_80 {strides = array<i32>} : memref<1000x16xf32, #tpu.memory_space<vmem>>, vector<1000x16xf32>,
    %eq3A = arith.constant 0 : i32
    %eq3A_87 = arith.cmpi eq, %arg0, %eq3A : i32
    %convert_element_type3A = arith.extui %eq3A_87 : i1 to i32
    %cond3A = arith.constant 0 : i32
    %cond3A_88 = arith.cmpi ne, %convert_element_type3A, %cond3A : i32
    scf.if %cond3A_88 {
      %broadcast_in_dim3A_107 = arith.constant -1.000000e+30 : f32
      %broadcast_in_dim3A_108 = vector.broadcast %broadcast_in_dim3A_107 : f32 to vector<1x16xf32>
      %swap3A_109 = arith.constant 0 : index
      %swap3A_110 = arith.constant 0 : index
      %swap3A_111 = vector.load %arg16[%swap3A_109, %swap3A_110] : memref<1x16xf32, #tpu.memory_space<vmem>>, vector<1x16xf32>
      tpu.vector_store %arg16[%swap3A_109, %swap3A_110], %broadcast_in_dim3A_108 {strides = array<i32>} : memref<1x16xf32, #tpu.memory_space<vmem>>, vector<1x16xf32>,
      %broadcast_in_dim3A_112 = arith.constant -1.000000e+30 : f32
      %broadcast_in_dim3A_113 = vector.broadcast %broadcast_in_dim3A_112 : f32 to vector<1x16xf32>
      %swap3A_114 = arith.constant 0 : index
      %swap3A_115 = arith.constant 0 : index
      %swap3A_116 = vector.load %arg17[%swap3A_114, %swap3A_115] : memref<1x16xf32, #tpu.memory_space<vmem>>, vector<1x16xf32>
      tpu.vector_store %arg17[%swap3A_114, %swap3A_115], %broadcast_in_dim3A_113 {strides = array<i32>} : memref<1x16xf32, #tpu.memory_space<vmem>>, vector<1x16xf32>,
    } else {
    }
    %get3A_89 = arith.constant 0 : index
    %get3A_90 = arith.constant 0 : index
    %get3A_91 = vector.load %arg16[%get3A_89, %get3A_90] : memref<1x16xf32, #tpu.memory_space<vmem>>, vector<1x16xf32>
    %reduce_max3A = arith.constant dense<0xFF800000> : vector<16xf32>
    %reduce_max3A_92 = vector.multi_reduction <maximumf>, %dot_general3A_75, %reduce_max3A [0] : vector<1000x16xf32> to vector<16xf32>
    %broadcast_in_dim3A = vector.shape_cast %reduce_max3A_92 : vector<16xf32> to vector<1x16xf32>
    %max3A_93 = arith.maximumf %get3A_91, %broadcast_in_dim3A : vector<1x16xf32>
    %swap3A_94 = arith.constant 0 : index
    %swap3A_95 = arith.constant 0 : index
    %swap3A_96 = vector.load %arg16[%swap3A_94, %swap3A_95] : memref<1x16xf32, #tpu.memory_space<vmem>>, vector<1x16xf32>
    tpu.vector_store %arg16[%swap3A_94, %swap3A_95], %max3A_93 {strides = array<i32>} : memref<1x16xf32, #tpu.memory_space<vmem>>, vector<1x16xf32>,
    %get3A_97 = arith.constant 0 : index
    %get3A_98 = arith.constant 0 : index
    %get3A_99 = vector.load %arg17[%get3A_97, %get3A_98] : memref<1x16xf32, #tpu.memory_space<vmem>>, vector<1x16xf32>
    %reduce_max3A_100 = arith.constant dense<0xFF800000> : vector<16xf32>
    %reduce_max3A_101 = vector.multi_reduction <maximumf>, %dot_general3A_80, %reduce_max3A_100 [0] : vector<1000x16xf32> to vector<16xf32>
    %broadcast_in_dim3A_102 = vector.shape_cast %reduce_max3A_101 : vector<16xf32> to vector<1x16xf32>
    %max3A_103 = arith.maximumf %get3A_99, %broadcast_in_dim3A_102 : vector<1x16xf32>
    %swap3A_104 = arith.constant 0 : index
    %swap3A_105 = arith.constant 0 : index
    %swap3A_106 = vector.load %arg17[%swap3A_104, %swap3A_105] : memref<1x16xf32, #tpu.memory_space<vmem>>, vector<1x16xf32>
    tpu.vector_store %arg17[%swap3A_104, %swap3A_105], %max3A_103 {strides = array<i32>} : memref<1x16xf32, #tpu.memory_space<vmem>>, vector<1x16xf32>,
    return
  }
  func.func @transform_0(%arg0: i32) -> (i32, i32) {
    %c0_i32 = arith.constant 0 : i32
    %c0_i32_0 = arith.constant 0 : i32
    return %arg0, %c0_i32 : i32, i32
  }
  func.func @transform_1(%arg0: i32) -> (i32, i32) {
    %c0_i32 = arith.constant 0 : i32
    %c0_i32_0 = arith.constant 0 : i32
    return %arg0, %c0_i32 : i32, i32
  }
  func.func @transform_2(%arg0: i32) -> (i32, i32) {
    %c0_i32 = arith.constant 0 : i32
    %c0_i32_0 = arith.constant 0 : i32
    return %arg0, %c0_i32 : i32, i32
  }
  func.func @transform_3(%arg0: i32) -> (i32, i32) {
    %c0_i32 = arith.constant 0 : i32
    %c0_i32_0 = arith.constant 0 : i32
    return %arg0, %c0_i32 : i32, i32
  }
  func.func @transform_4(%arg0: i32) -> (i32, i32) {
    %c0_i32 = arith.constant 0 : i32
    %c0_i32_0 = arith.constant 0 : i32
    return %arg0, %c0_i32 : i32, i32
  }
  func.func @transform_5(%arg0: i32) -> (i32, i32) {
    %c0_i32 = arith.constant 0 : i32
    %c0_i32_0 = arith.constant 0 : i32
    %c0_i32_1 = arith.constant 0 : i32
    return %c0_i32, %c0_i32_0 : i32, i32
  }
  func.func @transform_6(%arg0: i32) -> (i32, i32) {
    %c0_i32 = arith.constant 0 : i32
    %c0_i32_0 = arith.constant 0 : i32
    %c0_i32_1 = arith.constant 0 : i32
    return %c0_i32, %c0_i32_0 : i32, i32
  }
  func.func @transform_7(%arg0: i32) -> (i32, i32) {
    %c0_i32 = arith.constant 0 : i32
    %c0_i32_0 = arith.constant 0 : i32
    %c0_i32_1 = arith.constant 0 : i32
    return %c0_i32, %c0_i32_0 : i32, i32
  }
  func.func @transform_8(%arg0: i32) -> (i32, i32) {
    %c0_i32 = arith.constant 0 : i32
    %c0_i32_0 = arith.constant 0 : i32
    %c0_i32_1 = arith.constant 0 : i32
    return %c0_i32, %c0_i32_0 : i32, i32
  }
  func.func @transform_9(%arg0: i32) -> (i32, i32) {
    %c0_i32 = arith.constant 0 : i32
    %c0_i32_0 = arith.constant 0 : i32
    %c0_i32_1 = arith.constant 0 : i32
    return %c0_i32, %c0_i32_0 : i32, i32
  }
  func.func @transform_10(%arg0: i32) -> (i32, i32) {
    %c0_i32 = arith.constant 0 : i32
    %c0_i32_0 = arith.constant 0 : i32
    %c0_i32_1 = arith.constant 0 : i32
    return %c0_i32, %c0_i32_0 : i32, i32
  }
  func.func @transform_11(%arg0: i32) -> (i32, i32) {
    %c0_i32 = arith.constant 0 : i32
    %c0_i32_0 = arith.constant 0 : i32
    %c0_i32_1 = arith.constant 0 : i32
    return %c0_i32, %c0_i32_0 : i32, i32
  }
  func.func @transform_12(%arg0: i32) -> (i32, i32) {
    %c0_i32 = arith.constant 0 : i32
    %c0_i32_0 = arith.constant 0 : i32
    return %arg0, %c0_i32 : i32, i32
  }
  func.func @transform_13(%arg0: i32) -> (i32, i32) {
    %c0_i32 = arith.constant 0 : i32
    %c0_i32_0 = arith.constant 0 : i32
    return %arg0, %c0_i32 : i32, i32
  }
  func.func @transform_14(%arg0: i32) -> (i32, i32) {
    %c0_i32 = arith.constant 0 : i32
    %c0_i32_0 = arith.constant 0 : i32
    return %arg0, %c0_i32 : i32, i32
  }
  func.func @transform_15(%arg0: i32) -> (i32, i32) {
    %c0_i32 = arith.constant 0 : i32
    %c0_i32_0 = arith.constant 0 : i32
    %c0_i32_1 = arith.constant 0 : i32
    return %c0_i32, %c0_i32_0 : i32, i32
  }
  func.func @transform_16(%arg0: i32) -> (i32, i32) {
    %c0_i32 = arith.constant 0 : i32
    %c0_i32_0 = arith.constant 0 : i32
    %c0_i32_1 = arith.constant 0 : i32
    return %c0_i32, %c0_i32_0 : i32, i32
  }
}

module attributes {stable_mosaic.version = 14 : i64} {
  func.func @_tc3_body(%arg0: i32, %arg1: memref<1000x32xf32, #tpu.memory_space<vmem>>, %arg2: memref<1000x32xf32, #tpu.memory_space<vmem>>, %arg3: memref<1000x16xf32, #tpu.memory_space<vmem>>, %arg4: memref<1000x16xf32, #tpu.memory_space<vmem>>, %arg5: memref<1000x32xf32, #tpu.memory_space<vmem>>, %arg6: memref<1000x16xf32, #tpu.memory_space<vmem>>, %arg7: memref<1000x16xf32, #tpu.memory_space<vmem>>, %arg8: memref<1x16xf32, #tpu.memory_space<vmem>>, %arg9: memref<1x16xf32, #tpu.memory_space<vmem>>, %arg10: memref<1x32xf32, #tpu.memory_space<vmem>>, %arg11: memref<16x32xf32, #tpu.memory_space<vmem>>, %arg12: memref<32x32xf32, #tpu.memory_space<vmem>>, %arg13: memref<1x32xf32, #tpu.memory_space<vmem>>, %arg14: memref<1x32xf32, #tpu.memory_space<vmem>>) attributes {dimension_semantics = [#tpu.dimension_semantics<arbitrary>], iteration_bounds = array<i64: 10>, scalar_prefetch = 0 : i64, scratch_operands = 0 : i64, tpu.core_type = #tpu.core_type<tc>, window_params = [{transform_indices = @transform_0, window_bounds = array<i64: 1000, 32>}, {transform_indices = @transform_1, window_bounds = array<i64: 1000, 32>}, {transform_indices = @transform_2, window_bounds = array<i64: 1000, 16>}, {transform_indices = @transform_3, window_bounds = array<i64: 1000, 16>}, {transform_indices = @transform_4, window_bounds = array<i64: 1000, 32>}, {transform_indices = @transform_5, window_bounds = array<i64: 1000, 16>}, {transform_indices = @transform_6, window_bounds = array<i64: 1000, 16>}, {pipeline_mode = #tpu.pipeline_mode<synchronous>, transform_indices = @transform_7, window_bounds = array<i64: 1, 16>}, {pipeline_mode = #tpu.pipeline_mode<synchronous>, transform_indices = @transform_8, window_bounds = array<i64: 1, 16>}, {pipeline_mode = #tpu.pipeline_mode<synchronous>, transform_indices = @transform_9, window_bounds = array<i64: 1, 32>}, {pipeline_mode = #tpu.pipeline_mode<synchronous>, transform_indices = @transform_10, window_bounds = array<i64: 16, 32>}, {pipeline_mode = #tpu.pipeline_mode<synchronous>, transform_indices = @transform_11, window_bounds = array<i64: 32, 32>}, {pipeline_mode = #tpu.pipeline_mode<synchronous>, transform_indices = @transform_12, window_bounds = array<i64: 1, 32>}, {pipeline_mode = #tpu.pipeline_mode<synchronous>, transform_indices = @transform_13, window_bounds = array<i64: 1, 32>}]} {
    %get3A = arith.constant 0 : index
    %get3A_0 = arith.constant 0 : index
    %get3A_1 = vector.load %arg8[%get3A, %get3A_0] : memref<1x16xf32, #tpu.memory_space<vmem>>, vector<1x16xf32>
    %get3A_2 = arith.constant 0 : index
    %get3A_3 = arith.constant 0 : index
    %get3A_4 = vector.load %arg9[%get3A_2, %get3A_3] : memref<1x16xf32, #tpu.memory_space<vmem>>, vector<1x16xf32>
    %add3A = arith.addf %get3A_1, %get3A_4 : vector<1x16xf32>
    %gt3A = arith.constant 0.000000e+00 : f32
    %gt3A_5 = vector.broadcast %gt3A : f32 to vector<1x16xf32>
    %gt3A_6 = arith.cmpf ogt, %add3A, %gt3A_5 : vector<1x16xf32>
    %mul3A = arith.constant 2.000000e-01 : f32
    %mul3A_7 = vector.broadcast %mul3A : f32 to vector<1x16xf32>
    %mul3A_8 = arith.mulf %mul3A_7, %add3A : vector<1x16xf32>
    %select_n3A = arith.select %gt3A_6, %add3A, %mul3A_8 : vector<1x16xi1>, vector<1x16xf32>
    %max3A = arith.constant 0.000000e+00 : f32
    %max3A_9 = vector.broadcast %max3A : f32 to vector<1x16xf32>
    %max3A_10 = arith.maximumf %select_n3A, %max3A_9 : vector<1x16xf32>
    %get3A_11 = arith.constant 0 : index
    %get3A_12 = arith.constant 0 : index
    %get3A_13 = vector.load %arg6[%get3A_11, %get3A_12] : memref<1000x16xf32, #tpu.memory_space<vmem>>, vector<1000x16xf32>
    %get3A_14 = arith.constant 0 : index
    %get3A_15 = arith.constant 0 : index
    %get3A_16 = vector.load %arg7[%get3A_14, %get3A_15] : memref<1000x16xf32, #tpu.memory_space<vmem>>, vector<1000x16xf32>
    %add3A_17 = arith.addf %get3A_13, %get3A_16 : vector<1000x16xf32>
    %gt3A_18 = arith.constant 0.000000e+00 : f32
    %gt3A_19 = vector.broadcast %gt3A_18 : f32 to vector<1000x16xf32>
    %gt3A_20 = arith.cmpf ogt, %add3A_17, %gt3A_19 : vector<1000x16xf32>
    %mul3A_21 = arith.constant 2.000000e-01 : f32
    %mul3A_22 = vector.broadcast %mul3A_21 : f32 to vector<1000x16xf32>
    %mul3A_23 = arith.mulf %mul3A_22, %add3A_17 : vector<1000x16xf32>
    %select_n3A_24 = arith.select %gt3A_20, %add3A_17, %mul3A_23 : vector<1000x16xi1>, vector<1000x16xf32>
    %sub3A = vector.broadcast %max3A_10 : vector<1x16xf32> to vector<1000x16xf32>
    %sub3A_25 = arith.subf %select_n3A_24, %sub3A : vector<1000x16xf32>
    %exp3A = math.exp %sub3A_25 : vector<1000x16xf32>
    %get3A_26 = arith.constant 0 : index
    %get3A_27 = arith.constant 0 : index
    %get3A_28 = vector.load %arg3[%get3A_26, %get3A_27] : memref<1000x16xf32, #tpu.memory_space<vmem>>, vector<1000x16xf32>
    %get3A_29 = arith.constant 0 : index
    %get3A_30 = arith.constant 0 : index
    %get3A_31 = vector.load %arg4[%get3A_29, %get3A_30] : memref<1000x16xf32, #tpu.memory_space<vmem>>, vector<1000x16xf32>
    %add3A_32 = arith.addf %get3A_28, %get3A_31 : vector<1000x16xf32>
    %add3A_33 = arith.addf %add3A_32, %exp3A : vector<1000x16xf32>
    %get3A_34 = arith.constant 0 : index
    %get3A_35 = arith.constant 0 : index
    %get3A_36 = vector.load %arg11[%get3A_34, %get3A_35] : memref<16x32xf32, #tpu.memory_space<vmem>>, vector<16x32xf32>
    %dot_general3A = arith.constant dense<0.000000e+00> : vector<1000x32xf32>
    %dot_general3A_37 = tpu.matmul %exp3A, %get3A_36, %dot_general3A {dimension_numbers = #tpu.dot_dimension_numbers<[1], [0], [0], [1], [0, 0, 1, 1], [], []>, transpose_lhs_hint = false} : vector<1000x16xf32>, vector<16x32xf32>, vector<1000x32xf32> -> vector<1000x32xf32>
    %get3A_38 = arith.constant 0 : index
    %get3A_39 = arith.constant 0 : index
    %get3A_40 = vector.load %arg11[%get3A_38, %get3A_39] : memref<16x32xf32, #tpu.memory_space<vmem>>, vector<16x32xf32>
    %dot_general3A_41 = arith.constant dense<0.000000e+00> : vector<1000x32xf32>
    %dot_general3A_42 = tpu.matmul %add3A_33, %get3A_40, %dot_general3A_41 {dimension_numbers = #tpu.dot_dimension_numbers<[1], [0], [0], [1], [0, 0, 1, 1], [], []>, transpose_lhs_hint = false} : vector<1000x16xf32>, vector<16x32xf32>, vector<1000x32xf32> -> vector<1000x32xf32>
    %get3A_43 = arith.constant 0 : index
    %get3A_44 = arith.constant 0 : index
    %get3A_45 = vector.load %arg1[%get3A_43, %get3A_44] : memref<1000x32xf32, #tpu.memory_space<vmem>>, vector<1000x32xf32>
    %get3A_46 = arith.constant 0 : index
    %get3A_47 = arith.constant 0 : index
    %get3A_48 = vector.load %arg2[%get3A_46, %get3A_47] : memref<1000x32xf32, #tpu.memory_space<vmem>>, vector<1000x32xf32>
    %add3A_49 = arith.addf %get3A_45, %get3A_48 : vector<1000x32xf32>
    %get3A_50 = arith.constant 0 : index
    %get3A_51 = arith.constant 0 : index
    %get3A_52 = vector.load %arg5[%get3A_50, %get3A_51] : memref<1000x32xf32, #tpu.memory_space<vmem>>, vector<1000x32xf32>
    %mul3A_53 = arith.mulf %get3A_52, %dot_general3A_37 : vector<1000x32xf32>
    %add3A_54 = arith.addf %add3A_49, %mul3A_53 : vector<1000x32xf32>
    %jit3A = arith.constant 1.000000e-16 : f32
    %max3A_55 = vector.broadcast %jit3A : f32 to vector<1000x32xf32>
    %max3A_56 = arith.maximumf %max3A_55, %dot_general3A_42 : vector<1000x32xf32>
    %div3A = arith.divf %add3A_54, %max3A_56 : vector<1000x32xf32>
    %get3A_57 = arith.constant 0 : index
    %get3A_58 = arith.constant 0 : index
    %get3A_59 = vector.load %arg10[%get3A_57, %get3A_58] : memref<1x32xf32, #tpu.memory_space<vmem>>, vector<1x32xf32>
    %add3A_60 = vector.broadcast %get3A_59 : vector<1x32xf32> to vector<1000x32xf32>
    %add3A_61 = arith.addf %div3A, %add3A_60 : vector<1000x32xf32>
    %gt3A_62 = arith.constant 0.000000e+00 : f32
    %gt3A_63 = vector.broadcast %gt3A_62 : f32 to vector<1000x32xf32>
    %gt3A_64 = arith.cmpf ogt, %add3A_61, %gt3A_63 : vector<1000x32xf32>
    %min3A = arith.constant 0.000000e+00 : f32
    %min3A_65 = vector.broadcast %min3A : f32 to vector<1000x32xf32>
    %min3A_66 = arith.minimumf %add3A_61, %min3A_65 : vector<1000x32xf32>
    %exp3A_67 = math.exp %min3A_66 : vector<1000x32xf32>
    %sub3A_68 = arith.constant 1.000000e+00 : f32
    %sub3A_69 = vector.broadcast %sub3A_68 : f32 to vector<1000x32xf32>
    %sub3A_70 = arith.subf %exp3A_67, %sub3A_69 : vector<1000x32xf32>
    %select_n3A_71 = arith.select %gt3A_64, %add3A_61, %sub3A_70 : vector<1000x32xi1>, vector<1000x32xf32>
    %reduce_max3A = arith.constant dense<0xFF800000> : vector<32xf32>
    %reduce_max3A_72 = vector.multi_reduction <maximumf>, %select_n3A_71, %reduce_max3A [0] : vector<1000x32xf32> to vector<32xf32>
    %broadcast_in_dim3A = vector.shape_cast %reduce_max3A_72 : vector<32xf32> to vector<1x32xf32>
    %eq3A = arith.constant 0 : i32
    %eq3A_73 = arith.cmpi eq, %arg0, %eq3A : i32
    %convert_element_type3A = arith.extui %eq3A_73 : i1 to i32
    %cond3A = arith.constant 0 : i32
    %cond3A_74 = arith.cmpi ne, %convert_element_type3A, %cond3A : i32
    scf.if %cond3A_74 {
      %broadcast_in_dim3A_86 = arith.constant -1.000000e+30 : f32
      %broadcast_in_dim3A_87 = vector.broadcast %broadcast_in_dim3A_86 : f32 to vector<1x32xf32>
      %swap3A_88 = arith.constant 0 : index
      %swap3A_89 = arith.constant 0 : index
      %swap3A_90 = vector.load %arg14[%swap3A_88, %swap3A_89] : memref<1x32xf32, #tpu.memory_space<vmem>>, vector<1x32xf32>
      tpu.vector_store %arg14[%swap3A_88, %swap3A_89], %broadcast_in_dim3A_87 {strides = array<i32>} : memref<1x32xf32, #tpu.memory_space<vmem>>, vector<1x32xf32>,
    } else {
    }
    %get3A_75 = arith.constant 0 : index
    %get3A_76 = arith.constant 0 : index
    %get3A_77 = vector.load %arg14[%get3A_75, %get3A_76] : memref<1x32xf32, #tpu.memory_space<vmem>>, vector<1x32xf32>
    %max3A_78 = arith.maximumf %get3A_77, %broadcast_in_dim3A : vector<1x32xf32>
    %swap3A = arith.constant 0 : index
    %swap3A_79 = arith.constant 0 : index
    %swap3A_80 = vector.load %arg14[%swap3A, %swap3A_79] : memref<1x32xf32, #tpu.memory_space<vmem>>, vector<1x32xf32>
    tpu.vector_store %arg14[%swap3A, %swap3A_79], %max3A_78 {strides = array<i32>} : memref<1x32xf32, #tpu.memory_space<vmem>>, vector<1x32xf32>,
    %eq3A_81 = arith.constant 9 : i32
    %eq3A_82 = arith.cmpi eq, %arg0, %eq3A_81 : i32
    %convert_element_type3A_83 = arith.extui %eq3A_82 : i1 to i32
    %cond3A_84 = arith.constant 0 : i32
    %cond3A_85 = arith.cmpi ne, %convert_element_type3A_83, %cond3A_84 : i32
    scf.if %cond3A_85 {
      %get3A_86 = arith.constant 0 : index
      %get3A_87 = arith.constant 0 : index
      %get3A_88 = vector.load %arg14[%get3A_86, %get3A_87] : memref<1x32xf32, #tpu.memory_space<vmem>>, vector<1x32xf32>
      %get3A_89 = arith.constant 0 : index
      %get3A_90 = arith.constant 0 : index
      %get3A_91 = vector.load %arg12[%get3A_89, %get3A_90] : memref<32x32xf32, #tpu.memory_space<vmem>>, vector<32x32xf32>
      %dot_general3A_92 = arith.constant dense<0.000000e+00> : vector<1x32xf32>
      %dot_general3A_93 = tpu.matmul %get3A_88, %get3A_91, %dot_general3A_92 {dimension_numbers = #tpu.dot_dimension_numbers<[1], [0], [0], [1], [0, 0, 1, 1], [], []>, transpose_lhs_hint = false} : vector<1x32xf32>, vector<32x32xf32>, vector<1x32xf32> -> vector<1x32xf32>
      %get3A_94 = arith.constant 0 : index
      %get3A_95 = arith.constant 0 : index
      %get3A_96 = vector.load %arg13[%get3A_94, %get3A_95] : memref<1x32xf32, #tpu.memory_space<vmem>>, vector<1x32xf32>
      %add3A_97 = arith.addf %dot_general3A_93, %get3A_96 : vector<1x32xf32>
      %max3A_98 = arith.constant 0.000000e+00 : f32
      %max3A_99 = vector.broadcast %max3A_98 : f32 to vector<1x32xf32>
      %max3A_100 = arith.maximumf %add3A_97, %max3A_99 : vector<1x32xf32>
      %swap3A_101 = arith.constant 0 : index
      %swap3A_102 = arith.constant 0 : index
      %swap3A_103 = vector.load %arg14[%swap3A_101, %swap3A_102] : memref<1x32xf32, #tpu.memory_space<vmem>>, vector<1x32xf32>
      tpu.vector_store %arg14[%swap3A_101, %swap3A_102], %max3A_100 {strides = array<i32>} : memref<1x32xf32, #tpu.memory_space<vmem>>, vector<1x32xf32>,
    } else {
    }
    return
  }
  func.func @transform_0(%arg0: i32) -> (i32, i32) {
    %c0_i32 = arith.constant 0 : i32
    %c0_i32_0 = arith.constant 0 : i32
    return %arg0, %c0_i32 : i32, i32
  }
  func.func @transform_1(%arg0: i32) -> (i32, i32) {
    %c0_i32 = arith.constant 0 : i32
    %c0_i32_0 = arith.constant 0 : i32
    return %arg0, %c0_i32 : i32, i32
  }
  func.func @transform_2(%arg0: i32) -> (i32, i32) {
    %c0_i32 = arith.constant 0 : i32
    %c0_i32_0 = arith.constant 0 : i32
    return %arg0, %c0_i32 : i32, i32
  }
  func.func @transform_3(%arg0: i32) -> (i32, i32) {
    %c0_i32 = arith.constant 0 : i32
    %c0_i32_0 = arith.constant 0 : i32
    return %arg0, %c0_i32 : i32, i32
  }
  func.func @transform_4(%arg0: i32) -> (i32, i32) {
    %c0_i32 = arith.constant 0 : i32
    %c0_i32_0 = arith.constant 0 : i32
    return %arg0, %c0_i32 : i32, i32
  }
  func.func @transform_5(%arg0: i32) -> (i32, i32) {
    %c0_i32 = arith.constant 0 : i32
    %c0_i32_0 = arith.constant 0 : i32
    return %arg0, %c0_i32 : i32, i32
  }
  func.func @transform_6(%arg0: i32) -> (i32, i32) {
    %c0_i32 = arith.constant 0 : i32
    %c0_i32_0 = arith.constant 0 : i32
    return %arg0, %c0_i32 : i32, i32
  }
  func.func @transform_7(%arg0: i32) -> (i32, i32) {
    %c0_i32 = arith.constant 0 : i32
    %c0_i32_0 = arith.constant 0 : i32
    %c0_i32_1 = arith.constant 0 : i32
    return %c0_i32, %c0_i32_0 : i32, i32
  }
  func.func @transform_8(%arg0: i32) -> (i32, i32) {
    %c0_i32 = arith.constant 0 : i32
    %c0_i32_0 = arith.constant 0 : i32
    %c0_i32_1 = arith.constant 0 : i32
    return %c0_i32, %c0_i32_0 : i32, i32
  }
  func.func @transform_9(%arg0: i32) -> (i32, i32) {
    %c0_i32 = arith.constant 0 : i32
    %c0_i32_0 = arith.constant 0 : i32
    %c0_i32_1 = arith.constant 0 : i32
    return %c0_i32, %c0_i32_0 : i32, i32
  }
  func.func @transform_10(%arg0: i32) -> (i32, i32) {
    %c0_i32 = arith.constant 0 : i32
    %c0_i32_0 = arith.constant 0 : i32
    %c0_i32_1 = arith.constant 0 : i32
    return %c0_i32, %c0_i32_0 : i32, i32
  }
  func.func @transform_11(%arg0: i32) -> (i32, i32) {
    %c0_i32 = arith.constant 0 : i32
    %c0_i32_0 = arith.constant 0 : i32
    %c0_i32_1 = arith.constant 0 : i32
    return %c0_i32, %c0_i32_0 : i32, i32
  }
  func.func @transform_12(%arg0: i32) -> (i32, i32) {
    %c0_i32 = arith.constant 0 : i32
    %c0_i32_0 = arith.constant 0 : i32
    %c0_i32_1 = arith.constant 0 : i32
    return %c0_i32, %c0_i32_0 : i32, i32
  }
  func.func @transform_13(%arg0: i32) -> (i32, i32) {
    %c0_i32 = arith.constant 0 : i32
    %c0_i32_0 = arith.constant 0 : i32
    %c0_i32_1 = arith.constant 0 : i32
    return %c0_i32, %c0_i32_0 : i32, i32
  }
}

</mosaic_0001>

<sc_bundles>
// kernel: kernel.10.cloned.1.call-start
scs
__scs_entry_jumppad:
0x0: {  	(pc) =	sbr.rel $0x88, $3  }
0x1: {  	(tag) =	ssettag $0x0;
	lr =	simm.s32 $0x1  }
0x2: {  	[smem:$0x3F95] =	sst lr;
	_ =	strace $0xD0000000  }
0x3: {  	_ = 	snop  }
0x4: {  	_ = 	snop  }
0x5: {  	_ = 	snop  }
0x6: {  	_ = 	snop  }
0x7: {  	_ = 	snop  }
__scs_overlays_trampoline_lowered:
0x8: {  	[smem:$0x3FA4] =	sst s0  }
0x9: {  	[smem:$0x3FA5] =	sst s1  }
0xa: {  	[smem:$0x3FA6] =	sst s2  }
0xb: {  	[smem:$0x3FA7] =	sst s3  }
0xc: {  	[smem:$0x3FA8] =	sst s4  }
0xd: {  	[smem:$0x3FA9] =	sst s5  }
0xe: {  	[smem:$0x3FAA] =	sst s6  }
0xf: {  	[smem:$0x3FAB] =	sst s7  }
0x10: {  	[smem:$0x3FAC] =	sst s8  }
0x11: {  	[smem:$0x3FAD] =	sst s9;
	s0 =	simm.s32 @!p0 $0x0  }
0x12: {  	s1 =	sld [smem:$0x3F93];
	s0 =	simm.s32 @p0 $0x1  }
0x13: {  	[smem:$0x3FAE] =	sst s0;
	s0 =	simm.s32 @!p1 $0x0  }
0x14: {  	s2 =	sld [smem:$0x3F92];
	s0 =	simm.s32 @p1 $0x1  }
0x15: {  	[smem:$0x3FAF] =	sst s0;
	s0 =	simm.s32 @!p2 $0x0  }
0x16: {  	s3 =	sld [smem:$0x3FDB];
	s0 =	simm.s32 @p2 $0x1  }
0x17: {  	s4 =	simm.s32 $0x1BF5;
	[smem:$0x3FB1] =	sst s0  }
0x18: {  	s0 =	sld [smem:$0x3F94];
	_ =	swait.ge [sflag:s4], $0x0  }
0x19: {  	s7 =	sld [smem:$0x3F95]  }
0x1a: {  	s8 =	sadd.s32 $0xFFFFE003, lr  }
0x1b: {  	s9 =	sadd.s32 $0xFFFFFEF7, lr;
	s5 =	simm.s32 $0xFFFFFFFF;
	p2 =	slt.u32 s8, $0xFFFFF086  }
0x1c: {  	p1 =	slt.u32 s9, $0xF7A;
	s5 =	simm.s32 @!p2 $0x0  }
0x1d: {  	s5 =	simm.s32 @p1 $0x1;
	p0 =	seq.s32 s7, s2  }
0x1e: {  	s7 =	smul.u32 @!p0 $0xF7A, s2;
	p2 =	seq.s32 @!p0 s5, $0x0  }
0x1f: {  	s9 =	smul.u32 $0xF7A, s1;
	s8 =	simm.s32 @!p0 $0x1BF5;
	p2 =	por !p2, p0  }
0x20: {  	[sflag:s8] =	ssyncset.s32 @!p0 $0xFFFFF086;
	s6 =	sadd.s32 @!p0 s3, s7;
	s7 =	simm.s32 @!p0 $0x108  }
0x21: {  	s3 =	sadd.s32 s3, s9;
	s6 =	sadd.s32 @!p0 $0x88, s6;
	s7 =	simm.s32 @p2 $0x1082  }
0x22: {  	[simem:s7], [sflag:s8] =	dma.local @!p0 [hbm:s6], $0xF7A  }
0x23: {  	s9 =	sor.u32 $0xD0000000, s2;
	s6 =	simm.s32 $0x108;
	_ =	swait.ge @!p0 [sflag:s8], $0x0  }
0x24: {  	s3 =	sadd.s32 $0x88, s3;
	s6 =	simm.s32 @!p1 $0x1082;
	[sflag:s4] =	ssyncset.s32 $0xFFFFF086  }
0x25: {  	[simem:s6], [sflag:s4] =	dma.local [hbm:s3], $0xF7A  }
0x26: {  	[smem:$0x3F95] =	sst s1;
	(tag) =	ssettag s2;
	_ =	strace s9  }
0x27: {  	s1 =	sld [smem:$0x3FA5]  }
0x28: {  	s2 =	sld [smem:$0x3FA6]  }
0x29: {  	s4 =	sld [smem:$0x3FA8]  }
0x2a: {  	p0 =	seq.s32 s5, $0x0;
	s5 =	sld [smem:$0x3FA9]  }
0x2b: {  	s6 =	sld [smem:$0x3FAA]  }
0x2c: {  	s7 =	sld [smem:$0x3FAB]  }
0x2d: {  	s3 =	simm.s32 $0x108;
	s8 =	sld [smem:$0x3FAC]  }
0x2e: {  	s3 =	simm.s32 @!p0 $0x1082;
	s9 =	sld [smem:$0x3FAD]  }
0x2f: {  	lr =	sadd.s32 s0, s3;
	s0 =	sld [smem:$0x3FA4]  }
0x30: {  	s3 =	sld [smem:$0x3FA7]  }
0x31: {  	[smem:$0x3FB0] =	sst s10  }
0x32: {  	s10 =	sld [smem:$0x3FAE];
	_ =	sdelay $0x3  }
0x33: {  	p0 =	seq.s32 s10, $0x1;
	s10 =	sld [smem:$0x3FB0];
	_ =	sdelay $0x3  }
0x34: {  	[smem:$0x3FB0] =	sst s10  }
0x35: {  	s10 =	sld [smem:$0x3FAF];
	_ =	sdelay $0x3  }
0x36: {  	p1 =	seq.s32 s10, $0x1;
	s10 =	sld [smem:$0x3FB0];
	_ =	sdelay $0x3  }
0x37: {  	[smem:$0x3FB0] =	sst s10  }
0x38: {  	s10 =	sld [smem:$0x3FB1]  }
0x39: {  	_ = 	snop;
	(pc) =	sbr.ind lr, $3  }
0x3a: {  	_ = 	snop  }
0x3b: {  	_ = 	snop  }
0x3c: {  	p2 =	seq.s32 s10, $0x1;
	s10 =	sld [smem:$0x3FB0]  }
0x3d: {  	_ =	shalt  }
0x3e: {  	_ =	shalt  }
0x3f: {  	_ =	shalt  }
0x40: {  	_ =	shalt  }
0x41: {  	_ =	shalt  }
0x42: {  	_ =	shalt  }
0x43: {  	_ =	shalt  }
0x44: {  	_ =	shalt  }
0x45: {  	_ =	shalt  }
0x46: {  	_ =	shalt  }
0x47: {  	_ =	shalt  }
0x48: {  	_ =	shalt  }
0x49: {  	_ =	shalt  }
0x4a: {  	_ =	shalt  }
0x4b: {  	_ =	shalt  }
0x4c: {  	_ =	shalt  }
0x4d: {  	_ =	shalt  }
0x4e: {  	_ =	shalt  }
0x4f: {  	_ =	shalt  }
0x50: {  	_ =	shalt  }
0x51: {  	_ =	shalt  }
0x52: {  	_ =	shalt  }
0x53: {  	_ =	shalt  }
0x54: {  	_ =	shalt  }
0x55: {  	_ =	shalt  }
0x56: {  	_ =	shalt  }
0x57: {  	_ =	shalt  }
0x58: {  	_ =	shalt  }
0x59: {  	_ =	shalt  }
0x5a: {  	_ =	shalt  }
0x5b: {  	_ =	shalt  }
0x5c: {  	_ =	shalt  }
0x5d: {  	_ =	shalt  }
0x5e: {  	_ =	shalt  }
0x5f: {  	_ =	shalt  }
0x60: {  	_ =	shalt  }
0x61: {  	_ =	shalt  }
0x62: {  	_ =	shalt  }
0x63: {  	_ =	shalt  }
0x64: {  	_ =	shalt  }
0x65: {  	_ =	shalt  }
0x66: {  	_ =	shalt  }
0x67: {  	_ =	shalt  }
0x68: {  	_ =	shalt  }
0x69: {  	_ =	shalt  }
0x6a: {  	_ =	shalt  }
0x6b: {  	_ =	shalt  }
0x6c: {  	_ =	shalt  }
0x6d: {  	_ =	shalt  }
0x6e: {  	_ =	shalt  }
0x6f: {  	_ =	shalt  }
0x70: {  	_ =	shalt  }
0x71: {  	_ =	shalt  }
0x72: {  	_ =	shalt  }
0x73: {  	_ =	shalt  }
0x74: {  	_ =	shalt  }
0x75: {  	_ =	shalt  }
0x76: {  	_ =	shalt  }
0x77: {  	_ =	shalt  }
0x78: {  	_ =	shalt  }
0x79: {  	_ =	shalt  }
0x7a: {  	_ =	shalt  }
0x7b: {  	_ =	shalt  }
0x7c: {  	_ =	shalt  }
0x7d: {  	_ =	shalt  }
0x7e: {  	_ =	shalt  }
0x7f: {  	_ =	shalt  }
0x80: {  	_ =	shalt  }
0x81: {  	_ =	shalt  }
0x82: {  	_ =	shalt  }
0x83: {  	_ =	shalt  }
0x84: {  	_ =	shalt  }
0x85: {  	_ =	shalt  }
0x86: {  	_ =	shalt  }
0x87: {  	_ =	shalt  }
.Lfunc_end0:
.L_simem_size_0:
called_computation.1_lowered:
.L_overlay_start_0:
0x88: {  	s2 =	sld [smem:$0x3FD9]  }
0x89: {  	s3 =	sld [smem:$0x3FFE];
	_ =	sdelay $0x1  }
0x8a: {  	s1 =	srdreg.scid  }
0x8b: {  	s0 =	sand.u32 $0x1, s1  }
0x8c: {  	s17 =	sshll.u32 s0, $0xA;
	s2 =	sadd.s32 s3, s2  }
0x8d: {  	s2 =	sadd.s32 s2, s17  }
0x8e: {  	[smem:$0x3FBC] =	sst s2  }
0x8f: {  	_ = 	snop  }
0x90: {  	s2 =	sld [smem:$0x3FD0];
	(tm) =	ssettm $0x1  }
0x91: {  	s18 =	sld [smem:$0x3FFB];
	_ =	sdelay $0x3  }
0x92: {  	_ =	strace s18  }
0x93: {  	s3 =	sld [smem:$0x3FFC];
	_ =	sdelay $0x3  }
0x94: {  	_ =	strace s3  }
0x95: {  	s3 =	sld [smem:$0x3FFD];
	_ =	sdelay $0x3  }
0x96: {  	_ =	strace s3  }
0x97: {  	_ =	strace $0x8FFFFFFF  }
0x98: {  	s19 =	sld [smem:$0x3FDB];
	_ =	sdelay $0x1  }
0x99: {  	s4 =	simm.s32 $_scs_section_size  }
0x9a: {  	s5 =	simm.s32 $_size__tile_overlayer_lowered;
	s6 =	simm.s32 $_tile_overlayer_lowered  }
0x9b: {  	s22 =	simm.s32 $0x1BFF;
	s21 =	sshll.u32 s6, $0x1;
	s3 =	sadd.s32 s4, s19  }
0x9c: {  	s7 =	simm.s32 $0x0;
	s20 =	sshll.u32 s5, $0x1;
	s5 =	sadd.s32 s21, s3  }
0x9d: {  	[timem:s7], [sflag:s22] =	dma.local [hbm:s5], s20  }
0x9e: {  	_ =	swait.ge [sflag:s22], s20  }
0x9f: {  	s4 =	ssub.s32 $0x0, s20;
	[sflag:s22] =	ssyncset.done $0x0  }
0xa0: {  	[sflag:s22] =	ssyncadd.s32 s4;
	_ =	sdelay $0x1  }
0xa1: {  	s23 =	simm.s32 $0x1B8B  }
0xa2: {  	_ =	swait.ge [sflag:s23], $0x1  }
0xa3: {  	[sflag:s23] =	ssyncset.done $0x0  }
0xa4: {  	s25 =	simm.s32 $0x1B8E;
	s24 =	sld [smem:$0x3FFE];
	[sflag:s23] =	ssyncadd.s32 $0xFFFFFFFF  }
0xa5: {  	s26 =	simm.s32 $execute0_lowered;
	[smem:$0x3FD2] =	sst s25  }
0xa6: {  	s5 =	sshll.u32 s26, $0x1;
	_ =	strace $0x80000049;
	[dreg:$0x1] =	wrdreg $0xFFFFFFFF  }
0xa7: {  	s28 =	simm.s32 $_size_execute0_lowered;
	s3 =	sadd.s32 s3, s5;
	[dreg:$0x0] =	wrdreg $0x0  }
0xa8: {  	s5 =	sshll.u32 s28, $0x1;
	[dreg:$0x2] =	wrdreg s3  }
0xa9: {  	[dreg:$0x3] =	wrdreg s5  }
0xaa: {  	[dreg:$0x4] =	wrdreg $0xC0  }
0xab: {  	_ =	task [dreg:s7], $0x5FFFF  }
0xac: {  	[dreg:$0x1] =	wrdreg $0xFFFFFFFF  }
0xad: {  	[dreg:$0x0] =	wrdreg $0x60  }
0xae: {  	[dreg:$0x2] =	wrdreg s24  }
0xaf: {  	[dreg:$0x3] =	wrdreg s2  }
0xb0: {  	[dreg:$0x4] =	wrdreg $0x0  }
0xb1: {  	[dreg:$0x5] =	wrdreg $0x50000  }
0xb2: {  	[dreg:$0x6] =	wrdreg $0x9  }
0xb3: {  	_ =	task.clear_ibuf [dreg:s7], $0x7FFFF;
	_ =	strace $0x90000049  }
0xb4: {  	s29 =	simm.s32 $0x9;
	_ =	strace $0x8000004B  }
0xb5: {  	_ =	swait.ge [sflag:s29], $0x1  }
0xb6: {  	[sflag:s29] =	ssyncadd.s32 $0xFFFFFFFF  }
0xb7: {  	_ =	strace $0x9000004B  }
0xb8: {  	_ =	sfence  }
0xb9: {  	s30 =	sld [smem:$0x0];
	_ =	sdelay $0x2  }
0xba: {  	s31 =	sshll.u32 s1, $0xD;
	s1 =	sshrl.u32 s1, $0x2  }
0xbb: {  	s3 =	sand.u32 $0x4000, s31;
	s1 =	sadd.s32 s1, s30  }
0xbc: {  	s0 =	sor.u32 s3, s0;
	s1 =	sshll.u32 s1, $0x11  }
0xbd: {  	s0 =	sor.u32 s1, s0  }
0xbe: {  	s0 =	sadd.s32 $0x8F2B, s0  }
0xbf: {  	[sflag:s0] =	ssyncadd.remote.s32 $0x1  }
0xc0: {  	_ =	sfence.sel $0xFFFF  }
0xc1: {  	[dreg:$0x0] =	wrdreg $0xFFFFFFFF;
	(pc) =	sbr.abs _section_cstart, $3  }
0xc2: {  	[dreg:$0x1] =	wrdreg $0xFFFFFFFF  }
0xc3: {  	_ =	task.clear_ibuf [dreg:s7], $0x2FFFF;
	_ =	strace $0x9FFFFFFF  }
0xc4: {  	(tm) =	ssettm $0x7FFFFFFF  }
0xc5: {  	_ =	shalt  }
tec
execute0_lowered:
.L_overlay_start_1:
0x0: {  	(tag) =	ssettag $0x1  }
0x1: {  	s0 =	rddreg [dreg:$0x0]  }
0x2: {  	s2 =	rddreg [dreg:$0x2]  }
0x3: {  	s3 =	rddreg [dreg:$0x3];
	s5 =	simm.s32 $0x0  }
0x4: {  	s1 =	srdreg.scid;
	s19 =	stileid.u32;
	s30 =	simm.s32 $0x7  }
0x5: {  	s29 =	simm.s32 $0x7CB0;
	[smem:$0x7FF] =	sst s5;
	s6 =	sadd.s32 $0x141600, s0  }
0x6: {  	s1 =	sand.u32 $0x1, s1;
	s4 =	smul.u32 $0x280, s19;
	s8 =	sadd.s32 $0x146600, s0  }
0x7: {  	s7 =	sadd.s32 $0x8C800, s0;
	s9 =	sadd.s32 $0x13C600, s0;
	s14 =	smul.u32 $0x14000, s19  }
0x8: {  	s10 =	sadd.s32 $0x150400, s0;
	s11 =	sadd.s32 $0x82A00, s0;
	s16 =	smul.u32 $0xA000, s19  }
0x9: {  	s25 =	sadd.s32 $0x96600, s0;
	s15 =	sadd.s32 $0x15A200, s0;
	s18 =	smul.u32 $0x1388, s19  }
0xa: {  	_ =	strace $0x8000004A;
	s13 =	smul.u32 $0x2800, s1;
	[dreg:$0x5] =	wrdreg s25  }
0xb: {  	s12 =	sadd.s32 $0x78C00, s0;
	[dreg:$0x6] =	wrdreg s15;
	s17 =	smul.u32 $0x13880, s1  }
0xc: {  	s28 =	ssub.s32 $0x2, s1;
	s15 =	smul.u32 $0x27100, s1;
	p0 =	seq.s32 s1, $0x0  }
0xd: {  	s1 =	simm.s32 $0x0;
	s31 =	sshrl.u32 s28, $0x1;
	s14 =	sshrl.u32 s14, $0x2  }
0xe: {  	s16 =	sshrl.u32 s16, $0x2;
	s4 =	sadd.s32 s4, s13;
	s14 =	sadd.s32 s14, s2  }
0xf: {  	s2 =	sshll.u32 s19, $0x6;
	s17 =	sadd.s32 s18, s17;
	s26 =	sshll.u32 s4, $0x2  }
0x10: {  	s4 =	sshll.u32 s4, $0x1;
	[dreg:$0x7] =	wrdreg s14;
	s21 =	sor.u32 $0x1C07, s2  }
0x11: {  	s18 =	sadd.s32 s15, s17;
	s14 =	sadd.s32 s16, s3;
	s19 =	sshrl.u32 s17, $0x3  }
0x12: {  	s2 =	smov.u32 s8;
	s25 =	sadd.s32 $0xC8, s17;
	[dreg:$0x9] =	wrdreg s14  }
0x13: {  	s13 =	sadd.s32 s26, s0;
	s0 =	sadd.s32 s4, s0;
	[dreg:$0xe] =	wrdreg s25  }
0x14: {  	s4 =	ssub.s32 s28, s31;
	s23 =	sadd.s32 s6, s19;
	[dreg:$0x8] =	wrdreg s21  }
0x15: {  	s16 =	sshrl.u32 s18, $0x3;
	s26 =	sadd.s32 $0x190, s17;
	[dreg:$0xc] =	wrdreg s23  }
0x16: {  	s24 =	sadd.s32 s9, s19;
	s14 =	simm.s32 $0x80;
	[dreg:$0xf] =	wrdreg s26  }
0x17: {  	s25 =	simm.s32 $0x8CB0;
	s20 =	sadd.s32 s8, s16;
	[dreg:$0xd] =	wrdreg s24  }
0x18: {  	s17 =	simm.s32 $0x2;
	s22 =	sadd.s32 s10, s16;
	[dreg:$0xa] =	wrdreg s20  }
0x19: {  	s18 =	simm.s32 $0x4;
	s13 =	sadd.s32 $0xA1000, s13;
	[dreg:$0xb] =	wrdreg s22  }
0x1a: {  	s19 =	simm.s32 $0x6;
	s0 =	sadd.s32 $0x97000, s0;
	[dreg:$0x10] =	wrdreg s13  }
0x1b: {  	s8 =	smov.u32 s6;
	s28 =	smax.u32 s4, $0x1;
	[dreg:$0x11] =	wrdreg s0  }
0x1c: {  	s31 =	sadd.s32 $0x10, s24;
	s26 =	simm.s32 $0xF9F0;
	[dreg:$0x12] =	wrdreg s28  }
0x1d: {  	s23 =	simm.s32 $0x3;
	s24 =	simm.s32 $0x5;
	[dreg:$0x13] =	wrdreg s31  }
0x1e: {  	s13 =	simm.s32 $0xFA70;
	s20 =	simm.s32 $0x48;
	s22 =	simm.s32 $0x1  }
.LBB2_1:
0x1f: {  	[dreg:$0x14] =	wrdreg s1  }
0x20: {  	s0 =	rddreg [dreg:$0x7]  }
0x21: {  	s16 =	rddreg [dreg:$0x5];
	s6 =	sshrl.u32 s0, $0x3  }
0x22: {  	[dreg:$0x15] =	wrdreg s6  }
0x23: {  	[spmem:s6], [sflag:s21] =	dma.local [hbm:s16], $0xA00  }
0x24: {  	_ =	swait.ge [sflag:s30], $0xA00  }
0x25: {  	s4 =	rddreg [dreg:$0x9]  }
0x26: {  	[sflag:s30] =	ssyncset.done $0x0;
	s16 =	rddreg [dreg:$0x6];
	s6 =	sshrl.u32 s4, $0x3  }
0x27: {  	[sflag:s30] =	ssyncadd.s32 $0xFFFFF600;
	[dreg:$0x16] =	wrdreg s6  }
0x28: {  	[spmem:s6], [sflag:s21] =	dma.local [hbm:s16], $0x500  }
0x29: {  	_ =	swait.ge [sflag:s30], $0x500  }
0x2a: {  	[sflag:s30] =	ssyncset.done $0x0  }
0x2b: {  	[sflag:s30] =	ssyncadd.s32 $0xFFFFFB00  }
0x2c: {  	s6 =	simm.s32 $0xF9B0;
	s4 =	rddreg [dreg:$0x1]  }
0x2d: {  	[tilespmem:s6], [sflag:$0x7] =	stream.linear.gather [hbm4b:s4+s5], $0x40, $0x38;
	[tilespmem:$0xFB80] =	vst v63  }
0x2e: {  	_ =	swait.ge [sflag:s30], $0x40  }
0x2f: {  	[sflag:s30] =	ssyncset.done $0x0  }
0x30: {  	[sflag:s30] =	ssyncadd.s32 $0xFFFFFFC0  }
0x31: {  	v0 =	vld [tilespmem:$0xF9B0]  }
0x32: {  	v1 =	vld [tilespmem:$0xF9D0]  }
0x33: {  	v2 =	vld [tilespmem:$0xF9C0]  }
0x34: {  	v3 =	vld [tilespmem:$0xF9E0];
	[bflag:$0x0] =	sbarrier.arrive $0xFFFF  }
0x35: {  	s1 =	simm.s32 $0x7800;
	s16 =	rddreg [dreg:$0xc]  }
0x36: {  	[tilespmem:s1], [sflag:$0x7] =	stream.linear.gather [hbm4b:s16+s5], $0xC8, $0x38;
	[tilespmem:$0xFB80] =	vst v63  }
0x37: {  	_ =	swait.ge [sflag:s30], $0xC8  }
0x38: {  	[sflag:s30] =	ssyncset.done $0x0  }
0x39: {  	s4 =	simm.s32 $0x7990;
	s21 =	rddreg [dreg:$0xa];
	[sflag:s30] =	ssyncadd.s32 $0xFFFFFF38  }
0x3a: {  	[tilespmem:s4], [sflag:$0x7] =	stream.linear.gather [hbm4b:s21+s5], $0xC8, $0x38;
	[tilespmem:$0xFB80] =	vst v63  }
0x3b: {  	_ =	swait.ge [sflag:s30], $0xC8  }
0x3c: {  	[sflag:s30] =	ssyncset.done $0x0  }
0x3d: {  	s16 =	simm.s32 $0x7B20;
	s6 =	rddreg [dreg:$0xb];
	[sflag:s30] =	ssyncadd.s32 $0xFFFFFF38  }
0x3e: {  	[tilespmem:s16], [sflag:$0x7] =	stream.linear.gather [hbm4b:s6+s5], $0xC8, $0x38;
	[tilespmem:$0xFB80] =	vst v63  }
0x3f: {  	_ =	swait.ge [sflag:s30], $0xC8  }
0x40: {  	[sflag:s30] =	ssyncset.done $0x0  }
0x41: {  	s21 =	rddreg [dreg:$0xd];
	[sflag:s30] =	ssyncadd.s32 $0xFFFFFF38  }
0x42: {  	[tilespmem:s26], [sflag:$0x7] =	stream.linear.gather [hbm4b:s21+s5], $0x80, $0x38;
	[tilespmem:$0xFB80] =	vst v63  }
0x43: {  	_ =	swait.ge [sflag:s30], $0x80  }
0x44: {  	[sflag:s30] =	ssyncset.done $0x0  }
0x45: {  	s26 =	rddreg [dreg:$0x13];
	[sflag:s30] =	ssyncadd.s32 $0xFFFFFF80  }
0x46: {  	[tilespmem:s13], [sflag:$0x7] =	stream.linear.gather [hbm4b:s26+s5], $0x48, $0x38;
	[tilespmem:$0xFB80] =	vst v63  }
0x47: {  	_ =	swait.ge [sflag:s30], $0x48  }
0x48: {  	[sflag:s30] =	ssyncset.done $0x0  }
0x49: {  	[sflag:s30] =	ssyncadd.s32 $0xFFFFFFB8  }
0x4a: {  	[tilespmem:s29], [sflag:$0x1] =	stream.indirect.gather [hbm4b:s7+s14], $0x20, s1, s14, $0xb8;
	[tilespmem:$0xFB80] =	vst v63  }
0x4b: {  	s6 =	simm.s32 $0xAEB0  }
0x4c: {  	[tilespmem:s6], [sflag:$0x3] =	stream.indirect.gather [hbm4b:s11+s14], $0x10, s4, s14, $0xb8;
	[tilespmem:$0xFB80] =	vst v63  }
0x4d: {  	s13 =	simm.s32 $0xC7B0  }
0x4e: {  	[tilespmem:s13], [sflag:$0x5] =	stream.indirect.gather [hbm4b:s12+s14], $0x10, s16, s14, $0xb8;
	[tilespmem:$0xFB80] =	vst v63  }
0x4f: {  	v0 =	vadd.f32 v1, v0;
	v1 =	vadd.f32 v3, v2;
	s16 =	simm.s32 $0x7880  }
0x50: {  	[tilespmem:s25], [sflag:$0x1] =	stream.indirect.gather [hbm4b:s7+s20], $0x20, s16, s20, $0xb8;
	[tilespmem:$0xFB80] =	vst v63  }
0x51: {  	s28 =	simm.s32 $0x0;
	v0 =	vpsel p0, v0, v1;
	s21 =	simm.s32 $0x7A10;
	s25 =	simm.s32 $0xB6B0  }
0x52: {  	v1 =	vmul.f32 $2.000000030e-01, v0;
	[tilespmem:s25], [sflag:$0x3] =	stream.indirect.gather [hbm4b:s11+s20], $0x10, s21, s20, $0xb8;
	[tilespmem:$0xFB80] =	vst v63  }
0x53: {  	s31 =	simm.s32 $0xFB38;
	vm0 =	vgt.f32 v0, $0.0e+00;
	s26 =	simm.s32 $0x7BA0;
	s29 =	simm.s32 $0xCFB0  }
0x54: {  	v0 =	vsel vm0, v0, v1;
	[tilespmem:s29], [sflag:$0x5] =	stream.indirect.gather [hbm4b:s12+s20], $0x10, s26, s20, $0xb8;
	[tilespmem:$0xFB80] =	vst v63  }
0x55: {  	v0 =	vmax.f32 v0, $0.0e+00;
	s6 =	simm.s32 $0xA5B0;
	s13 =	simm.s32 $0x95B0;
	s26 =	simm.s32 $0xFAB8  }
.LBB2_2:
0x56: {  	s0 =	smul.u32 $0x190, s28  }
0x57: {  	s1 =	rddreg [dreg:$0xe]  }
0x58: {  	s1 =	sadd.s32 s0, s1  }
0x59: {  	s4 =	sshrl.u32 s1, $0x3  }
0x5a: {  	s21 =	simm.s32 $0x78C8;
	s16 =	sadd.s32 s8, s4  }
0x5b: {  	[tilespmem:s21], [sflag:$0x7] =	stream.linear.gather [hbm4b:s16+s5], $0xC8, $0x38;
	[tilespmem:$0xFB80] =	vst v63  }
0x5c: {  	s1 =	sadd.s32 s15, s1;
	_ =	swait.ge [sflag:s30], $0xC8  }
0x5d: {  	s1 =	sshrl.u32 s1, $0x3;
	[sflag:s30] =	ssyncset.done $0x0  }
0x5e: {  	s25 =	simm.s32 $0x7A58;
	s16 =	sadd.s32 s2, s1;
	[sflag:s30] =	ssyncadd.s32 $0xFFFFFF38  }
0x5f: {  	[tilespmem:s25], [sflag:$0x7] =	stream.linear.gather [hbm4b:s16+s5], $0xC8, $0x38;
	[tilespmem:$0xFB80] =	vst v63  }
0x60: {  	_ =	swait.ge [sflag:s30], $0xC8  }
0x61: {  	[sflag:s30] =	ssyncset.done $0x0  }
0x62: {  	s1 =	sadd.s32 s10, s1;
	s16 =	simm.s32 $0x7BE8;
	[sflag:s30] =	ssyncadd.s32 $0xFFFFFF38  }
0x63: {  	[tilespmem:s16], [sflag:$0x7] =	stream.linear.gather [hbm4b:s1+s5], $0xC8, $0x38;
	[tilespmem:$0xFB80] =	vst v63  }
0x64: {  	_ =	swait.ge [sflag:s30], $0xC8  }
0x65: {  	[sflag:s30] =	ssyncset.done $0x0  }
0x66: {  	s4 =	sadd.s32 s9, s4;
	[sflag:s30] =	ssyncadd.s32 $0xFFFFFF38  }
0x67: {  	[tilespmem:s26], [sflag:$0x7] =	stream.linear.gather [hbm4b:s4+s5], $0x80, $0x38;
	[tilespmem:$0xFB80] =	vst v63  }
0x68: {  	_ =	swait.ge [sflag:s30], $0x80  }
0x69: {  	[sflag:s30] =	ssyncset.done $0x0  }
0x6a: {  	s1 =	sadd.s32 $0x10, s4;
	[sflag:s30] =	ssyncadd.s32 $0xFFFFFF80  }
0x6b: {  	[tilespmem:s31], [sflag:$0x7] =	stream.linear.gather [hbm4b:s1+s5], $0x48, $0x38;
	[tilespmem:$0xFB80] =	vst v63  }
0x6c: {  	_ =	swait.ge [sflag:s30], $0x48  }
0x6d: {  	[sflag:s30] =	ssyncset.done $0x0  }
0x6e: {  	[sflag:s30] =	ssyncadd.s32 $0xFFFFFFB8  }
0x6f: {  	[tilespmem:s13], [sflag:$0x2] =	stream.indirect.gather [hbm4b:s7+s14], $0x20, s21, s14, $0xb8;
	[tilespmem:$0xFB80] =	vst v63  }
0x70: {  	s21 =	simm.s32 $0xBB30  }
0x71: {  	[tilespmem:s21], [sflag:$0x4] =	stream.indirect.gather [hbm4b:s11+s14], $0x10, s25, s14, $0xb8;
	[tilespmem:$0xFB80] =	vst v63  }
0x72: {  	s26 =	simm.s32 $0xD430  }
0x73: {  	[tilespmem:s26], [sflag:$0x6] =	stream.indirect.gather [hbm4b:s12+s14], $0x10, s16, s14, $0xb8;
	[tilespmem:$0xFB80] =	vst v63  }
0x74: {  	s4 =	simm.s32 $0x7948  }
0x75: {  	[tilespmem:s6], [sflag:$0x2] =	stream.indirect.gather [hbm4b:s7+s20], $0x20, s4, s20, $0xb8;
	[tilespmem:$0xFB80] =	vst v63  }
0x76: {  	s13 =	simm.s32 $0xC330;
	s6 =	simm.s32 $0x7AD8  }
0x77: {  	[tilespmem:s13], [sflag:$0x4] =	stream.indirect.gather [hbm4b:s11+s20], $0x10, s6, s20, $0xb8;
	[tilespmem:$0xFB80] =	vst v63  }
0x78: {  	s21 =	simm.s32 $0xDC30;
	s16 =	simm.s32 $0x7C68  }
0x79: {  	[tilespmem:s21], [sflag:$0x6] =	stream.indirect.gather [hbm4b:s12+s20], $0x10, s16, s20, $0xb8;
	[tilespmem:$0xFB80] =	vst v63  }
0x7a: {  	_ =	swait.ge [sflag:s22], $0x1000  }
0x7b: {  	[sflag:s22] =	ssyncset.done $0x0  }
0x7c: {  	[sflag:s22] =	ssyncadd.s32 $0xFFFFF000  }
0x7d: {  	_ =	swait.ge [sflag:s23], $0x800  }
0x7e: {  	[sflag:s23] =	ssyncset.done $0x0  }
0x7f: {  	[sflag:s23] =	ssyncadd.s32 $0xFFFFF800  }
0x80: {  	_ =	swait.ge [sflag:s24], $0x800  }
0x81: {  	[sflag:s24] =	ssyncset.done $0x0  }
0x82: {  	[sflag:s24] =	ssyncadd.s32 $0xFFFFF800  }
0x83: {  	_ =	swait.ge [sflag:s22], $0x900  }
0x84: {  	[sflag:s22] =	ssyncset.done $0x0  }
0x85: {  	[sflag:s22] =	ssyncadd.s32 $0xFFFFF700  }
0x86: {  	_ =	swait.ge [sflag:s23], $0x480  }
0x87: {  	[sflag:s23] =	ssyncset.done $0x0  }
0x88: {  	[sflag:s23] =	ssyncadd.s32 $0xFFFFFB80  }
0x89: {  	_ =	swait.ge [sflag:s24], $0x480  }
0x8a: {  	[sflag:s24] =	ssyncset.done $0x0  }
0x8b: {  	s25 =	simm.s32 $0xAEC0;
	[sflag:s24] =	ssyncadd.s32 $0xFFFFFB80  }
0x8c: {  	s26 =	simm.s32 $0xC7C0;
	v1 =	vld [tilespmem:s25+$0xFFFFFFF0]  }
0x8d: {  	v2 =	vld [tilespmem:s26+$0xFFFFFFF0];
	_ =	sdelay $0x4  }
0x8e: {  	v1 =	vadd.f32 v2, v1;
	_ =	sdelay $0x1  }
0x8f: {  	v2 =	vmul.f32 $2.000000030e-01, v1  }
0x90: {  	vm0 =	vgt.f32 v1, $0.0e+00  }
0x91: {  	v1 =	vsel vm0, v1, v2  }
0x92: {  	v1 =	vsub.f32 v1, v0;
	_ =	sdelay $0x1  }
0x93: {  	v1 =	vmul.f32 $1.442695020e+00, v1;
	_ =	sdelay $0x1  }
0x94: {  	(erf) = vpow2.f32 v1;
	_ =	sdelay $0x8  }
0x95: {  	s29 =	simm.s32 $0xE0C0;
	v1 =	vpop (erf)  }
0x96: {  	s4 =	simm.s32 $0x7CD0;
	[tilespmem:s29+$0xFFFFFFF0] =	vst v1  }
0x97: {  	v2 =	vld [tilespmem:s4+$0xFFFFFFF0]  }
0x98: {  	v3 =	vld [tilespmem:s4+$0xFFFFFFE0];
	_ =	sdelay $0x1  }
0x99: {  	v1 =	vbroadcast v1, $0x0;
	_ =	sdelay $0x1  }
0x9a: {  	v2 =	vmul.f32 v1, v2  }
0x9b: {  	v1 =	vmul.f32 v1, v3  }
0x9c: {  	[tilespmem:s4+$0xFFFFFFF0] =	vst v2  }
0x9d: {  	[tilespmem:s4+$0xFFFFFFE0] =	vst v1  }
0x9e: {  	v1 =	vld [tilespmem:s25+$0x0]  }
0x9f: {  	v2 =	vld [tilespmem:s26+$0x0];
	_ =	sdelay $0x4  }
0xa0: {  	v1 =	vadd.f32 v2, v1;
	_ =	sdelay $0x1  }
0xa1: {  	v2 =	vmul.f32 $2.000000030e-01, v1  }
0xa2: {  	vm15 =	vgt.f32 v1, $0.0e+00  }
0xa3: {  	v1 =	vsel vm15, v1, v2  }
0xa4: {  	v1 =	vsub.f32 v1, v0;
	_ =	sdelay $0x1  }
0xa5: {  	v1 =	vmul.f32 $1.442695020e+00, v1;
	_ =	sdelay $0x1  }
0xa6: {  	(erf) = vpow2.f32 v1;
	_ =	sdelay $0x8  }
0xa7: {  	v1 =	vpop (erf)  }
0xa8: {  	[tilespmem:s29+$0x0] =	vst v1  }
0xa9: {  	v3 =	vld [tilespmem:s4+$0x0]  }
0xaa: {  	v2 =	vld [tilespmem:s4+$0x10];
	_ =	sdelay $0x1  }
0xab: {  	s1 =	simm.s32 $0x0;
	s31 =	simm.s32 $0x95B0;
	v1 =	vbroadcast v1, $0x0  }
0xac: {  	s21 =	simm.s32 $0xC7E0;
	s16 =	simm.s32 $0x7CD0;
	s25 =	simm.s32 $0xAEE0  }
.LBB2_3:
0xad: {  	s1 =	sadd.s32 $0x2, s1;
	v3 =	vmul.f32 v1, v3;
	s29 =	sadd.s32 $0x20, s29;
	s4 =	sadd.s32 $0x40, s4  }
0xae: {  	p1 =	slt.u32 s1, $0xC6;
	v1 =	vmul.f32 v1, v2  }
0xaf: {  	[tilespmem:s16+$0x0] =	vst v3  }
0xb0: {  	[tilespmem:s16+$0x10] =	vst v1;
	s16 =	smov.u32 s4  }
0xb1: {  	v1 =	vld [tilespmem:s25+$0xFFFFFFF0]  }
0xb2: {  	v2 =	vld [tilespmem:s21+$0xFFFFFFF0];
	_ =	sdelay $0x4  }
0xb3: {  	v1 =	vadd.f32 v2, v1;
	_ =	sdelay $0x1  }
0xb4: {  	v2 =	vmul.f32 $2.000000030e-01, v1  }
0xb5: {  	vm0 =	vgt.f32 v1, $0.0e+00  }
0xb6: {  	v1 =	vsel vm0, v1, v2  }
0xb7: {  	v1 =	vsub.f32 v1, v0;
	_ =	sdelay $0x1  }
0xb8: {  	v1 =	vmul.f32 $1.442695020e+00, v1;
	_ =	sdelay $0x1  }
0xb9: {  	(erf) = vpow2.f32 v1;
	_ =	sdelay $0x8  }
0xba: {  	v1 =	vpop (erf)  }
0xbb: {  	[tilespmem:s29+$0xFFFFFFF0] =	vst v1  }
0xbc: {  	v2 =	vld [tilespmem:s4+$0xFFFFFFF0]  }
0xbd: {  	v3 =	vld [tilespmem:s4+$0xFFFFFFE0];
	_ =	sdelay $0x1  }
0xbe: {  	v1 =	vbroadcast v1, $0x0;
	_ =	sdelay $0x1  }
0xbf: {  	v2 =	vmul.f32 v1, v2  }
0xc0: {  	v1 =	vmul.f32 v1, v3  }
0xc1: {  	[tilespmem:s4+$0xFFFFFFF0] =	vst v2  }
0xc2: {  	[tilespmem:s4+$0xFFFFFFE0] =	vst v1  }
0xc3: {  	v1 =	vld [tilespmem:s25+$0x0]  }
0xc4: {  	v2 =	vld [tilespmem:s21+$0x0];
	_ =	sdelay $0x4  }
0xc5: {  	v1 =	vadd.f32 v2, v1;
	_ =	sdelay $0x1  }
0xc6: {  	vm0 =	vgt.f32 v1, $0.0e+00;
	v2 =	vmul.f32 $2.000000030e-01, v1;
	_ =	sdelay $0x1  }
0xc7: {  	v1 =	vsel vm0, v1, v2  }
0xc8: {  	v1 =	vsub.f32 v1, v0;
	_ =	sdelay $0x1  }
0xc9: {  	v1 =	vmul.f32 $1.442695020e+00, v1;
	_ =	sdelay $0x1  }
0xca: {  	(erf) = vpow2.f32 v1;
	_ =	sdelay $0x8  }
0xcb: {  	v1 =	vpop (erf)  }
0xcc: {  	[tilespmem:s29+$0x0] =	vst v1  }
.Ltmp0:
0xcd: {  	v3 =	vld [tilespmem:s4+$0x0];
	(pc) =	sbr.rel @p1 .LBB2_3-.Ltmp0, $2  }
0xce: {  	v1 =	vbroadcast v1, $0x0;
	v2 =	vld [tilespmem:s4+$0x10];
	_ =	sdelay $0x2  }
0xcf: {  	s25 =	sadd.s32 $0x20, s25;
	s21 =	sadd.s32 $0x20, s21  }
0xd0: {  	v3 =	vmul.f32 v1, v3  }
0xd1: {  	v1 =	vmul.f32 v1, v2  }
0xd2: {  	[tilespmem:s16+$0x0] =	vst v3  }
0xd3: {  	s26 =	simm.s32 $0xF9F0;
	s1 =	simm.s32 $0xE0B0;
	[tilespmem:s16+$0x10] =	vst v1  }
0xd4: {  	[spmem:s3] =	stream.indirect.scatter.add.f32 [tilespmem:s1], [sflag:$0x7], $0x10, s26, s14, $0xb8;
	[tilespmem:$0xFB80] =	vst v63  }
0xd5: {  	_ =	swait.ge [sflag:s30], $0x800  }
0xd6: {  	[sflag:s30] =	ssyncset.done $0x0  }
0xd7: {  	[sflag:s30] =	ssyncadd.s32 $0xFFFFF800  }
0xd8: {  	s29 =	simm.s32 $0x7CB0;
	s6 =	rddreg [dreg:$0x2]  }
0xd9: {  	[spmem:s6] =	stream.indirect.scatter.add.f32 [tilespmem:s29], [sflag:$0x7], $0x20, s26, s14, $0xb8;
	[tilespmem:$0xFB80] =	vst v63  }
0xda: {  	_ =	swait.ge [sflag:s30], $0x1000  }
0xdb: {  	[sflag:s30] =	ssyncset.done $0x0  }
0xdc: {  	s13 =	simm.s32 $0xFA70;
	s4 =	simm.s32 $0xE8B0;
	[sflag:s30] =	ssyncadd.s32 $0xFFFFF000  }
0xdd: {  	[spmem:s3] =	stream.indirect.scatter.add.f32 [tilespmem:s4], [sflag:$0x7], $0x10, s13, s20, $0xb8;
	[tilespmem:$0xFB80] =	vst v63  }
0xde: {  	_ =	swait.ge [sflag:s30], $0x480  }
0xdf: {  	[sflag:s30] =	ssyncset.done $0x0  }
0xe0: {  	s25 =	simm.s32 $0x8CB0;
	[sflag:s30] =	ssyncadd.s32 $0xFFFFFB80  }
0xe1: {  	[spmem:s6] =	stream.indirect.scatter.add.f32 [tilespmem:s25], [sflag:$0x7], $0x20, s13, s20, $0xb8;
	[tilespmem:$0xFB80] =	vst v63  }
0xe2: {  	_ =	swait.ge [sflag:s30], $0x900  }
0xe3: {  	s16 =	rddreg [dreg:$0xf]  }
0xe4: {  	s0 =	sadd.s32 s0, s16  }
0xe5: {  	[sflag:s30] =	ssyncset.done $0x0;
	s1 =	sshrl.u32 s0, $0x3  }
0xe6: {  	[sflag:s30] =	ssyncadd.s32 $0xFFFFF700;
	s16 =	simm.s32 $0x7800;
	s21 =	sadd.s32 s8, s1  }
0xe7: {  	[tilespmem:s16], [sflag:$0x7] =	stream.linear.gather [hbm4b:s21+s5], $0xC8, $0x38;
	[tilespmem:$0xFB80] =	vst v63  }
0xe8: {  	s0 =	sadd.s32 s15, s0;
	_ =	swait.ge [sflag:s30], $0xC8  }
0xe9: {  	s0 =	sshrl.u32 s0, $0x3;
	[sflag:s30] =	ssyncset.done $0x0  }
0xea: {  	s6 =	sadd.s32 s2, s0;
	s21 =	simm.s32 $0x7990;
	[sflag:s30] =	ssyncadd.s32 $0xFFFFFF38  }
0xeb: {  	[tilespmem:s21], [sflag:$0x7] =	stream.linear.gather [hbm4b:s6+s5], $0xC8, $0x38;
	[tilespmem:$0xFB80] =	vst v63  }
0xec: {  	_ =	swait.ge [sflag:s30], $0xC8  }
0xed: {  	[sflag:s30] =	ssyncset.done $0x0  }
0xee: {  	s4 =	simm.s32 $0x7B20;
	s0 =	sadd.s32 s10, s0;
	[sflag:s30] =	ssyncadd.s32 $0xFFFFFF38  }
0xef: {  	[tilespmem:s4], [sflag:$0x7] =	stream.linear.gather [hbm4b:s0+s5], $0xC8, $0x38;
	[tilespmem:$0xFB80] =	vst v63  }
0xf0: {  	_ =	swait.ge [sflag:s30], $0xC8  }
0xf1: {  	[sflag:s30] =	ssyncset.done $0x0  }
0xf2: {  	s6 =	sadd.s32 s9, s1;
	[sflag:s30] =	ssyncadd.s32 $0xFFFFFF38  }
0xf3: {  	[tilespmem:s26], [sflag:$0x7] =	stream.linear.gather [hbm4b:s6+s5], $0x80, $0x38;
	[tilespmem:$0xFB80] =	vst v63  }
0xf4: {  	_ =	swait.ge [sflag:s30], $0x80  }
0xf5: {  	[sflag:s30] =	ssyncset.done $0x0  }
0xf6: {  	s0 =	sadd.s32 $0x10, s6;
	[sflag:s30] =	ssyncadd.s32 $0xFFFFFF80  }
0xf7: {  	[tilespmem:s13], [sflag:$0x7] =	stream.linear.gather [hbm4b:s0+s5], $0x48, $0x38;
	[tilespmem:$0xFB80] =	vst v63  }
0xf8: {  	_ =	swait.ge [sflag:s30], $0x48  }
0xf9: {  	[sflag:s30] =	ssyncset.done $0x0  }
0xfa: {  	[sflag:s30] =	ssyncadd.s32 $0xFFFFFFB8  }
0xfb: {  	[tilespmem:s29], [sflag:$0x1] =	stream.indirect.gather [hbm4b:s7+s14], $0x20, s16, s14, $0xb8;
	[tilespmem:$0xFB80] =	vst v63  }
0xfc: {  	s26 =	simm.s32 $0xAEB0  }
0xfd: {  	[tilespmem:s26], [sflag:$0x3] =	stream.indirect.gather [hbm4b:s11+s14], $0x10, s21, s14, $0xb8;
	[tilespmem:$0xFB80] =	vst v63  }
0xfe: {  	s1 =	simm.s32 $0xC7B0  }
0xff: {  	[tilespmem:s1], [sflag:$0x5] =	stream.indirect.gather [hbm4b:s12+s14], $0x10, s4, s14, $0xb8;
	[tilespmem:$0xFB80] =	vst v63  }
0x100: {  	s4 =	simm.s32 $0x7880  }
0x101: {  	[tilespmem:s25], [sflag:$0x1] =	stream.indirect.gather [hbm4b:s7+s20], $0x20, s4, s20, $0xb8;
	[tilespmem:$0xFB80] =	vst v63  }
0x102: {  	s6 =	simm.s32 $0x7A10;
	s13 =	simm.s32 $0xB6B0  }
0x103: {  	[tilespmem:s13], [sflag:$0x3] =	stream.indirect.gather [hbm4b:s11+s20], $0x10, s6, s20, $0xb8;
	[tilespmem:$0xFB80] =	vst v63  }
0x104: {  	s16 =	simm.s32 $0x7BA0;
	s21 =	simm.s32 $0xCFB0  }
0x105: {  	[tilespmem:s21], [sflag:$0x5] =	stream.indirect.gather [hbm4b:s12+s20], $0x10, s16, s20, $0xb8;
	[tilespmem:$0xFB80] =	vst v63  }
0x106: {  	_ =	swait.ge [sflag:s17], $0x1000  }
0x107: {  	[sflag:s17] =	ssyncset.done $0x0  }
0x108: {  	[sflag:s17] =	ssyncadd.s32 $0xFFFFF000  }
0x109: {  	_ =	swait.ge [sflag:s18], $0x800  }
0x10a: {  	[sflag:s18] =	ssyncset.done $0x0  }
0x10b: {  	[sflag:s18] =	ssyncadd.s32 $0xFFFFF800  }
0x10c: {  	_ =	swait.ge [sflag:s19], $0x800  }
0x10d: {  	[sflag:s19] =	ssyncset.done $0x0  }
0x10e: {  	[sflag:s19] =	ssyncadd.s32 $0xFFFFF800  }
0x10f: {  	_ =	swait.ge [sflag:s17], $0x900  }
0x110: {  	[sflag:s17] =	ssyncset.done $0x0  }
0x111: {  	[sflag:s17] =	ssyncadd.s32 $0xFFFFF700  }
0x112: {  	_ =	swait.ge [sflag:s18], $0x480  }
0x113: {  	[sflag:s18] =	ssyncset.done $0x0  }
0x114: {  	[sflag:s18] =	ssyncadd.s32 $0xFFFFFB80  }
0x115: {  	_ =	swait.ge [sflag:s19], $0x480  }
0x116: {  	[sflag:s19] =	ssyncset.done $0x0  }
0x117: {  	s25 =	simm.s32 $0xBB40;
	[sflag:s19] =	ssyncadd.s32 $0xFFFFFB80  }
0x118: {  	s26 =	simm.s32 $0xD440;
	v1 =	vld [tilespmem:s25+$0xFFFFFFF0]  }
0x119: {  	v2 =	vld [tilespmem:s26+$0xFFFFFFF0];
	_ =	sdelay $0x4  }
0x11a: {  	v1 =	vadd.f32 v2, v1;
	_ =	sdelay $0x1  }
0x11b: {  	v2 =	vmul.f32 $2.000000030e-01, v1  }
0x11c: {  	vm0 =	vgt.f32 v1, $0.0e+00  }
0x11d: {  	v1 =	vsel vm0, v1, v2  }
0x11e: {  	v1 =	vsub.f32 v1, v0;
	_ =	sdelay $0x1  }
0x11f: {  	v1 =	vmul.f32 $1.442695020e+00, v1;
	_ =	sdelay $0x1  }
0x120: {  	(erf) = vpow2.f32 v1;
	_ =	sdelay $0x8  }
0x121: {  	s0 =	simm.s32 $0xED40;
	v1 =	vpop (erf)  }
0x122: {  	s4 =	simm.s32 $0x95D0;
	[tilespmem:s0+$0xFFFFFFF0] =	vst v1  }
0x123: {  	v2 =	vld [tilespmem:s4+$0xFFFFFFF0]  }
0x124: {  	v3 =	vld [tilespmem:s4+$0xFFFFFFE0];
	_ =	sdelay $0x1  }
0x125: {  	v1 =	vbroadcast v1, $0x0;
	_ =	sdelay $0x1  }
0x126: {  	v2 =	vmul.f32 v1, v2  }
0x127: {  	v1 =	vmul.f32 v1, v3  }
0x128: {  	[tilespmem:s4+$0xFFFFFFF0] =	vst v2  }
0x129: {  	[tilespmem:s4+$0xFFFFFFE0] =	vst v1  }
0x12a: {  	v1 =	vld [tilespmem:s25+$0x0]  }
0x12b: {  	v2 =	vld [tilespmem:s26+$0x0];
	_ =	sdelay $0x4  }
0x12c: {  	v1 =	vadd.f32 v2, v1;
	_ =	sdelay $0x1  }
0x12d: {  	v2 =	vmul.f32 $2.000000030e-01, v1  }
0x12e: {  	vm15 =	vgt.f32 v1, $0.0e+00  }
0x12f: {  	v1 =	vsel vm15, v1, v2  }
0x130: {  	v1 =	vsub.f32 v1, v0;
	_ =	sdelay $0x1  }
0x131: {  	v1 =	vmul.f32 $1.442695020e+00, v1;
	_ =	sdelay $0x1  }
0x132: {  	(erf) = vpow2.f32 v1;
	_ =	sdelay $0x8  }
0x133: {  	v1 =	vpop (erf)  }
0x134: {  	[tilespmem:s0+$0x0] =	vst v1  }
0x135: {  	v3 =	vld [tilespmem:s4+$0x0]  }
0x136: {  	v2 =	vld [tilespmem:s4+$0x10];
	_ =	sdelay $0x1  }
0x137: {  	s1 =	simm.s32 $0x0;
	v1 =	vbroadcast v1, $0x0  }
0x138: {  	s21 =	simm.s32 $0xD460;
	s16 =	simm.s32 $0x95D0;
	s25 =	simm.s32 $0xBB60  }
.LBB2_5:
0x139: {  	s1 =	sadd.s32 $0x2, s1;
	v3 =	vmul.f32 v1, v3;
	s0 =	sadd.s32 $0x20, s0;
	s4 =	sadd.s32 $0x40, s4  }
0x13a: {  	p1 =	slt.u32 s1, $0xC6;
	v1 =	vmul.f32 v1, v2  }
0x13b: {  	[tilespmem:s16+$0x0] =	vst v3  }
0x13c: {  	[tilespmem:s16+$0x10] =	vst v1;
	s16 =	smov.u32 s4  }
0x13d: {  	v1 =	vld [tilespmem:s25+$0xFFFFFFF0]  }
0x13e: {  	v2 =	vld [tilespmem:s21+$0xFFFFFFF0];
	_ =	sdelay $0x4  }
0x13f: {  	v1 =	vadd.f32 v2, v1;
	_ =	sdelay $0x1  }
0x140: {  	v2 =	vmul.f32 $2.000000030e-01, v1  }
0x141: {  	vm0 =	vgt.f32 v1, $0.0e+00  }
0x142: {  	v1 =	vsel vm0, v1, v2  }
0x143: {  	v1 =	vsub.f32 v1, v0;
	_ =	sdelay $0x1  }
0x144: {  	v1 =	vmul.f32 $1.442695020e+00, v1;
	_ =	sdelay $0x1  }
0x145: {  	(erf) = vpow2.f32 v1;
	_ =	sdelay $0x8  }
0x146: {  	v1 =	vpop (erf)  }
0x147: {  	[tilespmem:s0+$0xFFFFFFF0] =	vst v1  }
0x148: {  	v2 =	vld [tilespmem:s4+$0xFFFFFFF0]  }
0x149: {  	v3 =	vld [tilespmem:s4+$0xFFFFFFE0];
	_ =	sdelay $0x1  }
0x14a: {  	v1 =	vbroadcast v1, $0x0;
	_ =	sdelay $0x1  }
0x14b: {  	v2 =	vmul.f32 v1, v2  }
0x14c: {  	v1 =	vmul.f32 v1, v3  }
0x14d: {  	[tilespmem:s4+$0xFFFFFFF0] =	vst v2  }
0x14e: {  	[tilespmem:s4+$0xFFFFFFE0] =	vst v1  }
0x14f: {  	v1 =	vld [tilespmem:s25+$0x0]  }
0x150: {  	v2 =	vld [tilespmem:s21+$0x0];
	_ =	sdelay $0x4  }
0x151: {  	v1 =	vadd.f32 v2, v1;
	_ =	sdelay $0x1  }
0x152: {  	vm0 =	vgt.f32 v1, $0.0e+00;
	v2 =	vmul.f32 $2.000000030e-01, v1;
	_ =	sdelay $0x1  }
0x153: {  	v1 =	vsel vm0, v1, v2  }
0x154: {  	v1 =	vsub.f32 v1, v0;
	_ =	sdelay $0x1  }
0x155: {  	v1 =	vmul.f32 $1.442695020e+00, v1;
	_ =	sdelay $0x1  }
0x156: {  	(erf) = vpow2.f32 v1;
	_ =	sdelay $0x8  }
0x157: {  	v1 =	vpop (erf)  }
0x158: {  	[tilespmem:s0+$0x0] =	vst v1  }
.Ltmp1:
0x159: {  	v3 =	vld [tilespmem:s4+$0x0];
	(pc) =	sbr.rel @p1 .LBB2_5-.Ltmp1, $2  }
0x15a: {  	v1 =	vbroadcast v1, $0x0;
	v2 =	vld [tilespmem:s4+$0x10];
	_ =	sdelay $0x2  }
0x15b: {  	s25 =	sadd.s32 $0x20, s25;
	s21 =	sadd.s32 $0x20, s21  }
0x15c: {  	v3 =	vmul.f32 v1, v3  }
0x15d: {  	v1 =	vmul.f32 v1, v2  }
0x15e: {  	[tilespmem:s16+$0x0] =	vst v3  }
0x15f: {  	s26 =	simm.s32 $0xFAB8;
	s0 =	simm.s32 $0xED30;
	[tilespmem:s16+$0x10] =	vst v1  }
0x160: {  	[spmem:s3] =	stream.indirect.scatter.add.f32 [tilespmem:s0], [sflag:$0x7], $0x10, s26, s14, $0xb8;
	[tilespmem:$0xFB80] =	vst v63  }
0x161: {  	_ =	swait.ge [sflag:s30], $0x800  }
0x162: {  	[sflag:s30] =	ssyncset.done $0x0  }
0x163: {  	[sflag:s30] =	ssyncadd.s32 $0xFFFFF800  }
0x164: {  	s25 =	rddreg [dreg:$0x2]  }
0x165: {  	[spmem:s25] =	stream.indirect.scatter.add.f32 [tilespmem:s31], [sflag:$0x7], $0x20, s26, s14, $0xb8;
	[tilespmem:$0xFB80] =	vst v63  }
0x166: {  	_ =	swait.ge [sflag:s30], $0x1000  }
0x167: {  	[sflag:s30] =	ssyncset.done $0x0  }
0x168: {  	s1 =	simm.s32 $0xF530;
	s31 =	simm.s32 $0xFB38;
	[sflag:s30] =	ssyncadd.s32 $0xFFFFF000  }
0x169: {  	[spmem:s3] =	stream.indirect.scatter.add.f32 [tilespmem:s1], [sflag:$0x7], $0x10, s31, s20, $0xb8;
	[tilespmem:$0xFB80] =	vst v63  }
0x16a: {  	s28 =	sadd.s32 $0x1, s28;
	_ =	swait.ge [sflag:s30], $0x480  }
0x16b: {  	p1 =	sne.s32 s28, $0xC;
	[sflag:s30] =	ssyncset.done $0x0  }
.Ltmp2:
0x16c: {  	s6 =	simm.s32 $0xA5B0;
	[sflag:s30] =	ssyncadd.s32 $0xFFFFFB80;
	(pc) =	sbr.rel @p1 .LBB2_2-.Ltmp2, $4  }
0x16d: {  	[spmem:s25] =	stream.indirect.scatter.add.f32 [tilespmem:s6], [sflag:$0x7], $0x20, s31, s20, $0xb8;
	[tilespmem:$0xFB80] =	vst v63  }
0x16e: {  	_ =	swait.ge [sflag:s30], $0x900  }
0x16f: {  	[sflag:s30] =	ssyncset.done $0x0  }
0x170: {  	s13 =	simm.s32 $0x95B0;
	[sflag:s30] =	ssyncadd.s32 $0xFFFFF700  }
0x171: {  	_ =	swait.ge [sflag:s22], $0x1000  }
0x172: {  	[sflag:s22] =	ssyncset.done $0x0  }
0x173: {  	[sflag:s22] =	ssyncadd.s32 $0xFFFFF000  }
0x174: {  	_ =	swait.ge [sflag:s23], $0x800  }
0x175: {  	[sflag:s23] =	ssyncset.done $0x0  }
0x176: {  	[sflag:s23] =	ssyncadd.s32 $0xFFFFF800  }
0x177: {  	_ =	swait.ge [sflag:s24], $0x800  }
0x178: {  	[sflag:s24] =	ssyncset.done $0x0  }
0x179: {  	[sflag:s24] =	ssyncadd.s32 $0xFFFFF800  }
0x17a: {  	_ =	swait.ge [sflag:s22], $0x900  }
0x17b: {  	[sflag:s22] =	ssyncset.done $0x0  }
0x17c: {  	[sflag:s22] =	ssyncadd.s32 $0xFFFFF700  }
0x17d: {  	_ =	swait.ge [sflag:s23], $0x480  }
0x17e: {  	[sflag:s23] =	ssyncset.done $0x0  }
0x17f: {  	[sflag:s23] =	ssyncadd.s32 $0xFFFFFB80  }
0x180: {  	_ =	swait.ge [sflag:s24], $0x480  }
0x181: {  	[sflag:s24] =	ssyncset.done $0x0  }
0x182: {  	s1 =	simm.s32 $0xAEC0;
	[sflag:s24] =	ssyncadd.s32 $0xFFFFFB80  }
0x183: {  	s16 =	simm.s32 $0xC7C0;
	v1 =	vld [tilespmem:s1+$0xFFFFFFF0]  }
0x184: {  	v2 =	vld [tilespmem:s16+$0xFFFFFFF0];
	_ =	sdelay $0x4  }
0x185: {  	v1 =	vadd.f32 v2, v1;
	_ =	sdelay $0x1  }
0x186: {  	v2 =	vmul.f32 $2.000000030e-01, v1  }
0x187: {  	vm0 =	vgt.f32 v1, $0.0e+00  }
0x188: {  	v1 =	vsel vm0, v1, v2  }
0x189: {  	v1 =	vsub.f32 v1, v0;
	_ =	sdelay $0x1  }
0x18a: {  	v1 =	vmul.f32 $1.442695020e+00, v1;
	_ =	sdelay $0x1  }
0x18b: {  	(erf) = vpow2.f32 v1;
	_ =	sdelay $0x8  }
0x18c: {  	s0 =	simm.s32 $0xE0C0;
	v1 =	vpop (erf)  }
0x18d: {  	s4 =	simm.s32 $0x7CD0;
	[tilespmem:s0+$0xFFFFFFF0] =	vst v1  }
0x18e: {  	v2 =	vld [tilespmem:s4+$0xFFFFFFF0]  }
0x18f: {  	v3 =	vld [tilespmem:s4+$0xFFFFFFE0];
	_ =	sdelay $0x1  }
0x190: {  	v1 =	vbroadcast v1, $0x0;
	_ =	sdelay $0x1  }
0x191: {  	v2 =	vmul.f32 v1, v2  }
0x192: {  	v1 =	vmul.f32 v1, v3  }
0x193: {  	[tilespmem:s4+$0xFFFFFFF0] =	vst v2  }
0x194: {  	[tilespmem:s4+$0xFFFFFFE0] =	vst v1  }
0x195: {  	v1 =	vld [tilespmem:s1+$0x0]  }
0x196: {  	v2 =	vld [tilespmem:s16+$0x0];
	_ =	sdelay $0x4  }
0x197: {  	v1 =	vadd.f32 v2, v1;
	_ =	sdelay $0x1  }
0x198: {  	v2 =	vmul.f32 $2.000000030e-01, v1  }
0x199: {  	vm15 =	vgt.f32 v1, $0.0e+00  }
0x19a: {  	v1 =	vsel vm15, v1, v2  }
0x19b: {  	v1 =	vsub.f32 v1, v0;
	_ =	sdelay $0x1  }
0x19c: {  	v1 =	vmul.f32 $1.442695020e+00, v1;
	_ =	sdelay $0x1  }
0x19d: {  	(erf) = vpow2.f32 v1;
	_ =	sdelay $0x8  }
0x19e: {  	v1 =	vpop (erf)  }
0x19f: {  	[tilespmem:s0+$0x0] =	vst v1  }
0x1a0: {  	v3 =	vld [tilespmem:s4+$0x0]  }
0x1a1: {  	v2 =	vld [tilespmem:s4+$0x10];
	_ =	sdelay $0x1  }
0x1a2: {  	s25 =	simm.s32 $0xAEE0;
	v1 =	vbroadcast v1, $0x0  }
0x1a3: {  	s21 =	simm.s32 $0xC7E0;
	s1 =	simm.s32 $0x0;
	s16 =	simm.s32 $0x7CD0  }
.LBB2_8:
0x1a4: {  	s1 =	sadd.s32 $0x2, s1;
	v3 =	vmul.f32 v1, v3;
	s0 =	sadd.s32 $0x20, s0;
	s4 =	sadd.s32 $0x40, s4  }
0x1a5: {  	p1 =	slt.u32 s1, $0xC6;
	v1 =	vmul.f32 v1, v2  }
0x1a6: {  	[tilespmem:s16+$0x0] =	vst v3  }
0x1a7: {  	[tilespmem:s16+$0x10] =	vst v1;
	s16 =	smov.u32 s4  }
0x1a8: {  	v1 =	vld [tilespmem:s25+$0xFFFFFFF0]  }
0x1a9: {  	v2 =	vld [tilespmem:s21+$0xFFFFFFF0];
	_ =	sdelay $0x4  }
0x1aa: {  	v1 =	vadd.f32 v2, v1;
	_ =	sdelay $0x1  }
0x1ab: {  	v2 =	vmul.f32 $2.000000030e-01, v1  }
0x1ac: {  	vm0 =	vgt.f32 v1, $0.0e+00  }
0x1ad: {  	v1 =	vsel vm0, v1, v2  }
0x1ae: {  	v1 =	vsub.f32 v1, v0;
	_ =	sdelay $0x1  }
0x1af: {  	v1 =	vmul.f32 $1.442695020e+00, v1;
	_ =	sdelay $0x1  }
0x1b0: {  	(erf) = vpow2.f32 v1;
	_ =	sdelay $0x8  }
0x1b1: {  	v1 =	vpop (erf)  }
0x1b2: {  	[tilespmem:s0+$0xFFFFFFF0] =	vst v1  }
0x1b3: {  	v2 =	vld [tilespmem:s4+$0xFFFFFFF0]  }
0x1b4: {  	v3 =	vld [tilespmem:s4+$0xFFFFFFE0];
	_ =	sdelay $0x1  }
0x1b5: {  	v1 =	vbroadcast v1, $0x0;
	_ =	sdelay $0x1  }
0x1b6: {  	v2 =	vmul.f32 v1, v2  }
0x1b7: {  	v1 =	vmul.f32 v1, v3  }
0x1b8: {  	[tilespmem:s4+$0xFFFFFFF0] =	vst v2  }
0x1b9: {  	[tilespmem:s4+$0xFFFFFFE0] =	vst v1  }
0x1ba: {  	v1 =	vld [tilespmem:s25+$0x0]  }
0x1bb: {  	v2 =	vld [tilespmem:s21+$0x0];
	_ =	sdelay $0x4  }
0x1bc: {  	v1 =	vadd.f32 v2, v1;
	_ =	sdelay $0x1  }
0x1bd: {  	vm0 =	vgt.f32 v1, $0.0e+00;
	v2 =	vmul.f32 $2.000000030e-01, v1;
	_ =	sdelay $0x1  }
0x1be: {  	v1 =	vsel vm0, v1, v2  }
0x1bf: {  	v1 =	vsub.f32 v1, v0;
	_ =	sdelay $0x1  }
0x1c0: {  	v1 =	vmul.f32 $1.442695020e+00, v1;
	_ =	sdelay $0x1  }
0x1c1: {  	(erf) = vpow2.f32 v1;
	_ =	sdelay $0x8  }
0x1c2: {  	v1 =	vpop (erf)  }
0x1c3: {  	[tilespmem:s0+$0x0] =	vst v1  }
.Ltmp3:
0x1c4: {  	v3 =	vld [tilespmem:s4+$0x0];
	(pc) =	sbr.rel @p1 .LBB2_8-.Ltmp3, $2  }
0x1c5: {  	v1 =	vbroadcast v1, $0x0;
	v2 =	vld [tilespmem:s4+$0x10];
	_ =	sdelay $0x2  }
0x1c6: {  	s25 =	sadd.s32 $0x20, s25;
	s21 =	sadd.s32 $0x20, s21  }
0x1c7: {  	v0 =	vmul.f32 v1, v3  }
0x1c8: {  	v63 =	vmul.f32 v1, v2  }
0x1c9: {  	[tilespmem:s16+$0x0] =	vst v0  }
0x1ca: {  	s26 =	simm.s32 $0xF9F0;
	s0 =	simm.s32 $0xE0B0;
	[tilespmem:s16+$0x10] =	vst v63  }
0x1cb: {  	[spmem:s3] =	stream.indirect.scatter.add.f32 [tilespmem:s0], [sflag:$0x7], $0x10, s26, s14, $0xb8;
	[tilespmem:$0xFB80] =	vst v63  }
0x1cc: {  	_ =	swait.ge [sflag:s30], $0x800  }
0x1cd: {  	[sflag:s30] =	ssyncset.done $0x0  }
0x1ce: {  	[sflag:s30] =	ssyncadd.s32 $0xFFFFF800  }
0x1cf: {  	s31 =	rddreg [dreg:$0x2]  }
0x1d0: {  	[spmem:s31] =	stream.indirect.scatter.add.f32 [tilespmem:s29], [sflag:$0x7], $0x20, s26, s14, $0xb8;
	[tilespmem:$0xFB80] =	vst v63  }
0x1d1: {  	_ =	swait.ge [sflag:s30], $0x1000  }
0x1d2: {  	[sflag:s30] =	ssyncset.done $0x0  }
0x1d3: {  	s13 =	simm.s32 $0xFA70;
	s1 =	simm.s32 $0xE8B0;
	[sflag:s30] =	ssyncadd.s32 $0xFFFFF000  }
0x1d4: {  	[spmem:s3] =	stream.indirect.scatter.add.f32 [tilespmem:s1], [sflag:$0x7], $0x10, s13, s20, $0xb8;
	[tilespmem:$0xFB80] =	vst v63  }
0x1d5: {  	_ =	swait.ge [sflag:s30], $0x480  }
0x1d6: {  	[sflag:s30] =	ssyncset.done $0x0  }
0x1d7: {  	s25 =	simm.s32 $0x8CB0;
	[sflag:s30] =	ssyncadd.s32 $0xFFFFFB80  }
0x1d8: {  	[spmem:s31] =	stream.indirect.scatter.add.f32 [tilespmem:s25], [sflag:$0x7], $0x20, s13, s20, $0xb8;
	[tilespmem:$0xFB80] =	vst v63  }
0x1d9: {  	_ =	swait.ge [sflag:s30], $0x900  }
0x1da: {  	[sflag:s30] =	ssyncset.done $0x0  }
0x1db: {  	[sflag:s30] =	ssyncadd.s32 $0xFFFFF700  }
0x1dc: {  	[bflag:$0x0] =	sbarrier.arrive $0xFFFF  }
0x1dd: {  	s21 =	rddreg [dreg:$0x8]  }
0x1de: {  	s1 =	rddreg [dreg:$0x10]  }
0x1df: {  	s4 =	rddreg [dreg:$0x15]  }
0x1e0: {  	[hbm:s1], [sflag:s21] =	dma.local [spmem:s4], $0xA00  }
0x1e1: {  	_ =	swait.ge [sflag:s30], $0xA00  }
0x1e2: {  	[sflag:s30] =	ssyncset.done $0x0;
	s6 =	rddreg [dreg:$0x11]  }
0x1e3: {  	s16 =	rddreg [dreg:$0x16];
	[sflag:s30] =	ssyncadd.s32 $0xFFFFF600  }
0x1e4: {  	[hbm:s6], [sflag:s21] =	dma.local [spmem:s16], $0x500  }
0x1e5: {  	_ =	swait.ge [sflag:s30], $0x500  }
0x1e6: {  	s28 =	rddreg [dreg:$0x14]  }
0x1e7: {  	s31 =	rddreg [dreg:$0x12];
	s1 =	sadd.s32 $0x1, s28  }
0x1e8: {  	p1 =	sne.s32 s1, s31  }
.Ltmp4:
0x1e9: {  	_ = 	snop;
	(pc) =	sbr.rel @p1 .LBB2_1-.Ltmp4, $3  }
0x1ea: {  	_ =	sdelay $0x1  }
0x1eb: {  	[sflag:s30] =	ssyncset.done $0x0  }
0x1ec: {  	[sflag:s30] =	ssyncadd.s32 $0xFFFFFB00  }
0x1ed: {  	_ =	sfence.sel $0x180000  }
0x1ee: {  	[bflag:$0x0] =	sbarrier.arrive $0xFFFF  }
0x1ef: {  	_ =	strace $0x9000004A  }
0x1f0: {  	s0 =	stileid.u32;
	[bflag:$0x2] =	sbarrier.arrive $0xFFFF  }
0x1f1: {  	p0 =	sne.s32 s0, $0x0;
	s0 =	rddreg [dreg:$0x4]  }
0x1f2: {  	s0 =	sadd.s32 @!p0 $0x100000, s0  }
0x1f3: {  	[sflag:s0] =	ssyncadd.tile.s32 @!p0 $0x1;
	_ =	shalt  }
.Lfunc_end2:
_tile_overlayer_lowered:
.L_overlay_start_2:
0x1f4: {  	(tag) =	ssettag $0x2  }
0x1f5: {  	s0 =	rddreg [dreg:$0x0];
	s2 =	stileid.u32  }
0x1f6: {  	s1 =	rddreg [dreg:$0x1];
	p0 =	sne.s32 s2, $0x0  }
0x1f7: {  	s3 =	rddreg [dreg:$0x2];
	[bflag:$0x3] =	sbarrier.arrive $0xFFFF;
	s2 =	simm.s32 @!p0 $0x1C07  }
0x1f8: {  	[timem:s3], [sflag:s2] =	dma.local @!p0 [hbm:s0], s1  }
0x1f9: {  	s0 =	simm.s32 @!p0 $0x7  }
0x1fa: {  	_ =	swait.ge @!p0 [sflag:s0], s1  }
0x1fb: {  	s1 =	ssub.s32 @!p0 $0x0, s1;
	[sflag:s0] =	ssyncset.done @!p0 $0x0  }
0x1fc: {  	[sflag:s0] =	ssyncadd.s32 @!p0 s1  }
0x1fd: {  	[bflag:$0x3] =	sbarrier.arrive $0xFFFF  }
0x1fe: {  	_ =	shalt  }

// kernel: kernel.7.cloned.1.call-start
scs
__scs_entry_jumppad:
0x0: {  	(pc) =	sbr.rel $0x88, $3  }
0x1: {  	(tag) =	ssettag $0x0;
	lr =	simm.s32 $0x1  }
0x2: {  	[smem:$0x3F95] =	sst lr;
	_ =	strace $0xD0000000  }
0x3: {  	_ = 	snop  }
0x4: {  	_ = 	snop  }
0x5: {  	_ = 	snop  }
0x6: {  	_ = 	snop  }
0x7: {  	_ = 	snop  }
__scs_overlays_trampoline_lowered:
0x8: {  	[smem:$0x3FA4] =	sst s0  }
0x9: {  	[smem:$0x3FA5] =	sst s1  }
0xa: {  	[smem:$0x3FA6] =	sst s2  }
0xb: {  	[smem:$0x3FA7] =	sst s3  }
0xc: {  	[smem:$0x3FA8] =	sst s4  }
0xd: {  	[smem:$0x3FA9] =	sst s5  }
0xe: {  	[smem:$0x3FAA] =	sst s6  }
0xf: {  	[smem:$0x3FAB] =	sst s7  }
0x10: {  	[smem:$0x3FAC] =	sst s8  }
0x11: {  	[smem:$0x3FAD] =	sst s9;
	s0 =	simm.s32 @!p0 $0x0  }
0x12: {  	s1 =	sld [smem:$0x3F93];
	s0 =	simm.s32 @p0 $0x1  }
0x13: {  	[smem:$0x3FAE] =	sst s0;
	s0 =	simm.s32 @!p1 $0x0  }
0x14: {  	s2 =	sld [smem:$0x3F92];
	s0 =	simm.s32 @p1 $0x1  }
0x15: {  	[smem:$0x3FAF] =	sst s0;
	s0 =	simm.s32 @!p2 $0x0  }
0x16: {  	s3 =	sld [smem:$0x3FDB];
	s0 =	simm.s32 @p2 $0x1  }
0x17: {  	s4 =	simm.s32 $0x1BF5;
	[smem:$0x3FB1] =	sst s0  }
0x18: {  	s0 =	sld [smem:$0x3F94];
	_ =	swait.ge [sflag:s4], $0x0  }
0x19: {  	s7 =	sld [smem:$0x3F95]  }
0x1a: {  	s8 =	sadd.s32 $0xFFFFE003, lr  }
0x1b: {  	s9 =	sadd.s32 $0xFFFFFEF7, lr;
	s5 =	simm.s32 $0xFFFFFFFF;
	p2 =	slt.u32 s8, $0xFFFFF086  }
0x1c: {  	p1 =	slt.u32 s9, $0xF7A;
	s5 =	simm.s32 @!p2 $0x0  }
0x1d: {  	s5 =	simm.s32 @p1 $0x1;
	p0 =	seq.s32 s7, s2  }
0x1e: {  	s7 =	smul.u32 @!p0 $0xF7A, s2;
	p2 =	seq.s32 @!p0 s5, $0x0  }
0x1f: {  	s9 =	smul.u32 $0xF7A, s1;
	s8 =	simm.s32 @!p0 $0x1BF5;
	p2 =	por !p2, p0  }
0x20: {  	[sflag:s8] =	ssyncset.s32 @!p0 $0xFFFFF086;
	s6 =	sadd.s32 @!p0 s3, s7;
	s7 =	simm.s32 @!p0 $0x108  }
0x21: {  	s3 =	sadd.s32 s3, s9;
	s6 =	sadd.s32 @!p0 $0x88, s6;
	s7 =	simm.s32 @p2 $0x1082  }
0x22: {  	[simem:s7], [sflag:s8] =	dma.local @!p0 [hbm:s6], $0xF7A  }
0x23: {  	s9 =	sor.u32 $0xD0000000, s2;
	s6 =	simm.s32 $0x108;
	_ =	swait.ge @!p0 [sflag:s8], $0x0  }
0x24: {  	s3 =	sadd.s32 $0x88, s3;
	s6 =	simm.s32 @!p1 $0x1082;
	[sflag:s4] =	ssyncset.s32 $0xFFFFF086  }
0x25: {  	[simem:s6], [sflag:s4] =	dma.local [hbm:s3], $0xF7A  }
0x26: {  	[smem:$0x3F95] =	sst s1;
	(tag) =	ssettag s2;
	_ =	strace s9  }
0x27: {  	s1 =	sld [smem:$0x3FA5]  }
0x28: {  	s2 =	sld [smem:$0x3FA6]  }
0x29: {  	s4 =	sld [smem:$0x3FA8]  }
0x2a: {  	p0 =	seq.s32 s5, $0x0;
	s5 =	sld [smem:$0x3FA9]  }
0x2b: {  	s6 =	sld [smem:$0x3FAA]  }
0x2c: {  	s7 =	sld [smem:$0x3FAB]  }
0x2d: {  	s3 =	simm.s32 $0x108;
	s8 =	sld [smem:$0x3FAC]  }
0x2e: {  	s3 =	simm.s32 @!p0 $0x1082;
	s9 =	sld [smem:$0x3FAD]  }
0x2f: {  	lr =	sadd.s32 s0, s3;
	s0 =	sld [smem:$0x3FA4]  }
0x30: {  	s3 =	sld [smem:$0x3FA7]  }
0x31: {  	[smem:$0x3FB0] =	sst s10  }
0x32: {  	s10 =	sld [smem:$0x3FAE];
	_ =	sdelay $0x3  }
0x33: {  	p0 =	seq.s32 s10, $0x1;
	s10 =	sld [smem:$0x3FB0];
	_ =	sdelay $0x3  }
0x34: {  	[smem:$0x3FB0] =	sst s10  }
0x35: {  	s10 =	sld [smem:$0x3FAF];
	_ =	sdelay $0x3  }
0x36: {  	p1 =	seq.s32 s10, $0x1;
	s10 =	sld [smem:$0x3FB0];
	_ =	sdelay $0x3  }
0x37: {  	[smem:$0x3FB0] =	sst s10  }
0x38: {  	s10 =	sld [smem:$0x3FB1]  }
0x39: {  	_ = 	snop;
	(pc) =	sbr.ind lr, $3  }
0x3a: {  	_ = 	snop  }
0x3b: {  	_ = 	snop  }
0x3c: {  	p2 =	seq.s32 s10, $0x1;
	s10 =	sld [smem:$0x3FB0]  }
0x3d: {  	_ =	shalt  }
0x3e: {  	_ =	shalt  }
0x3f: {  	_ =	shalt  }
0x40: {  	_ =	shalt  }
0x41: {  	_ =	shalt  }
0x42: {  	_ =	shalt  }
0x43: {  	_ =	shalt  }
0x44: {  	_ =	shalt  }
0x45: {  	_ =	shalt  }
0x46: {  	_ =	shalt  }
0x47: {  	_ =	shalt  }
0x48: {  	_ =	shalt  }
0x49: {  	_ =	shalt  }
0x4a: {  	_ =	shalt  }
0x4b: {  	_ =	shalt  }
0x4c: {  	_ =	shalt  }
0x4d: {  	_ =	shalt  }
0x4e: {  	_ =	shalt  }
0x4f: {  	_ =	shalt  }
0x50: {  	_ =	shalt  }
0x51: {  	_ =	shalt  }
0x52: {  	_ =	shalt  }
0x53: {  	_ =	shalt  }
0x54: {  	_ =	shalt  }
0x55: {  	_ =	shalt  }
0x56: {  	_ =	shalt  }
0x57: {  	_ =	shalt  }
0x58: {  	_ =	shalt  }
0x59: {  	_ =	shalt  }
0x5a: {  	_ =	shalt  }
0x5b: {  	_ =	shalt  }
0x5c: {  	_ =	shalt  }
0x5d: {  	_ =	shalt  }
0x5e: {  	_ =	shalt  }
0x5f: {  	_ =	shalt  }
0x60: {  	_ =	shalt  }
0x61: {  	_ =	shalt  }
0x62: {  	_ =	shalt  }
0x63: {  	_ =	shalt  }
0x64: {  	_ =	shalt  }
0x65: {  	_ =	shalt  }
0x66: {  	_ =	shalt  }
0x67: {  	_ =	shalt  }
0x68: {  	_ =	shalt  }
0x69: {  	_ =	shalt  }
0x6a: {  	_ =	shalt  }
0x6b: {  	_ =	shalt  }
0x6c: {  	_ =	shalt  }
0x6d: {  	_ =	shalt  }
0x6e: {  	_ =	shalt  }
0x6f: {  	_ =	shalt  }
0x70: {  	_ =	shalt  }
0x71: {  	_ =	shalt  }
0x72: {  	_ =	shalt  }
0x73: {  	_ =	shalt  }
0x74: {  	_ =	shalt  }
0x75: {  	_ =	shalt  }
0x76: {  	_ =	shalt  }
0x77: {  	_ =	shalt  }
0x78: {  	_ =	shalt  }
0x79: {  	_ =	shalt  }
0x7a: {  	_ =	shalt  }
0x7b: {  	_ =	shalt  }
0x7c: {  	_ =	shalt  }
0x7d: {  	_ =	shalt  }
0x7e: {  	_ =	shalt  }
0x7f: {  	_ =	shalt  }
0x80: {  	_ =	shalt  }
0x81: {  	_ =	shalt  }
0x82: {  	_ =	shalt  }
0x83: {  	_ =	shalt  }
0x84: {  	_ =	shalt  }
0x85: {  	_ =	shalt  }
0x86: {  	_ =	shalt  }
0x87: {  	_ =	shalt  }
.Lfunc_end0:
.L_simem_size_0:
called_computation_lowered:
.L_overlay_start_0:
0x88: {  	s2 =	sld [smem:$0x3FD9]  }
0x89: {  	s3 =	sld [smem:$0x3FFE];
	_ =	sdelay $0x1  }
0x8a: {  	s1 =	srdreg.scid  }
0x8b: {  	s0 =	sand.u32 $0x1, s1  }
0x8c: {  	s17 =	sshll.u32 s0, $0xA;
	s2 =	sadd.s32 s3, s2  }
0x8d: {  	s2 =	sadd.s32 s2, s17  }
0x8e: {  	[smem:$0x3FBC] =	sst s2  }
0x8f: {  	_ = 	snop  }
0x90: {  	s2 =	sld [smem:$0x3FD0];
	(tm) =	ssettm $0x1  }
0x91: {  	s18 =	sld [smem:$0x3FFB];
	_ =	sdelay $0x3  }
0x92: {  	_ =	strace s18  }
0x93: {  	s3 =	sld [smem:$0x3FFC];
	_ =	sdelay $0x3  }
0x94: {  	_ =	strace s3  }
0x95: {  	s3 =	sld [smem:$0x3FFD];
	_ =	sdelay $0x3  }
0x96: {  	_ =	strace s3  }
0x97: {  	_ =	strace $0x8FFFFFFF  }
0x98: {  	s19 =	sld [smem:$0x3FDB];
	_ =	sdelay $0x1  }
0x99: {  	s4 =	simm.s32 $_scs_section_size  }
0x9a: {  	s5 =	simm.s32 $_size__tile_overlayer_lowered;
	s6 =	simm.s32 $_tile_overlayer_lowered  }
0x9b: {  	s22 =	simm.s32 $0x1BFF;
	s21 =	sshll.u32 s6, $0x1;
	s3 =	sadd.s32 s4, s19  }
0x9c: {  	s7 =	simm.s32 $0x0;
	s20 =	sshll.u32 s5, $0x1;
	s5 =	sadd.s32 s21, s3  }
0x9d: {  	[timem:s7], [sflag:s22] =	dma.local [hbm:s5], s20  }
0x9e: {  	_ =	swait.ge [sflag:s22], s20  }
0x9f: {  	s4 =	ssub.s32 $0x0, s20;
	[sflag:s22] =	ssyncset.done $0x0  }
0xa0: {  	[sflag:s22] =	ssyncadd.s32 s4;
	_ =	sdelay $0x1  }
0xa1: {  	s23 =	simm.s32 $0x1B8B  }
0xa2: {  	_ =	swait.ge [sflag:s23], $0x1  }
0xa3: {  	[sflag:s23] =	ssyncset.done $0x0  }
0xa4: {  	s25 =	simm.s32 $0x1B8E;
	s24 =	sld [smem:$0x3FFE];
	[sflag:s23] =	ssyncadd.s32 $0xFFFFFFFF  }
0xa5: {  	s26 =	simm.s32 $execute0_lowered;
	[smem:$0x3FD2] =	sst s25  }
0xa6: {  	s5 =	sshll.u32 s26, $0x1;
	_ =	strace $0x80000046;
	[dreg:$0x1] =	wrdreg $0xFFFFFFFF  }
0xa7: {  	s28 =	simm.s32 $_size_execute0_lowered;
	s3 =	sadd.s32 s3, s5;
	[dreg:$0x0] =	wrdreg $0x0  }
0xa8: {  	s5 =	sshll.u32 s28, $0x1;
	[dreg:$0x2] =	wrdreg s3  }
0xa9: {  	[dreg:$0x3] =	wrdreg s5  }
0xaa: {  	[dreg:$0x4] =	wrdreg $0xC0  }
0xab: {  	_ =	task [dreg:s7], $0x5FFFF  }
0xac: {  	[dreg:$0x1] =	wrdreg $0xFFFFFFFF  }
0xad: {  	[dreg:$0x0] =	wrdreg $0x60  }
0xae: {  	[dreg:$0x2] =	wrdreg s24  }
0xaf: {  	[dreg:$0x3] =	wrdreg s2  }
0xb0: {  	[dreg:$0x4] =	wrdreg $0x0  }
0xb1: {  	[dreg:$0x5] =	wrdreg $0x190000  }
0xb2: {  	[dreg:$0x6] =	wrdreg $0x9  }
0xb3: {  	_ =	task.clear_ibuf [dreg:s7], $0x7FFFF;
	_ =	strace $0x90000046  }
0xb4: {  	s29 =	simm.s32 $0x9;
	_ =	strace $0x80000048  }
0xb5: {  	_ =	swait.ge [sflag:s29], $0x1  }
0xb6: {  	[sflag:s29] =	ssyncadd.s32 $0xFFFFFFFF  }
0xb7: {  	_ =	strace $0x90000048  }
0xb8: {  	_ =	sfence  }
0xb9: {  	s30 =	sld [smem:$0x0];
	_ =	sdelay $0x2  }
0xba: {  	s31 =	sshll.u32 s1, $0xD;
	s1 =	sshrl.u32 s1, $0x2  }
0xbb: {  	s3 =	sand.u32 $0x4000, s31;
	s1 =	sadd.s32 s1, s30  }
0xbc: {  	s0 =	sor.u32 s3, s0;
	s1 =	sshll.u32 s1, $0x11  }
0xbd: {  	s0 =	sor.u32 s1, s0  }
0xbe: {  	s0 =	sadd.s32 $0x8F2B, s0  }
0xbf: {  	[sflag:s0] =	ssyncadd.remote.s32 $0x1  }
0xc0: {  	_ =	sfence.sel $0xFFFF  }
0xc1: {  	[dreg:$0x0] =	wrdreg $0xFFFFFFFF;
	(pc) =	sbr.abs _section_cstart, $3  }
0xc2: {  	[dreg:$0x1] =	wrdreg $0xFFFFFFFF  }
0xc3: {  	_ =	task.clear_ibuf [dreg:s7], $0x2FFFF;
	_ =	strace $0x9FFFFFFF  }
0xc4: {  	(tm) =	ssettm $0x7FFFFFFF  }
0xc5: {  	_ =	shalt  }
tec
execute0_lowered:
.L_overlay_start_1:
0x0: {  	(tag) =	ssettag $0x1  }
0x1: {  	s0 =	rddreg [dreg:$0x0]  }
0x2: {  	s16 =	rddreg [dreg:$0x2]  }
0x3: {  	s18 =	rddreg [dreg:$0x3]  }
0x4: {  	s5 =	simm.s32 $0x0;
	s17 =	stileid.u32;
	s28 =	simm.s32 $0x1B8A0  }
0x5: {  	s29 =	simm.s32 $0x1FA30;
	s30 =	simm.s32 $0x50;
	s31 =	simm.s32 $0x1B8F0  }
0x6: {  	[smem:$0x7FF] =	sst s5;
	s2 =	smul.u32 $0x280, s17;
	s6 =	sadd.s32 $0xDAA00, s0  }
0x7: {  	s1 =	srdreg.scid;
	s7 =	sadd.s32 $0x141600, s0;
	s8 =	sadd.s32 $0x146600, s0  }
0x8: {  	s1 =	sand.u32 $0x1, s1;
	s9 =	sadd.s32 $0x13C600, s0;
	s10 =	sadd.s32 $0x150400, s0  }
0x9: {  	s11 =	sadd.s32 $0xD0C00, s0;
	s19 =	sadd.s32 $0x15A800, s0;
	s21 =	smul.u32 $0x64000, s17  }
0xa: {  	s13 =	sadd.s32 $0xC6E00, s0;
	s4 =	sadd.s32 $0x15A200, s0;
	s15 =	smul.u32 $0xA000, s17  }
0xb: {  	s23 =	sshll.u32 s17, $0x6;
	_ =	strace $0x80000047;
	[dreg:$0x5] =	wrdreg s19  }
0xc: {  	s3 =	smul.u32 $0x2800, s1;
	[dreg:$0x6] =	wrdreg s4;
	s12 =	ssub.s32 $0x2, s1  }
0xd: {  	p0 =	seq.s32 s1, $0x0;
	s19 =	simm.s32 $0x0;
	s14 =	sshrl.u32 s12, $0x1  }
0xe: {  	s4 =	sshrl.u32 s21, $0x2;
	s24 =	sshrl.u32 s15, $0x2;
	s15 =	smul.u32 $0x2710, s17  }
0xf: {  	s17 =	smul.u32 $0x27100, s1;
	s1 =	simm.s32 $0x1;
	s2 =	sadd.s32 s2, s3  }
0x10: {  	s22 =	ssub.s32 s12, s14;
	s4 =	sadd.s32 s4, s16;
	s16 =	sor.u32 $0x1C04, s23  }
0x11: {  	s25 =	sadd.s32 s24, s18;
	s24 =	simm.s32 $0x2;
	s12 =	simm.s32 $0x3  }
0x12: {  	s14 =	simm.s32 $0x1F4F0;
	s20 =	smul.u32 $0x14, s2;
	s2 =	sshll.u32 s2, $0x1  }
0x13: {  	s26 =	smax.u32 s22, $0x1;
	s4 =	sshrl.u32 s4, $0x3;
	[dreg:$0x7] =	wrdreg s16  }
0x14: {  	s22 =	simm.s32 $0x4;
	s18 =	sshrl.u32 s25, $0x3;
	[dreg:$0xa] =	wrdreg s26  }
0x15: {  	s25 =	simm.s32 $0x1B800;
	[dreg:$0xb] =	wrdreg s4;
	s3 =	sadd.s32 s20, s0  }
0x16: {  	[dreg:$0xc] =	wrdreg s18;
	s0 =	sadd.s32 s2, s0;
	s3 =	sadd.s32 $0x15DA00, s3  }
0x17: {  	s26 =	simm.s32 $0x1B850;
	s0 =	sadd.s32 $0x1C1A00, s0;
	[dreg:$0x8] =	wrdreg s3  }
0x18: {  	[dreg:$0x9] =	wrdreg s0;
	s0 =	simm.s32 $0x1EAF0;
	s3 =	simm.s32 $0x1EFF0  }
.LBB2_1:
0x19: {  	[dreg:$0xd] =	wrdreg s19  }
0x1a: {  	s2 =	rddreg [dreg:$0x5]  }
0x1b: {  	[spmem:s4], [sflag:s16] =	dma.local [hbm:s2], $0x3200  }
0x1c: {  	_ =	swait.ge [sflag:s22], $0x3200  }
0x1d: {  	[sflag:s22] =	ssyncset.done $0x0  }
0x1e: {  	s20 =	rddreg [dreg:$0x6];
	[sflag:s22] =	ssyncadd.s32 $0xFFFFCE00  }
0x1f: {  	[spmem:s18], [sflag:s16] =	dma.local [hbm:s20], $0x500  }
0x20: {  	_ =	swait.ge [sflag:s22], $0x500  }
0x21: {  	[sflag:s22] =	ssyncset.done $0x0  }
0x22: {  	[sflag:s22] =	ssyncadd.s32 $0xFFFFFB00  }
0x23: {  	s23 =	simm.s32 $0x1F9F0;
	s21 =	rddreg [dreg:$0x1]  }
0x24: {  	[tilespmem:s23], [sflag:$0x4] =	stream.linear.gather [hbm4b:s21+s5], $0x40, $0x38;
	[tilespmem:$0x1FA80] =	vst v63  }
0x25: {  	_ =	swait.ge [sflag:s22], $0x40  }
0x26: {  	[sflag:s22] =	ssyncset.done $0x0  }
0x27: {  	[sflag:s22] =	ssyncadd.s32 $0xFFFFFFC0  }
0x28: {  	v0 =	vld [tilespmem:$0x1F9F0]  }
0x29: {  	v1 =	vld [tilespmem:$0x1FA10]  }
0x2a: {  	v2 =	vld [tilespmem:$0x1FA00]  }
0x2b: {  	v3 =	vld [tilespmem:$0x1FA20];
	_ =	sdelay $0x4  }
0x2c: {  	v0 =	vadd.f32 v1, v0;
	v1 =	vadd.f32 v3, v2;
	_ =	sdelay $0x1  }
0x2d: {  	v0 =	vpsel p0, v0, v1  }
0x2e: {  	v1 =	vmul.f32 $2.000000030e-01, v0  }
0x2f: {  	vm0 =	vgt.f32 v0, $0.0e+00  }
0x30: {  	v0 =	vsel vm0, v0, v1  }
0x31: {  	s19 =	simm.s32 $0x0;
	[bflag:$0x0] =	sbarrier.arrive $0xFFFF;
	v0 =	vmax.f32 v0, $0.0e+00  }
.LBB2_2:
0x32: {  	s2 =	smul.u32 $0x50, s19;
	_ =	sdelay $0x1  }
0x33: {  	s2 =	sadd.s32 s15, s2  }
0x34: {  	s4 =	sshrl.u32 s2, $0x3  }
0x35: {  	s16 =	sadd.s32 s7, s4  }
0x36: {  	[tilespmem:s25], [sflag:$0x4] =	stream.linear.gather [hbm4b:s16+s5], $0x50, $0x38;
	[tilespmem:$0x1FA80] =	vst v63  }
0x37: {  	s2 =	sadd.s32 s17, s2;
	_ =	swait.ge [sflag:s22], $0x50  }
0x38: {  	s2 =	sshrl.u32 s2, $0x3;
	[sflag:s22] =	ssyncset.done $0x0  }
0x39: {  	s23 =	sadd.s32 s8, s2;
	[sflag:s22] =	ssyncadd.s32 $0xFFFFFFB0  }
0x3a: {  	[tilespmem:s26], [sflag:$0x4] =	stream.linear.gather [hbm4b:s23+s5], $0x50, $0x38;
	[tilespmem:$0x1FA80] =	vst v63  }
0x3b: {  	_ =	swait.ge [sflag:s22], $0x50  }
0x3c: {  	[sflag:s22] =	ssyncset.done $0x0  }
0x3d: {  	s2 =	sadd.s32 s10, s2;
	[sflag:s22] =	ssyncadd.s32 $0xFFFFFFB0  }
0x3e: {  	[tilespmem:s28], [sflag:$0x4] =	stream.linear.gather [hbm4b:s2+s5], $0x50, $0x38;
	[tilespmem:$0x1FA80] =	vst v63  }
0x3f: {  	_ =	swait.ge [sflag:s22], $0x50  }
0x40: {  	[sflag:s22] =	ssyncset.done $0x0  }
0x41: {  	s16 =	sadd.s32 s9, s4;
	[sflag:s22] =	ssyncadd.s32 $0xFFFFFFB0  }
0x42: {  	[tilespmem:s29], [sflag:$0x4] =	stream.linear.gather [hbm4b:s16+s5], $0x50, $0x38;
	[tilespmem:$0x1FA80] =	vst v63  }
0x43: {  	_ =	swait.ge [sflag:s22], $0x50  }
0x44: {  	[sflag:s22] =	ssyncset.done $0x0  }
0x45: {  	[sflag:s22] =	ssyncadd.s32 $0xFFFFFFB0  }
0x46: {  	[tilespmem:s31], [sflag:$0x1] =	stream.indirect.gather [hbm4b:s6+s30], $0xA0, s26, s30, $0xb8;
	[tilespmem:$0x1FA80] =	vst v63  }
0x47: {  	_ = 	snop  }
0x48: {  	[tilespmem:s0], [sflag:$0x2] =	stream.indirect.gather [hbm4b:s11+s30], $0x10, s26, s30, $0xb8;
	[tilespmem:$0x1FA80] =	vst v63  }
0x49: {  	_ = 	snop  }
0x4a: {  	[tilespmem:s3], [sflag:$0x3] =	stream.indirect.gather [hbm4b:s13+s30], $0x10, s28, s30, $0xb8;
	[tilespmem:$0x1FA80] =	vst v63  }
0x4b: {  	_ =	swait.ge [sflag:s1], $0x3200  }
0x4c: {  	[sflag:s1] =	ssyncset.done $0x0  }
0x4d: {  	[sflag:s1] =	ssyncadd.s32 $0xFFFFCE00  }
0x4e: {  	_ =	swait.ge [sflag:s24], $0x500  }
0x4f: {  	[sflag:s24] =	ssyncset.done $0x0  }
0x50: {  	[sflag:s24] =	ssyncadd.s32 $0xFFFFFB00  }
0x51: {  	_ =	swait.ge [sflag:s12], $0x500  }
0x52: {  	[sflag:s12] =	ssyncset.done $0x0  }
0x53: {  	s21 =	simm.s32 $0x1F000;
	[sflag:s12] =	ssyncadd.s32 $0xFFFFFB00  }
0x54: {  	s18 =	simm.s32 $0x1EB00;
	v1 =	vld [tilespmem:s21+$0xFFFFFFF0]  }
0x55: {  	v2 =	vld [tilespmem:s18+$0xFFFFFFF0];
	_ =	sdelay $0x4  }
0x56: {  	v1 =	vadd.f32 v1, v2;
	_ =	sdelay $0x1  }
0x57: {  	v2 =	vmul.f32 $2.000000030e-01, v1  }
0x58: {  	vm0 =	vgt.f32 v1, $0.0e+00  }
0x59: {  	v1 =	vsel vm0, v1, v2  }
0x5a: {  	v1 =	vsub.f32 v1, v0;
	_ =	sdelay $0x1  }
0x5b: {  	v1 =	vmul.f32 $1.442695020e+00, v1;
	_ =	sdelay $0x1  }
0x5c: {  	(erf) = vpow2.f32 v1;
	_ =	sdelay $0x8  }
0x5d: {  	s23 =	simm.s32 $0x1F500;
	v1 =	vpop (erf)  }
0x5e: {  	s20 =	simm.s32 $0x1B990;
	[tilespmem:s23+$0xFFFFFFF0] =	vst v1  }
0x5f: {  	v2 =	vld [tilespmem:s20+$0xFFFFFF60]  }
0x60: {  	v3 =	vld [tilespmem:s20+$0xFFFFFF70]  }
0x61: {  	v4 =	vld [tilespmem:s20+$0xFFFFFF80]  }
0x62: {  	v5 =	vbroadcast v1, $0x0;
	v6 =	vld [tilespmem:s20+$0xFFFFFF90]  }
0x63: {  	v7 =	vld [tilespmem:s20+$0xFFFFFFA0]  }
0x64: {  	v8 =	vbroadcast v1, $0x1;
	v9 =	vld [tilespmem:s20+$0xFFFFFFB0];
	v2 =	vmul.f32 v5, v2  }
0x65: {  	v59 =	vld [tilespmem:s20+$0xFFFFFFC0];
	v3 =	vmul.f32 v5, v3  }
0x66: {  	v60 =	vbroadcast v1, $0x2;
	v10 =	vld [tilespmem:s20+$0xFFFFFFF0];
	[tilespmem:s20+$0xFFFFFF60] =	vst v2;
	v2 =	vmul.f32 v8, v4  }
0x67: {  	v61 =	vld [tilespmem:s20+$0xFFFFFFE0];
	[tilespmem:s20+$0xFFFFFF70] =	vst v3;
	v3 =	vmul.f32 v6, v8  }
0x68: {  	v62 =	vbroadcast v1, $0x3;
	v63 =	vld [tilespmem:s20+$0xFFFFFFD0];
	[tilespmem:s20+$0xFFFFFF80] =	vst v2;
	v2 =	vmul.f32 v7, v60  }
0x69: {  	v1 =	vbroadcast v1, $0x4;
	[tilespmem:s20+$0xFFFFFF90] =	vst v3;
	v3 =	vmul.f32 v9, v60  }
0x6a: {  	[tilespmem:s20+$0xFFFFFFA0] =	vst v2;
	v2 =	vmul.f32 v59, v62  }
0x6b: {  	[tilespmem:s20+$0xFFFFFFB0] =	vst v3;
	v3 =	vmul.f32 v10, v1  }
0x6c: {  	v1 =	vmul.f32 v61, v1;
	[tilespmem:s20+$0xFFFFFFC0] =	vst v2  }
0x6d: {  	v2 =	vmul.f32 v63, v62;
	[tilespmem:s20+$0xFFFFFFF0] =	vst v3  }
0x6e: {  	[tilespmem:s20+$0xFFFFFFE0] =	vst v1  }
0x6f: {  	[tilespmem:s20+$0xFFFFFFD0] =	vst v2  }
0x70: {  	v1 =	vld [tilespmem:s18+$0x0]  }
0x71: {  	v2 =	vld [tilespmem:s21+$0x0];
	_ =	sdelay $0x4  }
0x72: {  	v1 =	vadd.f32 v2, v1;
	_ =	sdelay $0x1  }
0x73: {  	v2 =	vmul.f32 $2.000000030e-01, v1  }
0x74: {  	vm15 =	vgt.f32 v1, $0.0e+00  }
0x75: {  	v1 =	vsel vm15, v1, v2  }
0x76: {  	v1 =	vsub.f32 v1, v0;
	_ =	sdelay $0x1  }
0x77: {  	v1 =	vmul.f32 $1.442695020e+00, v1;
	_ =	sdelay $0x1  }
0x78: {  	(erf) = vpow2.f32 v1;
	_ =	sdelay $0x2  }
0x79: {  	s4 =	simm.s32 $0x1BAD0  }
0x7a: {  	s2 =	simm.s32 $0x1F500;
	s16 =	simm.s32 $0x0;
	s18 =	simm.s32 $0x1EB20  }
.LBB2_3:
0x7b: {  	s16 =	sadd.s32 $0x2, s16;
	s23 =	sadd.s32 $0x20, s23;
	s21 =	sadd.s32 $0x20, s21  }
0x7c: {  	p1 =	slt.u32 s16, $0x4E;
	_ =	sdelay $0x2  }
0x7d: {  	v1 =	vpop (erf)  }
0x7e: {  	[tilespmem:s2+$0x0] =	vst v1;
	s2 =	smov.u32 s23  }
0x7f: {  	v2 =	vld [tilespmem:s20+$0x0]  }
0x80: {  	v3 =	vld [tilespmem:s20+$0x10]  }
0x81: {  	v4 =	vld [tilespmem:s20+$0x20]  }
0x82: {  	v5 =	vbroadcast v1, $0x0;
	v6 =	vld [tilespmem:s20+$0x30]  }
0x83: {  	v7 =	vld [tilespmem:s20+$0x40]  }
0x84: {  	v8 =	vbroadcast v1, $0x1;
	v2 =	vmul.f32 v5, v2;
	v9 =	vld [tilespmem:s20+$0x50]  }
0x85: {  	v3 =	vmul.f32 v5, v3;
	v5 =	vld [tilespmem:s20+$0x60]  }
0x86: {  	[tilespmem:s20+$0x0] =	vst v2;
	v2 =	vmul.f32 v8, v4;
	v4 =	vbroadcast v1, $0x2;
	v10 =	vld [tilespmem:s20+$0x70]  }
0x87: {  	[tilespmem:s20+$0x10] =	vst v3;
	v3 =	vmul.f32 v6, v8;
	v6 =	vld [tilespmem:s20+$0x80]  }
0x88: {  	[tilespmem:s20+$0x20] =	vst v2;
	v2 =	vmul.f32 v7, v4;
	v7 =	vbroadcast v1, $0x3;
	v8 =	vld [tilespmem:s20+$0x90]  }
0x89: {  	[tilespmem:s20+$0x30] =	vst v3;
	v3 =	vmul.f32 v9, v4  }
0x8a: {  	v1 =	vbroadcast v1, $0x4;
	[tilespmem:s20+$0x40] =	vst v2;
	v2 =	vmul.f32 v5, v7  }
0x8b: {  	[tilespmem:s20+$0x50] =	vst v3;
	v3 =	vmul.f32 v10, v7  }
0x8c: {  	[tilespmem:s20+$0x60] =	vst v2;
	v2 =	vmul.f32 v6, v1  }
0x8d: {  	[tilespmem:s20+$0x70] =	vst v3;
	v1 =	vmul.f32 v8, v1  }
0x8e: {  	[tilespmem:s20+$0x80] =	vst v2  }
0x8f: {  	[tilespmem:s20+$0x90] =	vst v1;
	s20 =	smov.u32 s4  }
0x90: {  	v1 =	vld [tilespmem:s21+$0xFFFFFFF0]  }
0x91: {  	v2 =	vld [tilespmem:s18+$0xFFFFFFF0];
	_ =	sdelay $0x4  }
0x92: {  	v1 =	vadd.f32 v1, v2;
	_ =	sdelay $0x1  }
0x93: {  	v2 =	vmul.f32 $2.000000030e-01, v1  }
0x94: {  	vm0 =	vgt.f32 v1, $0.0e+00  }
0x95: {  	v1 =	vsel vm0, v1, v2  }
0x96: {  	v1 =	vsub.f32 v1, v0;
	_ =	sdelay $0x1  }
0x97: {  	v1 =	vmul.f32 $1.442695020e+00, v1;
	_ =	sdelay $0x1  }
0x98: {  	(erf) = vpow2.f32 v1;
	_ =	sdelay $0x8  }
0x99: {  	v1 =	vpop (erf)  }
0x9a: {  	[tilespmem:s23+$0xFFFFFFF0] =	vst v1  }
0x9b: {  	v2 =	vld [tilespmem:s4+$0xFFFFFF60]  }
0x9c: {  	v3 =	vld [tilespmem:s4+$0xFFFFFF70]  }
0x9d: {  	v4 =	vld [tilespmem:s4+$0xFFFFFF80]  }
0x9e: {  	v5 =	vbroadcast v1, $0x0;
	v7 =	vbroadcast v1, $0x3;
	v6 =	vld [tilespmem:s4+$0xFFFFFF90]  }
0x9f: {  	v8 =	vld [tilespmem:s4+$0xFFFFFFA0]  }
0xa0: {  	v9 =	vbroadcast v1, $0x1;
	v2 =	vmul.f32 v5, v2;
	v10 =	vld [tilespmem:s4+$0xFFFFFFB0]  }
0xa1: {  	v3 =	vmul.f32 v5, v3;
	v5 =	vld [tilespmem:s4+$0xFFFFFFC0]  }
0xa2: {  	[tilespmem:s4+$0xFFFFFF60] =	vst v2;
	v2 =	vmul.f32 v9, v4;
	v4 =	vbroadcast v1, $0x2;
	v11 =	vld [tilespmem:s4+$0xFFFFFFF0]  }
0xa3: {  	[tilespmem:s4+$0xFFFFFF70] =	vst v3;
	v3 =	vmul.f32 v6, v9;
	v6 =	vld [tilespmem:s4+$0xFFFFFFE0]  }
0xa4: {  	[tilespmem:s4+$0xFFFFFF80] =	vst v2;
	v2 =	vmul.f32 v8, v4;
	v8 =	vld [tilespmem:s4+$0xFFFFFFD0]  }
0xa5: {  	v1 =	vbroadcast v1, $0x4;
	[tilespmem:s4+$0xFFFFFF90] =	vst v3;
	v3 =	vmul.f32 v10, v4  }
0xa6: {  	[tilespmem:s4+$0xFFFFFFA0] =	vst v2;
	v2 =	vmul.f32 v5, v7  }
0xa7: {  	[tilespmem:s4+$0xFFFFFFB0] =	vst v3;
	v3 =	vmul.f32 v11, v1  }
0xa8: {  	[tilespmem:s4+$0xFFFFFFC0] =	vst v2;
	v1 =	vmul.f32 v6, v1  }
0xa9: {  	v2 =	vmul.f32 v8, v7;
	[tilespmem:s4+$0xFFFFFFF0] =	vst v3  }
0xaa: {  	[tilespmem:s4+$0xFFFFFFE0] =	vst v1  }
0xab: {  	[tilespmem:s4+$0xFFFFFFD0] =	vst v2  }
0xac: {  	v1 =	vld [tilespmem:s18+$0x0]  }
0xad: {  	v2 =	vld [tilespmem:s21+$0x0];
	_ =	sdelay $0x4  }
0xae: {  	v1 =	vadd.f32 v2, v1;
	_ =	sdelay $0x1  }
0xaf: {  	v2 =	vmul.f32 $2.000000030e-01, v1  }
0xb0: {  	vm0 =	vgt.f32 v1, $0.0e+00  }
0xb1: {  	v1 =	vsel vm0, v1, v2  }
0xb2: {  	v1 =	vsub.f32 v1, v0;
	_ =	sdelay $0x1  }
0xb3: {  	v1 =	vmul.f32 $1.442695020e+00, v1;
	_ =	sdelay $0x1  }
.Ltmp0:
0xb4: {  	(erf) = vpow2.f32 v1;
	(pc) =	sbr.rel @p1 .LBB2_3-.Ltmp0, $2  }
0xb5: {  	_ =	sdelay $0x2  }
0xb6: {  	s4 =	sadd.s32 $0x140, s4;
	s18 =	sadd.s32 $0x20, s18  }
0xb7: {  	_ =	sdelay $0x3  }
0xb8: {  	v1 =	vpop (erf)  }
0xb9: {  	[tilespmem:s2+$0x0] =	vst v1  }
0xba: {  	v2 =	vld [tilespmem:s20+$0x0]  }
0xbb: {  	v3 =	vld [tilespmem:s20+$0x10]  }
0xbc: {  	v4 =	vld [tilespmem:s20+$0x20]  }
0xbd: {  	v5 =	vbroadcast v1, $0x0;
	v6 =	vld [tilespmem:s20+$0x30]  }
0xbe: {  	v7 =	vld [tilespmem:s20+$0x40]  }
0xbf: {  	v8 =	vbroadcast v1, $0x1;
	v9 =	vld [tilespmem:s20+$0x50];
	v2 =	vmul.f32 v5, v2  }
0xc0: {  	v59 =	vld [tilespmem:s20+$0x60];
	v3 =	vmul.f32 v5, v3  }
0xc1: {  	v60 =	vbroadcast v1, $0x2;
	v10 =	vld [tilespmem:s20+$0x70];
	[tilespmem:s20+$0x0] =	vst v2;
	v2 =	vmul.f32 v8, v4  }
0xc2: {  	v61 =	vld [tilespmem:s20+$0x80];
	[tilespmem:s20+$0x10] =	vst v3;
	v3 =	vmul.f32 v6, v8  }
0xc3: {  	v62 =	vbroadcast v1, $0x3;
	v63 =	vld [tilespmem:s20+$0x90];
	[tilespmem:s20+$0x20] =	vst v2;
	v2 =	vmul.f32 v7, v60  }
0xc4: {  	[tilespmem:s20+$0x30] =	vst v3;
	v3 =	vmul.f32 v9, v60  }
0xc5: {  	v1 =	vbroadcast v1, $0x4;
	[tilespmem:s20+$0x40] =	vst v2;
	v2 =	vmul.f32 v59, v62  }
0xc6: {  	[tilespmem:s20+$0x50] =	vst v3;
	v3 =	vmul.f32 v10, v62  }
0xc7: {  	[tilespmem:s20+$0x60] =	vst v2;
	v2 =	vmul.f32 v61, v1  }
0xc8: {  	[tilespmem:s20+$0x70] =	vst v3;
	v1 =	vmul.f32 v63, v1  }
0xc9: {  	[tilespmem:s20+$0x80] =	vst v2  }
0xca: {  	s21 =	rddreg [dreg:$0x3];
	[tilespmem:s20+$0x90] =	vst v1  }
0xcb: {  	[spmem:s21] =	stream.indirect.scatter.add.f32 [tilespmem:s14], [sflag:$0x4], $0x10, s29, s30, $0xb8;
	[tilespmem:$0x1FA80] =	vst v63  }
0xcc: {  	_ =	swait.ge [sflag:s22], $0x500  }
0xcd: {  	s19 =	sadd.s32 $0x1, s19;
	[sflag:s22] =	ssyncset.done $0x0  }
0xce: {  	p1 =	sne.s32 s19, $0x7D;
	[sflag:s22] =	ssyncadd.s32 $0xFFFFFB00  }
.Ltmp1:
0xcf: {  	s23 =	rddreg [dreg:$0x2];
	(pc) =	sbr.rel @p1 .LBB2_2-.Ltmp1, $4  }
0xd0: {  	[spmem:s23] =	stream.indirect.scatter.add.f32 [tilespmem:s31], [sflag:$0x4], $0xA0, s29, s30, $0xb8;
	[tilespmem:$0x1FA80] =	vst v63  }
0xd1: {  	_ =	swait.ge [sflag:s22], $0x3200  }
0xd2: {  	[sflag:s22] =	ssyncset.done $0x0  }
0xd3: {  	[sflag:s22] =	ssyncadd.s32 $0xFFFFCE00  }
0xd4: {  	[bflag:$0x0] =	sbarrier.arrive $0xFFFF  }
0xd5: {  	s16 =	rddreg [dreg:$0x7]  }
0xd6: {  	s2 =	rddreg [dreg:$0x8]  }
0xd7: {  	s4 =	rddreg [dreg:$0xb]  }
0xd8: {  	[hbm:s2], [sflag:s16] =	dma.local [spmem:s4], $0x3200  }
0xd9: {  	_ =	swait.ge [sflag:s22], $0x3200  }
0xda: {  	[sflag:s22] =	ssyncset.done $0x0;
	s21 =	rddreg [dreg:$0x9]  }
0xdb: {  	s18 =	rddreg [dreg:$0xc];
	[sflag:s22] =	ssyncadd.s32 $0xFFFFCE00  }
0xdc: {  	[hbm:s21], [sflag:s16] =	dma.local [spmem:s18], $0x500  }
0xdd: {  	_ =	swait.ge [sflag:s22], $0x500  }
0xde: {  	s19 =	rddreg [dreg:$0xd]  }
0xdf: {  	s23 =	rddreg [dreg:$0xa];
	s19 =	sadd.s32 $0x1, s19  }
0xe0: {  	p1 =	sne.s32 s19, s23  }
.Ltmp2:
0xe1: {  	_ = 	snop;
	(pc) =	sbr.rel @p1 .LBB2_1-.Ltmp2, $3  }
0xe2: {  	_ =	sdelay $0x1  }
0xe3: {  	[sflag:s22] =	ssyncset.done $0x0  }
0xe4: {  	[sflag:s22] =	ssyncadd.s32 $0xFFFFFB00  }
0xe5: {  	_ =	sfence.sel $0x180000  }
0xe6: {  	[bflag:$0x0] =	sbarrier.arrive $0xFFFF  }
0xe7: {  	_ =	strace $0x90000047  }
0xe8: {  	s0 =	stileid.u32;
	[bflag:$0x2] =	sbarrier.arrive $0xFFFF  }
0xe9: {  	p0 =	sne.s32 s0, $0x0;
	s0 =	rddreg [dreg:$0x4]  }
0xea: {  	s0 =	sadd.s32 @!p0 $0x100000, s0  }
0xeb: {  	[sflag:s0] =	ssyncadd.tile.s32 @!p0 $0x1;
	_ =	shalt  }
.Lfunc_end2:
_tile_overlayer_lowered:
.L_overlay_start_2:
0xec: {  	(tag) =	ssettag $0x2  }
0xed: {  	s0 =	rddreg [dreg:$0x0];
	s2 =	stileid.u32  }
0xee: {  	s1 =	rddreg [dreg:$0x1];
	p0 =	sne.s32 s2, $0x0  }
0xef: {  	s3 =	rddreg [dreg:$0x2];
	[bflag:$0x3] =	sbarrier.arrive $0xFFFF;
	s2 =	simm.s32 @!p0 $0x1C04  }
0xf0: {  	[timem:s3], [sflag:s2] =	dma.local @!p0 [hbm:s0], s1  }
0xf1: {  	s0 =	simm.s32 @!p0 $0x4  }
0xf2: {  	_ =	swait.ge @!p0 [sflag:s0], s1  }
0xf3: {  	s1 =	ssub.s32 @!p0 $0x0, s1;
	[sflag:s0] =	ssyncset.done @!p0 $0x0  }
0xf4: {  	[sflag:s0] =	ssyncadd.s32 @!p0 s1  }
0xf5: {  	[bflag:$0x3] =	sbarrier.arrive $0xFFFF  }
0xf6: {  	_ =	shalt  }

</sc_bundles>
